<compile_context>
chip_gen: v7x
topology: tpu7x:2x2x1
jax: 0.10.2.dev20260603
libtpu: 0.0.44.dev20260713+nightly
codegen_flags: <defaults>
</compile_context>

<pallas_src>
import functools

import jax
import jax.numpy as jnp
from jax import lax
from jax.experimental import pallas as pl
from jax.experimental.pallas import tpu as pltpu
from jax.experimental.pallas import tpu_sc as plsc

WORD_DIM = 128
POS_DIM = 16
OUT_DIM = WORD_DIM + 3 * POS_DIM
NUM_CORES = 2
NUM_SUBCORES = 16
NUM_WORKERS = NUM_CORES * NUM_SUBCORES
BB = 128
NBUF = 2

_DIMS = (WORD_DIM, POS_DIM, POS_DIM, POS_DIM)


def _build(B: int, L: int):
    n_bt = B // BB
    n_units = L * n_bt
    units_per_w = n_units // NUM_WORKERS
    DT = OUT_DIM // 8
    WT = WORD_DIM // 8
    mesh = plsc.VectorSubcoreMesh(
        core_axis_name="c", subcore_axis_name="s",
        num_cores=NUM_CORES, num_subcores=NUM_SUBCORES)

    BBP = BB + 8
    NI = 4
    scratch = (
        [pltpu.VMEM((BB,), jnp.int32) for _ in range(4 * NI)]
        + [pltpu.VMEM((BB, d), jnp.float32) for _ in range(NBUF) for d in _DIMS]
        + [pltpu.VMEM((DT, 8, BBP), jnp.float32) for _ in range(NBUF)]
        + [pltpu.SemaphoreType.DMA for _ in range(NI + 2 * NBUF)]
    )

    @functools.partial(
        pl.kernel,
        mesh=mesh,
        compiler_params=pltpu.CompilerParams(use_tc_tiling_on_sc=False,
                                             needs_layout_passes=False),
        out_type=jax.ShapeDtypeStruct((L, DT, n_bt, 8, BB), jnp.float32),
        scratch_types=scratch,
    )
    def fused_embed(word_h, p0_h, p1_h, p2_h, wt_h, t0_h, t1_h, t2_h,
                    out_h, *scr):
        idx_bufs = [scr[4 * q:4 * q + 4] for q in range(NI)]
        o = 4 * NI
        row_bufs = [scr[o + 4 * k:o + 4 * k + 4] for k in range(NBUF)]
        o += 4 * NBUF
        tbufs = scr[o:o + NBUF]
        o += NBUF
        sem_i = scr[o:o + NI]
        sem_g = scr[o + NI:o + NI + NBUF]
        sem_o = scr[o + NI + NBUF:o + NI + 2 * NBUF]
        srcs = (word_h, p0_h, p1_h, p2_h)
        tabs = (wt_h, t0_h, t1_h, t2_h)

        wid = lax.axis_index("s") * NUM_CORES + lax.axis_index("c")
        u0 = wid * units_per_w
        iota = lax.iota(jnp.int32, 16)
        dvecs = [j * 16 + iota for j in range(OUT_DIM // 16)]
        i0s = [d // 8 for d in dvecs]
        i1s = [d % 8 for d in dvecs]

        def idx_issue(u, q):
            base = jnp.minimum(u, u0 + units_per_w - 1) * BB
            for s, d in zip(srcs, idx_bufs[q]):
                pltpu.async_copy(s.at[pl.ds(base, BB)], d, sem_i[q])

        def idx_wait(q):
            for s, d in zip(srcs, idx_bufs[q]):
                pltpu.make_async_copy(s.at[pl.ds(0, BB)], d, sem_i[q]).wait()

        def gather_issue(k, q):
            for tab, iv, b in zip(tabs, idx_bufs[q], row_bufs[k]):
                pltpu.async_copy(tab.at[iv], b, sem_g[k])

        def gather_wait(k, q):
            for tab, iv, b in zip(tabs, idx_bufs[q], row_bufs[k]):
                pltpu.make_async_copy(tab.at[iv], b, sem_g[k]).wait()

        def write_issue(u, k):
            l, bt = u // n_bt, u % n_bt
            pltpu.async_copy(tbufs[k].at[:, :, pl.ds(0, BB)], out_h.at[l, :, bt],
                             sem_o[k])

        def write_wait(k):
            pltpu.make_async_copy(tbufs[k].at[:, :, pl.ds(0, BB)],
                                  out_h.at[0, :, 0], sem_o[k]).wait()

        def transpose_unit(k, q):
            bw, b0, b1, b2 = row_bufs[k]
            tb = tbufs[k]
            nw = WORD_DIM // 16

            def t_body(th, carry):
                for dt in range(2):
                    t = th * 2 + dt
                    tvec = jnp.full((16,), t, jnp.int32)
                    for j in range(nw):
                        vals = bw[t, pl.ds(j * 16, 16)]
                        plsc.store_scatter(tb, [i0s[j], i1s[j], tvec], vals)
                    for pi, bp in enumerate((b0, b1, b2)):
                        j = nw + pi
                        vals = bp[t, pl.ds(0, POS_DIM)]
                        plsc.store_scatter(tb, [i0s[j], i1s[j], tvec], vals)
                return carry

            lax.fori_loop(0, BB // 2, t_body, 0)

        for q in range(NI):
            idx_issue(u0 + q, q)
        for u in range(NBUF):
            idx_wait(u)
            gather_issue(u, u)

        def body(t, carry):
            u_base = u0 + t * NI
            for j in range(NI):
                u = u_base + j
                k = j % NBUF
                gather_wait(k, j)
                if j >= NBUF:
                    write_wait(k)
                else:
                    @pl.when(t > 0)
                    def _(k=k):
                        write_wait(k)
                idx_issue(u + NI, j)
                transpose_unit(k, j)
                write_issue(u, k)
                idx_wait((j + NBUF) % NI)
                gather_issue(k, (j + NBUF) % NI)
            return carry

        lax.fori_loop(0, units_per_w // NI, body, 0)
        for q in range(NBUF):
            idx_wait((q + NBUF) % NI)
            gather_wait(q, q)
            write_wait(q)

    return fused_embed


def kernel(word, pos0, pos1, pos2, word_table, pos0_table, pos1_table, pos2_table):
    B, L = word.shape
    fused = _build(B, L)
    X = fused(word.T.reshape(B * L), pos0.T.reshape(B * L),
              pos1.T.reshape(B * L), pos2.T.reshape(B * L),
              word_table, pos0_table, pos1_table, pos2_table)
    return X.transpose(2, 4, 0, 1, 3).reshape(B, L, OUT_DIM)

# --- scband reference (transcript-rebuilt; emitter-appended) ---
"""Pipeline reference for scband-embedding-45329084842549 (READ-ONLY COPY).

The authoritative reference and input builder live on the scoring server;
editing this copy changes nothing except your own understanding.
"""

import jax, jax.numpy as jnp
import numpy as np

VOCAB = 100000
WORD_DIM = 128
MAX_SEN = 200
POS_DIM = 16
REL_POS = 400
B, L = 4096, 200


def _xavier_uniform(key, shape):
    fan_in, fan_out = shape[0], shape[1]
    bound = float(np.sqrt(6.0 / (fan_in + fan_out)))
    return jax.random.uniform(key, shape, minval=-bound, maxval=bound, dtype=jnp.float32)


def setup_inputs(seed: int = 0) -> dict:
    key = jax.random.key(seed)
    k0, k1, k2, k3, k4, k5, k6, k7 = jax.random.split(key, 8)
    word = jax.random.randint(k0, (B, L), 0, VOCAB, dtype=jnp.int32)
    pos0 = jax.random.randint(k1, (B, L), 0, MAX_SEN, dtype=jnp.int32)
    pos1 = jax.random.randint(k2, (B, L), 0, REL_POS, dtype=jnp.int32)
    pos2 = jax.random.randint(k3, (B, L), 0, REL_POS, dtype=jnp.int32)
    word_table = jax.random.normal(k4, (VOCAB, WORD_DIM), dtype=jnp.float32) * 0.02
    pos0_table = _xavier_uniform(k5, (MAX_SEN, POS_DIM)).at[0].set(0.0)
    pos1_table = _xavier_uniform(k6, (REL_POS, POS_DIM)).at[0].set(0.0)
    pos2_table = _xavier_uniform(k7, (REL_POS, POS_DIM)).at[0].set(0.0)
    return {"word": word, "pos0": pos0, "pos1": pos1, "pos2": pos2,
            "word_table": word_table, "pos0_table": pos0_table,
            "pos1_table": pos1_table, "pos2_table": pos2_table}


def reference(word, pos0, pos1, pos2, word_table, pos0_table, pos1_table, pos2_table):
    w = jnp.take(word_table, word, axis=0)
    p0 = jnp.take(pos0_table, pos0, axis=0)
    p1 = jnp.take(pos1_table, pos1, axis=0)
    p2 = jnp.take(pos2_table, pos2, axis=0)
    embedding = jnp.concatenate((w, p0, p1, p2), axis=2)
    return embedding

if __name__ == "__main__":
    import jax
    _d = setup_inputs()
    print(jax.jit(kernel)(*tuple(_d.values())))

</pallas_src>

<mosaic_0001>
#map = affine_map<(d0, d1) -> (0)>
#map1 = affine_map<(d0, d1) -> (0, 0)>
#map2 = affine_map<(d0, d1) -> (0, 0, 0, 0, 0)>
module attributes {stable_mosaic.version = 14 : i64} {
  func.func @fused_embed(%arg0: i32, %arg1: i32, %arg2: memref<819200xi32, #tpu.memory_space<hbm>>, %arg3: memref<819200xi32, #tpu.memory_space<hbm>>, %arg4: memref<819200xi32, #tpu.memory_space<hbm>>, %arg5: memref<819200xi32, #tpu.memory_space<hbm>>, %arg6: memref<100000x128xf32, #tpu.memory_space<hbm>>, %arg7: memref<200x16xf32, #tpu.memory_space<hbm>>, %arg8: memref<400x16xf32, #tpu.memory_space<hbm>>, %arg9: memref<400x16xf32, #tpu.memory_space<hbm>>, %arg10: memref<200x22x32x8x128xf32, #tpu.memory_space<hbm>>, %arg11: memref<128xi32, #tpu.memory_space<vmem>>, %arg12: memref<128xi32, #tpu.memory_space<vmem>>, %arg13: memref<128xi32, #tpu.memory_space<vmem>>, %arg14: memref<128xi32, #tpu.memory_space<vmem>>, %arg15: memref<128xi32, #tpu.memory_space<vmem>>, %arg16: memref<128xi32, #tpu.memory_space<vmem>>, %arg17: memref<128xi32, #tpu.memory_space<vmem>>, %arg18: memref<128xi32, #tpu.memory_space<vmem>>, %arg19: memref<128xi32, #tpu.memory_space<vmem>>, %arg20: memref<128xi32, #tpu.memory_space<vmem>>, %arg21: memref<128xi32, #tpu.memory_space<vmem>>, %arg22: memref<128xi32, #tpu.memory_space<vmem>>, %arg23: memref<128xi32, #tpu.memory_space<vmem>>, %arg24: memref<128xi32, #tpu.memory_space<vmem>>, %arg25: memref<128xi32, #tpu.memory_space<vmem>>, %arg26: memref<128xi32, #tpu.memory_space<vmem>>, %arg27: memref<128x128xf32, #tpu.memory_space<vmem>>, %arg28: memref<128x16xf32, #tpu.memory_space<vmem>>, %arg29: memref<128x16xf32, #tpu.memory_space<vmem>>, %arg30: memref<128x16xf32, #tpu.memory_space<vmem>>, %arg31: memref<128x128xf32, #tpu.memory_space<vmem>>, %arg32: memref<128x16xf32, #tpu.memory_space<vmem>>, %arg33: memref<128x16xf32, #tpu.memory_space<vmem>>, %arg34: memref<128x16xf32, #tpu.memory_space<vmem>>, %arg35: memref<22x8x136xf32, #tpu.memory_space<vmem>>, %arg36: memref<22x8x136xf32, #tpu.memory_space<vmem>>, %arg37: memref<!tpu.dma_semaphore, #tpu.memory_space<semaphore_mem>>, %arg38: memref<!tpu.dma_semaphore, #tpu.memory_space<semaphore_mem>>, %arg39: memref<!tpu.dma_semaphore, #tpu.memory_space<semaphore_mem>>, %arg40: memref<!tpu.dma_semaphore, #tpu.memory_space<semaphore_mem>>, %arg41: memref<!tpu.dma_semaphore, #tpu.memory_space<semaphore_mem>>, %arg42: memref<!tpu.dma_semaphore, #tpu.memory_space<semaphore_mem>>, %arg43: memref<!tpu.dma_semaphore, #tpu.memory_space<semaphore_mem>>, %arg44: memref<!tpu.dma_semaphore, #tpu.memory_space<semaphore_mem>>) attributes {dimension_semantics = [#tpu.dimension_semantics<core_parallel>, #tpu.dimension_semantics<subcore_parallel>], iteration_bounds = array<i64: 2, 16>, scalar_prefetch = 0 : i64, scratch_operands = 34 : i64, tpu.core_type = #tpu.core_type<sc_vector_subcore>, window_params = [{transform_indices = #map}, {transform_indices = #map}, {transform_indices = #map}, {transform_indices = #map}, {transform_indices = #map1}, {transform_indices = #map1}, {transform_indices = #map1}, {transform_indices = #map1}, {transform_indices = #map2}]} {
    %mul3A = arith.constant 2 : i32
    %mul3A_0 = arith.muli %arg1, %mul3A : i32
    %add3A = arith.addi %mul3A_0, %arg0 : i32
    %mul3A_1 = arith.constant 200 : i32
    %mul3A_2 = arith.muli %add3A, %mul3A_1 : i32
    %iota3A = tpu.iota {dimensions = array<i32: 0>} : vector<16xi32>
    %add3A_3 = arith.constant 0 : i32
    %add3A_4 = vector.broadcast %add3A_3 : i32 to vector<16xi32>
    %add3A_5 = arith.addi %add3A_4, %iota3A : vector<16xi32>
    %add3A_6 = arith.constant 16 : i32
    %add3A_7 = vector.broadcast %add3A_6 : i32 to vector<16xi32>
    %add3A_8 = arith.addi %add3A_7, %iota3A : vector<16xi32>
    %add3A_9 = arith.constant 32 : i32
    %add3A_10 = vector.broadcast %add3A_9 : i32 to vector<16xi32>
    %add3A_11 = arith.addi %add3A_10, %iota3A : vector<16xi32>
    %add3A_12 = arith.constant 48 : i32
    %add3A_13 = vector.broadcast %add3A_12 : i32 to vector<16xi32>
    %add3A_14 = arith.addi %add3A_13, %iota3A : vector<16xi32>
    %add3A_15 = arith.constant 64 : i32
    %add3A_16 = vector.broadcast %add3A_15 : i32 to vector<16xi32>
    %add3A_17 = arith.addi %add3A_16, %iota3A : vector<16xi32>
    %add3A_18 = arith.constant 80 : i32
    %add3A_19 = vector.broadcast %add3A_18 : i32 to vector<16xi32>
    %add3A_20 = arith.addi %add3A_19, %iota3A : vector<16xi32>
    %add3A_21 = arith.constant 96 : i32
    %add3A_22 = vector.broadcast %add3A_21 : i32 to vector<16xi32>
    %add3A_23 = arith.addi %add3A_22, %iota3A : vector<16xi32>
    %add3A_24 = arith.constant 112 : i32
    %add3A_25 = vector.broadcast %add3A_24 : i32 to vector<16xi32>
    %add3A_26 = arith.addi %add3A_25, %iota3A : vector<16xi32>
    %add3A_27 = arith.constant 128 : i32
    %add3A_28 = vector.broadcast %add3A_27 : i32 to vector<16xi32>
    %add3A_29 = arith.addi %add3A_28, %iota3A : vector<16xi32>
    %add3A_30 = arith.constant 144 : i32
    %add3A_31 = vector.broadcast %add3A_30 : i32 to vector<16xi32>
    %add3A_32 = arith.addi %add3A_31, %iota3A : vector<16xi32>
    %add3A_33 = arith.constant 160 : i32
    %add3A_34 = vector.broadcast %add3A_33 : i32 to vector<16xi32>
    %add3A_35 = arith.addi %add3A_34, %iota3A : vector<16xi32>
    %jit3A = arith.constant 8 : i32
    %div3A = vector.broadcast %jit3A : i32 to vector<16xi32>
    %div3A_36 = arith.divsi %add3A_5, %div3A : vector<16xi32>
    %sign3A = arith.constant 0 : i32
    %sign3A_37 = vector.broadcast %sign3A : i32 to vector<16xi32>
    %sign3A_38 = arith.cmpi sgt, %add3A_5, %sign3A_37 : vector<16xi32>
    %sign3A_39 = arith.extui %sign3A_38 : vector<16xi1> to vector<16xi32>
    %sign3A_40 = arith.constant 0 : i32
    %sign3A_41 = vector.broadcast %sign3A_40 : i32 to vector<16xi32>
    %sign3A_42 = arith.cmpi slt, %add3A_5, %sign3A_41 : vector<16xi32>
    %sign3A_43 = arith.extui %sign3A_42 : vector<16xi1> to vector<16xi32>
    %sign3A_44 = arith.subi %sign3A_39, %sign3A_43 : vector<16xi32>
    %sign3A_45 = arith.constant 0 : i32
    %sign3A_46 = arith.cmpi sgt, %jit3A, %sign3A_45 : i32
    %sign3A_47 = arith.extui %sign3A_46 : i1 to i32
    %sign3A_48 = arith.constant 0 : i32
    %sign3A_49 = arith.cmpi slt, %jit3A, %sign3A_48 : i32
    %sign3A_50 = arith.extui %sign3A_49 : i1 to i32
    %sign3A_51 = arith.subi %sign3A_47, %sign3A_50 : i32
    %ne3A = vector.broadcast %sign3A_51 : i32 to vector<16xi32>
    %ne3A_52 = arith.cmpi ne, %sign3A_44, %ne3A : vector<16xi32>
    %rem3A = vector.broadcast %jit3A : i32 to vector<16xi32>
    %rem3A_53 = arith.remsi %add3A_5, %rem3A : vector<16xi32>
    %ne3A_54 = arith.constant 0 : i32
    %ne3A_55 = vector.broadcast %ne3A_54 : i32 to vector<16xi32>
    %ne3A_56 = arith.cmpi ne, %rem3A_53, %ne3A_55 : vector<16xi32>
    %and3A = arith.andi %ne3A_52, %ne3A_56 : vector<16xi1>
    %sub3A = arith.constant 1 : i32
    %sub3A_57 = vector.broadcast %sub3A : i32 to vector<16xi32>
    %sub3A_58 = arith.subi %div3A_36, %sub3A_57 : vector<16xi32>
    %select_n3A = arith.select %and3A, %sub3A_58, %div3A_36 : vector<16xi1>, vector<16xi32>
    %jit3A_59 = arith.constant 8 : i32
    %div3A_60 = vector.broadcast %jit3A_59 : i32 to vector<16xi32>
    %div3A_61 = arith.divsi %add3A_8, %div3A_60 : vector<16xi32>
    %sign3A_62 = arith.constant 0 : i32
    %sign3A_63 = vector.broadcast %sign3A_62 : i32 to vector<16xi32>
    %sign3A_64 = arith.cmpi sgt, %add3A_8, %sign3A_63 : vector<16xi32>
    %sign3A_65 = arith.extui %sign3A_64 : vector<16xi1> to vector<16xi32>
    %sign3A_66 = arith.constant 0 : i32
    %sign3A_67 = vector.broadcast %sign3A_66 : i32 to vector<16xi32>
    %sign3A_68 = arith.cmpi slt, %add3A_8, %sign3A_67 : vector<16xi32>
    %sign3A_69 = arith.extui %sign3A_68 : vector<16xi1> to vector<16xi32>
    %sign3A_70 = arith.subi %sign3A_65, %sign3A_69 : vector<16xi32>
    %sign3A_71 = arith.constant 0 : i32
    %sign3A_72 = arith.cmpi sgt, %jit3A_59, %sign3A_71 : i32
    %sign3A_73 = arith.extui %sign3A_72 : i1 to i32
    %sign3A_74 = arith.constant 0 : i32
    %sign3A_75 = arith.cmpi slt, %jit3A_59, %sign3A_74 : i32
    %sign3A_76 = arith.extui %sign3A_75 : i1 to i32
    %sign3A_77 = arith.subi %sign3A_73, %sign3A_76 : i32
    %ne3A_78 = vector.broadcast %sign3A_77 : i32 to vector<16xi32>
    %ne3A_79 = arith.cmpi ne, %sign3A_70, %ne3A_78 : vector<16xi32>
    %rem3A_80 = vector.broadcast %jit3A_59 : i32 to vector<16xi32>
    %rem3A_81 = arith.remsi %add3A_8, %rem3A_80 : vector<16xi32>
    %ne3A_82 = arith.constant 0 : i32
    %ne3A_83 = vector.broadcast %ne3A_82 : i32 to vector<16xi32>
    %ne3A_84 = arith.cmpi ne, %rem3A_81, %ne3A_83 : vector<16xi32>
    %and3A_85 = arith.andi %ne3A_79, %ne3A_84 : vector<16xi1>
    %sub3A_86 = arith.constant 1 : i32
    %sub3A_87 = vector.broadcast %sub3A_86 : i32 to vector<16xi32>
    %sub3A_88 = arith.subi %div3A_61, %sub3A_87 : vector<16xi32>
    %select_n3A_89 = arith.select %and3A_85, %sub3A_88, %div3A_61 : vector<16xi1>, vector<16xi32>
    %jit3A_90 = arith.constant 8 : i32
    %div3A_91 = vector.broadcast %jit3A_90 : i32 to vector<16xi32>
    %div3A_92 = arith.divsi %add3A_11, %div3A_91 : vector<16xi32>
    %sign3A_93 = arith.constant 0 : i32
    %sign3A_94 = vector.broadcast %sign3A_93 : i32 to vector<16xi32>
    %sign3A_95 = arith.cmpi sgt, %add3A_11, %sign3A_94 : vector<16xi32>
    %sign3A_96 = arith.extui %sign3A_95 : vector<16xi1> to vector<16xi32>
    %sign3A_97 = arith.constant 0 : i32
    %sign3A_98 = vector.broadcast %sign3A_97 : i32 to vector<16xi32>
    %sign3A_99 = arith.cmpi slt, %add3A_11, %sign3A_98 : vector<16xi32>
    %sign3A_100 = arith.extui %sign3A_99 : vector<16xi1> to vector<16xi32>
    %sign3A_101 = arith.subi %sign3A_96, %sign3A_100 : vector<16xi32>
    %sign3A_102 = arith.constant 0 : i32
    %sign3A_103 = arith.cmpi sgt, %jit3A_90, %sign3A_102 : i32
    %sign3A_104 = arith.extui %sign3A_103 : i1 to i32
    %sign3A_105 = arith.constant 0 : i32
    %sign3A_106 = arith.cmpi slt, %jit3A_90, %sign3A_105 : i32
    %sign3A_107 = arith.extui %sign3A_106 : i1 to i32
    %sign3A_108 = arith.subi %sign3A_104, %sign3A_107 : i32
    %ne3A_109 = vector.broadcast %sign3A_108 : i32 to vector<16xi32>
    %ne3A_110 = arith.cmpi ne, %sign3A_101, %ne3A_109 : vector<16xi32>
    %rem3A_111 = vector.broadcast %jit3A_90 : i32 to vector<16xi32>
    %rem3A_112 = arith.remsi %add3A_11, %rem3A_111 : vector<16xi32>
    %ne3A_113 = arith.constant 0 : i32
    %ne3A_114 = vector.broadcast %ne3A_113 : i32 to vector<16xi32>
    %ne3A_115 = arith.cmpi ne, %rem3A_112, %ne3A_114 : vector<16xi32>
    %and3A_116 = arith.andi %ne3A_110, %ne3A_115 : vector<16xi1>
    %sub3A_117 = arith.constant 1 : i32
    %sub3A_118 = vector.broadcast %sub3A_117 : i32 to vector<16xi32>
    %sub3A_119 = arith.subi %div3A_92, %sub3A_118 : vector<16xi32>
    %select_n3A_120 = arith.select %and3A_116, %sub3A_119, %div3A_92 : vector<16xi1>, vector<16xi32>
    %jit3A_121 = arith.constant 8 : i32
    %div3A_122 = vector.broadcast %jit3A_121 : i32 to vector<16xi32>
    %div3A_123 = arith.divsi %add3A_14, %div3A_122 : vector<16xi32>
    %sign3A_124 = arith.constant 0 : i32
    %sign3A_125 = vector.broadcast %sign3A_124 : i32 to vector<16xi32>
    %sign3A_126 = arith.cmpi sgt, %add3A_14, %sign3A_125 : vector<16xi32>
    %sign3A_127 = arith.extui %sign3A_126 : vector<16xi1> to vector<16xi32>
    %sign3A_128 = arith.constant 0 : i32
    %sign3A_129 = vector.broadcast %sign3A_128 : i32 to vector<16xi32>
    %sign3A_130 = arith.cmpi slt, %add3A_14, %sign3A_129 : vector<16xi32>
    %sign3A_131 = arith.extui %sign3A_130 : vector<16xi1> to vector<16xi32>
    %sign3A_132 = arith.subi %sign3A_127, %sign3A_131 : vector<16xi32>
    %sign3A_133 = arith.constant 0 : i32
    %sign3A_134 = arith.cmpi sgt, %jit3A_121, %sign3A_133 : i32
    %sign3A_135 = arith.extui %sign3A_134 : i1 to i32
    %sign3A_136 = arith.constant 0 : i32
    %sign3A_137 = arith.cmpi slt, %jit3A_121, %sign3A_136 : i32
    %sign3A_138 = arith.extui %sign3A_137 : i1 to i32
    %sign3A_139 = arith.subi %sign3A_135, %sign3A_138 : i32
    %ne3A_140 = vector.broadcast %sign3A_139 : i32 to vector<16xi32>
    %ne3A_141 = arith.cmpi ne, %sign3A_132, %ne3A_140 : vector<16xi32>
    %rem3A_142 = vector.broadcast %jit3A_121 : i32 to vector<16xi32>
    %rem3A_143 = arith.remsi %add3A_14, %rem3A_142 : vector<16xi32>
    %ne3A_144 = arith.constant 0 : i32
    %ne3A_145 = vector.broadcast %ne3A_144 : i32 to vector<16xi32>
    %ne3A_146 = arith.cmpi ne, %rem3A_143, %ne3A_145 : vector<16xi32>
    %and3A_147 = arith.andi %ne3A_141, %ne3A_146 : vector<16xi1>
    %sub3A_148 = arith.constant 1 : i32
    %sub3A_149 = vector.broadcast %sub3A_148 : i32 to vector<16xi32>
    %sub3A_150 = arith.subi %div3A_123, %sub3A_149 : vector<16xi32>
    %select_n3A_151 = arith.select %and3A_147, %sub3A_150, %div3A_123 : vector<16xi1>, vector<16xi32>
    %jit3A_152 = arith.constant 8 : i32
    %div3A_153 = vector.broadcast %jit3A_152 : i32 to vector<16xi32>
    %div3A_154 = arith.divsi %add3A_17, %div3A_153 : vector<16xi32>
    %sign3A_155 = arith.constant 0 : i32
    %sign3A_156 = vector.broadcast %sign3A_155 : i32 to vector<16xi32>
    %sign3A_157 = arith.cmpi sgt, %add3A_17, %sign3A_156 : vector<16xi32>
    %sign3A_158 = arith.extui %sign3A_157 : vector<16xi1> to vector<16xi32>
    %sign3A_159 = arith.constant 0 : i32
    %sign3A_160 = vector.broadcast %sign3A_159 : i32 to vector<16xi32>
    %sign3A_161 = arith.cmpi slt, %add3A_17, %sign3A_160 : vector<16xi32>
    %sign3A_162 = arith.extui %sign3A_161 : vector<16xi1> to vector<16xi32>
    %sign3A_163 = arith.subi %sign3A_158, %sign3A_162 : vector<16xi32>
    %sign3A_164 = arith.constant 0 : i32
    %sign3A_165 = arith.cmpi sgt, %jit3A_152, %sign3A_164 : i32
    %sign3A_166 = arith.extui %sign3A_165 : i1 to i32
    %sign3A_167 = arith.constant 0 : i32
    %sign3A_168 = arith.cmpi slt, %jit3A_152, %sign3A_167 : i32
    %sign3A_169 = arith.extui %sign3A_168 : i1 to i32
    %sign3A_170 = arith.subi %sign3A_166, %sign3A_169 : i32
    %ne3A_171 = vector.broadcast %sign3A_170 : i32 to vector<16xi32>
    %ne3A_172 = arith.cmpi ne, %sign3A_163, %ne3A_171 : vector<16xi32>
    %rem3A_173 = vector.broadcast %jit3A_152 : i32 to vector<16xi32>
    %rem3A_174 = arith.remsi %add3A_17, %rem3A_173 : vector<16xi32>
    %ne3A_175 = arith.constant 0 : i32
    %ne3A_176 = vector.broadcast %ne3A_175 : i32 to vector<16xi32>
    %ne3A_177 = arith.cmpi ne, %rem3A_174, %ne3A_176 : vector<16xi32>
    %and3A_178 = arith.andi %ne3A_172, %ne3A_177 : vector<16xi1>
    %sub3A_179 = arith.constant 1 : i32
    %sub3A_180 = vector.broadcast %sub3A_179 : i32 to vector<16xi32>
    %sub3A_181 = arith.subi %div3A_154, %sub3A_180 : vector<16xi32>
    %select_n3A_182 = arith.select %and3A_178, %sub3A_181, %div3A_154 : vector<16xi1>, vector<16xi32>
    %jit3A_183 = arith.constant 8 : i32
    %div3A_184 = vector.broadcast %jit3A_183 : i32 to vector<16xi32>
    %div3A_185 = arith.divsi %add3A_20, %div3A_184 : vector<16xi32>
    %sign3A_186 = arith.constant 0 : i32
    %sign3A_187 = vector.broadcast %sign3A_186 : i32 to vector<16xi32>
    %sign3A_188 = arith.cmpi sgt, %add3A_20, %sign3A_187 : vector<16xi32>
    %sign3A_189 = arith.extui %sign3A_188 : vector<16xi1> to vector<16xi32>
    %sign3A_190 = arith.constant 0 : i32
    %sign3A_191 = vector.broadcast %sign3A_190 : i32 to vector<16xi32>
    %sign3A_192 = arith.cmpi slt, %add3A_20, %sign3A_191 : vector<16xi32>
    %sign3A_193 = arith.extui %sign3A_192 : vector<16xi1> to vector<16xi32>
    %sign3A_194 = arith.subi %sign3A_189, %sign3A_193 : vector<16xi32>
    %sign3A_195 = arith.constant 0 : i32
    %sign3A_196 = arith.cmpi sgt, %jit3A_183, %sign3A_195 : i32
    %sign3A_197 = arith.extui %sign3A_196 : i1 to i32
    %sign3A_198 = arith.constant 0 : i32
    %sign3A_199 = arith.cmpi slt, %jit3A_183, %sign3A_198 : i32
    %sign3A_200 = arith.extui %sign3A_199 : i1 to i32
    %sign3A_201 = arith.subi %sign3A_197, %sign3A_200 : i32
    %ne3A_202 = vector.broadcast %sign3A_201 : i32 to vector<16xi32>
    %ne3A_203 = arith.cmpi ne, %sign3A_194, %ne3A_202 : vector<16xi32>
    %rem3A_204 = vector.broadcast %jit3A_183 : i32 to vector<16xi32>
    %rem3A_205 = arith.remsi %add3A_20, %rem3A_204 : vector<16xi32>
    %ne3A_206 = arith.constant 0 : i32
    %ne3A_207 = vector.broadcast %ne3A_206 : i32 to vector<16xi32>
    %ne3A_208 = arith.cmpi ne, %rem3A_205, %ne3A_207 : vector<16xi32>
    %and3A_209 = arith.andi %ne3A_203, %ne3A_208 : vector<16xi1>
    %sub3A_210 = arith.constant 1 : i32
    %sub3A_211 = vector.broadcast %sub3A_210 : i32 to vector<16xi32>
    %sub3A_212 = arith.subi %div3A_185, %sub3A_211 : vector<16xi32>
    %select_n3A_213 = arith.select %and3A_209, %sub3A_212, %div3A_185 : vector<16xi1>, vector<16xi32>
    %jit3A_214 = arith.constant 8 : i32
    %div3A_215 = vector.broadcast %jit3A_214 : i32 to vector<16xi32>
    %div3A_216 = arith.divsi %add3A_23, %div3A_215 : vector<16xi32>
    %sign3A_217 = arith.constant 0 : i32
    %sign3A_218 = vector.broadcast %sign3A_217 : i32 to vector<16xi32>
    %sign3A_219 = arith.cmpi sgt, %add3A_23, %sign3A_218 : vector<16xi32>
    %sign3A_220 = arith.extui %sign3A_219 : vector<16xi1> to vector<16xi32>
    %sign3A_221 = arith.constant 0 : i32
    %sign3A_222 = vector.broadcast %sign3A_221 : i32 to vector<16xi32>
    %sign3A_223 = arith.cmpi slt, %add3A_23, %sign3A_222 : vector<16xi32>
    %sign3A_224 = arith.extui %sign3A_223 : vector<16xi1> to vector<16xi32>
    %sign3A_225 = arith.subi %sign3A_220, %sign3A_224 : vector<16xi32>
    %sign3A_226 = arith.constant 0 : i32
    %sign3A_227 = arith.cmpi sgt, %jit3A_214, %sign3A_226 : i32
    %sign3A_228 = arith.extui %sign3A_227 : i1 to i32
    %sign3A_229 = arith.constant 0 : i32
    %sign3A_230 = arith.cmpi slt, %jit3A_214, %sign3A_229 : i32
    %sign3A_231 = arith.extui %sign3A_230 : i1 to i32
    %sign3A_232 = arith.subi %sign3A_228, %sign3A_231 : i32
    %ne3A_233 = vector.broadcast %sign3A_232 : i32 to vector<16xi32>
    %ne3A_234 = arith.cmpi ne, %sign3A_225, %ne3A_233 : vector<16xi32>
    %rem3A_235 = vector.broadcast %jit3A_214 : i32 to vector<16xi32>
    %rem3A_236 = arith.remsi %add3A_23, %rem3A_235 : vector<16xi32>
    %ne3A_237 = arith.constant 0 : i32
    %ne3A_238 = vector.broadcast %ne3A_237 : i32 to vector<16xi32>
    %ne3A_239 = arith.cmpi ne, %rem3A_236, %ne3A_238 : vector<16xi32>
    %and3A_240 = arith.andi %ne3A_234, %ne3A_239 : vector<16xi1>
    %sub3A_241 = arith.constant 1 : i32
    %sub3A_242 = vector.broadcast %sub3A_241 : i32 to vector<16xi32>
    %sub3A_243 = arith.subi %div3A_216, %sub3A_242 : vector<16xi32>
    %select_n3A_244 = arith.select %and3A_240, %sub3A_243, %div3A_216 : vector<16xi1>, vector<16xi32>
    %jit3A_245 = arith.constant 8 : i32
    %div3A_246 = vector.broadcast %jit3A_245 : i32 to vector<16xi32>
    %div3A_247 = arith.divsi %add3A_26, %div3A_246 : vector<16xi32>
    %sign3A_248 = arith.constant 0 : i32
    %sign3A_249 = vector.broadcast %sign3A_248 : i32 to vector<16xi32>
    %sign3A_250 = arith.cmpi sgt, %add3A_26, %sign3A_249 : vector<16xi32>
    %sign3A_251 = arith.extui %sign3A_250 : vector<16xi1> to vector<16xi32>
    %sign3A_252 = arith.constant 0 : i32
    %sign3A_253 = vector.broadcast %sign3A_252 : i32 to vector<16xi32>
    %sign3A_254 = arith.cmpi slt, %add3A_26, %sign3A_253 : vector<16xi32>
    %sign3A_255 = arith.extui %sign3A_254 : vector<16xi1> to vector<16xi32>
    %sign3A_256 = arith.subi %sign3A_251, %sign3A_255 : vector<16xi32>
    %sign3A_257 = arith.constant 0 : i32
    %sign3A_258 = arith.cmpi sgt, %jit3A_245, %sign3A_257 : i32
    %sign3A_259 = arith.extui %sign3A_258 : i1 to i32
    %sign3A_260 = arith.constant 0 : i32
    %sign3A_261 = arith.cmpi slt, %jit3A_245, %sign3A_260 : i32
    %sign3A_262 = arith.extui %sign3A_261 : i1 to i32
    %sign3A_263 = arith.subi %sign3A_259, %sign3A_262 : i32
    %ne3A_264 = vector.broadcast %sign3A_263 : i32 to vector<16xi32>
    %ne3A_265 = arith.cmpi ne, %sign3A_256, %ne3A_264 : vector<16xi32>
    %rem3A_266 = vector.broadcast %jit3A_245 : i32 to vector<16xi32>
    %rem3A_267 = arith.remsi %add3A_26, %rem3A_266 : vector<16xi32>
    %ne3A_268 = arith.constant 0 : i32
    %ne3A_269 = vector.broadcast %ne3A_268 : i32 to vector<16xi32>
    %ne3A_270 = arith.cmpi ne, %rem3A_267, %ne3A_269 : vector<16xi32>
    %and3A_271 = arith.andi %ne3A_265, %ne3A_270 : vector<16xi1>
    %sub3A_272 = arith.constant 1 : i32
    %sub3A_273 = vector.broadcast %sub3A_272 : i32 to vector<16xi32>
    %sub3A_274 = arith.subi %div3A_247, %sub3A_273 : vector<16xi32>
    %select_n3A_275 = arith.select %and3A_271, %sub3A_274, %div3A_247 : vector<16xi1>, vector<16xi32>
    %jit3A_276 = arith.constant 8 : i32
    %div3A_277 = vector.broadcast %jit3A_276 : i32 to vector<16xi32>
    %div3A_278 = arith.divsi %add3A_29, %div3A_277 : vector<16xi32>
    %sign3A_279 = arith.constant 0 : i32
    %sign3A_280 = vector.broadcast %sign3A_279 : i32 to vector<16xi32>
    %sign3A_281 = arith.cmpi sgt, %add3A_29, %sign3A_280 : vector<16xi32>
    %sign3A_282 = arith.extui %sign3A_281 : vector<16xi1> to vector<16xi32>
    %sign3A_283 = arith.constant 0 : i32
    %sign3A_284 = vector.broadcast %sign3A_283 : i32 to vector<16xi32>
    %sign3A_285 = arith.cmpi slt, %add3A_29, %sign3A_284 : vector<16xi32>
    %sign3A_286 = arith.extui %sign3A_285 : vector<16xi1> to vector<16xi32>
    %sign3A_287 = arith.subi %sign3A_282, %sign3A_286 : vector<16xi32>
    %sign3A_288 = arith.constant 0 : i32
    %sign3A_289 = arith.cmpi sgt, %jit3A_276, %sign3A_288 : i32
    %sign3A_290 = arith.extui %sign3A_289 : i1 to i32
    %sign3A_291 = arith.constant 0 : i32
    %sign3A_292 = arith.cmpi slt, %jit3A_276, %sign3A_291 : i32
    %sign3A_293 = arith.extui %sign3A_292 : i1 to i32
    %sign3A_294 = arith.subi %sign3A_290, %sign3A_293 : i32
    %ne3A_295 = vector.broadcast %sign3A_294 : i32 to vector<16xi32>
    %ne3A_296 = arith.cmpi ne, %sign3A_287, %ne3A_295 : vector<16xi32>
    %rem3A_297 = vector.broadcast %jit3A_276 : i32 to vector<16xi32>
    %rem3A_298 = arith.remsi %add3A_29, %rem3A_297 : vector<16xi32>
    %ne3A_299 = arith.constant 0 : i32
    %ne3A_300 = vector.broadcast %ne3A_299 : i32 to vector<16xi32>
    %ne3A_301 = arith.cmpi ne, %rem3A_298, %ne3A_300 : vector<16xi32>
    %and3A_302 = arith.andi %ne3A_296, %ne3A_301 : vector<16xi1>
    %sub3A_303 = arith.constant 1 : i32
    %sub3A_304 = vector.broadcast %sub3A_303 : i32 to vector<16xi32>
    %sub3A_305 = arith.subi %div3A_278, %sub3A_304 : vector<16xi32>
    %select_n3A_306 = arith.select %and3A_302, %sub3A_305, %div3A_278 : vector<16xi1>, vector<16xi32>
    %jit3A_307 = arith.constant 8 : i32
    %div3A_308 = vector.broadcast %jit3A_307 : i32 to vector<16xi32>
    %div3A_309 = arith.divsi %add3A_32, %div3A_308 : vector<16xi32>
    %sign3A_310 = arith.constant 0 : i32
    %sign3A_311 = vector.broadcast %sign3A_310 : i32 to vector<16xi32>
    %sign3A_312 = arith.cmpi sgt, %add3A_32, %sign3A_311 : vector<16xi32>
    %sign3A_313 = arith.extui %sign3A_312 : vector<16xi1> to vector<16xi32>
    %sign3A_314 = arith.constant 0 : i32
    %sign3A_315 = vector.broadcast %sign3A_314 : i32 to vector<16xi32>
    %sign3A_316 = arith.cmpi slt, %add3A_32, %sign3A_315 : vector<16xi32>
    %sign3A_317 = arith.extui %sign3A_316 : vector<16xi1> to vector<16xi32>
    %sign3A_318 = arith.subi %sign3A_313, %sign3A_317 : vector<16xi32>
    %sign3A_319 = arith.constant 0 : i32
    %sign3A_320 = arith.cmpi sgt, %jit3A_307, %sign3A_319 : i32
    %sign3A_321 = arith.extui %sign3A_320 : i1 to i32
    %sign3A_322 = arith.constant 0 : i32
    %sign3A_323 = arith.cmpi slt, %jit3A_307, %sign3A_322 : i32
    %sign3A_324 = arith.extui %sign3A_323 : i1 to i32
    %sign3A_325 = arith.subi %sign3A_321, %sign3A_324 : i32
    %ne3A_326 = vector.broadcast %sign3A_325 : i32 to vector<16xi32>
    %ne3A_327 = arith.cmpi ne, %sign3A_318, %ne3A_326 : vector<16xi32>
    %rem3A_328 = vector.broadcast %jit3A_307 : i32 to vector<16xi32>
    %rem3A_329 = arith.remsi %add3A_32, %rem3A_328 : vector<16xi32>
    %ne3A_330 = arith.constant 0 : i32
    %ne3A_331 = vector.broadcast %ne3A_330 : i32 to vector<16xi32>
    %ne3A_332 = arith.cmpi ne, %rem3A_329, %ne3A_331 : vector<16xi32>
    %and3A_333 = arith.andi %ne3A_327, %ne3A_332 : vector<16xi1>
    %sub3A_334 = arith.constant 1 : i32
    %sub3A_335 = vector.broadcast %sub3A_334 : i32 to vector<16xi32>
    %sub3A_336 = arith.subi %div3A_309, %sub3A_335 : vector<16xi32>
    %select_n3A_337 = arith.select %and3A_333, %sub3A_336, %div3A_309 : vector<16xi1>, vector<16xi32>
    %jit3A_338 = arith.constant 8 : i32
    %div3A_339 = vector.broadcast %jit3A_338 : i32 to vector<16xi32>
    %div3A_340 = arith.divsi %add3A_35, %div3A_339 : vector<16xi32>
    %sign3A_341 = arith.constant 0 : i32
    %sign3A_342 = vector.broadcast %sign3A_341 : i32 to vector<16xi32>
    %sign3A_343 = arith.cmpi sgt, %add3A_35, %sign3A_342 : vector<16xi32>
    %sign3A_344 = arith.extui %sign3A_343 : vector<16xi1> to vector<16xi32>
    %sign3A_345 = arith.constant 0 : i32
    %sign3A_346 = vector.broadcast %sign3A_345 : i32 to vector<16xi32>
    %sign3A_347 = arith.cmpi slt, %add3A_35, %sign3A_346 : vector<16xi32>
    %sign3A_348 = arith.extui %sign3A_347 : vector<16xi1> to vector<16xi32>
    %sign3A_349 = arith.subi %sign3A_344, %sign3A_348 : vector<16xi32>
    %sign3A_350 = arith.constant 0 : i32
    %sign3A_351 = arith.cmpi sgt, %jit3A_338, %sign3A_350 : i32
    %sign3A_352 = arith.extui %sign3A_351 : i1 to i32
    %sign3A_353 = arith.constant 0 : i32
    %sign3A_354 = arith.cmpi slt, %jit3A_338, %sign3A_353 : i32
    %sign3A_355 = arith.extui %sign3A_354 : i1 to i32
    %sign3A_356 = arith.subi %sign3A_352, %sign3A_355 : i32
    %ne3A_357 = vector.broadcast %sign3A_356 : i32 to vector<16xi32>
    %ne3A_358 = arith.cmpi ne, %sign3A_349, %ne3A_357 : vector<16xi32>
    %rem3A_359 = vector.broadcast %jit3A_338 : i32 to vector<16xi32>
    %rem3A_360 = arith.remsi %add3A_35, %rem3A_359 : vector<16xi32>
    %ne3A_361 = arith.constant 0 : i32
    %ne3A_362 = vector.broadcast %ne3A_361 : i32 to vector<16xi32>
    %ne3A_363 = arith.cmpi ne, %rem3A_360, %ne3A_362 : vector<16xi32>
    %and3A_364 = arith.andi %ne3A_358, %ne3A_363 : vector<16xi1>
    %sub3A_365 = arith.constant 1 : i32
    %sub3A_366 = vector.broadcast %sub3A_365 : i32 to vector<16xi32>
    %sub3A_367 = arith.subi %div3A_340, %sub3A_366 : vector<16xi32>
    %select_n3A_368 = arith.select %and3A_364, %sub3A_367, %div3A_340 : vector<16xi1>, vector<16xi32>
    %jit3A_369 = arith.constant 8 : i32
    %eq3A = arith.constant 0 : i32
    %eq3A_370 = arith.cmpi eq, %jit3A_369, %eq3A : i32
    %jit3A_371 = arith.constant 1 : i32
    %select_n3A_372 = arith.select %eq3A_370, %jit3A_371, %jit3A_369 : i32
    %rem3A_373 = vector.broadcast %select_n3A_372 : i32 to vector<16xi32>
    %rem3A_374 = arith.remsi %add3A_5, %rem3A_373 : vector<16xi32>
    %ne3A_375 = arith.constant 0 : i32
    %ne3A_376 = vector.broadcast %ne3A_375 : i32 to vector<16xi32>
    %ne3A_377 = arith.cmpi ne, %rem3A_374, %ne3A_376 : vector<16xi32>
    %lt3A = arith.constant 0 : i32
    %lt3A_378 = vector.broadcast %lt3A : i32 to vector<16xi32>
    %lt3A_379 = arith.cmpi slt, %rem3A_374, %lt3A_378 : vector<16xi32>
    %lt3A_380 = arith.constant 0 : i32
    %lt3A_381 = arith.cmpi slt, %select_n3A_372, %lt3A_380 : i32
    %ne3A_382 = vector.broadcast %lt3A_381 : i1 to vector<16xi1>
    %ne3A_383 = vector.broadcast %ne3A_382 : vector<16xi1> to vector<16xi1>
    %ne3A_384 = arith.xori %lt3A_379, %ne3A_383 : vector<16xi1>
    %and3A_385 = arith.andi %ne3A_384, %ne3A_377 : vector<16xi1>
    %add3A_386 = vector.broadcast %select_n3A_372 : i32 to vector<16xi32>
    %add3A_387 = arith.addi %rem3A_374, %add3A_386 : vector<16xi32>
    %select_n3A_388 = arith.select %and3A_385, %add3A_387, %rem3A_374 : vector<16xi1>, vector<16xi32>
    %jit3A_389 = arith.constant 8 : i32
    %eq3A_390 = arith.constant 0 : i32
    %eq3A_391 = arith.cmpi eq, %jit3A_389, %eq3A_390 : i32
    %jit3A_392 = arith.constant 1 : i32
    %select_n3A_393 = arith.select %eq3A_391, %jit3A_392, %jit3A_389 : i32
    %rem3A_394 = vector.broadcast %select_n3A_393 : i32 to vector<16xi32>
    %rem3A_395 = arith.remsi %add3A_8, %rem3A_394 : vector<16xi32>
    %ne3A_396 = arith.constant 0 : i32
    %ne3A_397 = vector.broadcast %ne3A_396 : i32 to vector<16xi32>
    %ne3A_398 = arith.cmpi ne, %rem3A_395, %ne3A_397 : vector<16xi32>
    %lt3A_399 = arith.constant 0 : i32
    %lt3A_400 = vector.broadcast %lt3A_399 : i32 to vector<16xi32>
    %lt3A_401 = arith.cmpi slt, %rem3A_395, %lt3A_400 : vector<16xi32>
    %lt3A_402 = arith.constant 0 : i32
    %lt3A_403 = arith.cmpi slt, %select_n3A_393, %lt3A_402 : i32
    %ne3A_404 = vector.broadcast %lt3A_403 : i1 to vector<16xi1>
    %ne3A_405 = vector.broadcast %ne3A_404 : vector<16xi1> to vector<16xi1>
    %ne3A_406 = arith.xori %lt3A_401, %ne3A_405 : vector<16xi1>
    %and3A_407 = arith.andi %ne3A_406, %ne3A_398 : vector<16xi1>
    %add3A_408 = vector.broadcast %select_n3A_393 : i32 to vector<16xi32>
    %add3A_409 = arith.addi %rem3A_395, %add3A_408 : vector<16xi32>
    %select_n3A_410 = arith.select %and3A_407, %add3A_409, %rem3A_395 : vector<16xi1>, vector<16xi32>
    %jit3A_411 = arith.constant 8 : i32
    %eq3A_412 = arith.constant 0 : i32
    %eq3A_413 = arith.cmpi eq, %jit3A_411, %eq3A_412 : i32
    %jit3A_414 = arith.constant 1 : i32
    %select_n3A_415 = arith.select %eq3A_413, %jit3A_414, %jit3A_411 : i32
    %rem3A_416 = vector.broadcast %select_n3A_415 : i32 to vector<16xi32>
    %rem3A_417 = arith.remsi %add3A_11, %rem3A_416 : vector<16xi32>
    %ne3A_418 = arith.constant 0 : i32
    %ne3A_419 = vector.broadcast %ne3A_418 : i32 to vector<16xi32>
    %ne3A_420 = arith.cmpi ne, %rem3A_417, %ne3A_419 : vector<16xi32>
    %lt3A_421 = arith.constant 0 : i32
    %lt3A_422 = vector.broadcast %lt3A_421 : i32 to vector<16xi32>
    %lt3A_423 = arith.cmpi slt, %rem3A_417, %lt3A_422 : vector<16xi32>
    %lt3A_424 = arith.constant 0 : i32
    %lt3A_425 = arith.cmpi slt, %select_n3A_415, %lt3A_424 : i32
    %ne3A_426 = vector.broadcast %lt3A_425 : i1 to vector<16xi1>
    %ne3A_427 = vector.broadcast %ne3A_426 : vector<16xi1> to vector<16xi1>
    %ne3A_428 = arith.xori %lt3A_423, %ne3A_427 : vector<16xi1>
    %and3A_429 = arith.andi %ne3A_428, %ne3A_420 : vector<16xi1>
    %add3A_430 = vector.broadcast %select_n3A_415 : i32 to vector<16xi32>
    %add3A_431 = arith.addi %rem3A_417, %add3A_430 : vector<16xi32>
    %select_n3A_432 = arith.select %and3A_429, %add3A_431, %rem3A_417 : vector<16xi1>, vector<16xi32>
    %jit3A_433 = arith.constant 8 : i32
    %eq3A_434 = arith.constant 0 : i32
    %eq3A_435 = arith.cmpi eq, %jit3A_433, %eq3A_434 : i32
    %jit3A_436 = arith.constant 1 : i32
    %select_n3A_437 = arith.select %eq3A_435, %jit3A_436, %jit3A_433 : i32
    %rem3A_438 = vector.broadcast %select_n3A_437 : i32 to vector<16xi32>
    %rem3A_439 = arith.remsi %add3A_14, %rem3A_438 : vector<16xi32>
    %ne3A_440 = arith.constant 0 : i32
    %ne3A_441 = vector.broadcast %ne3A_440 : i32 to vector<16xi32>
    %ne3A_442 = arith.cmpi ne, %rem3A_439, %ne3A_441 : vector<16xi32>
    %lt3A_443 = arith.constant 0 : i32
    %lt3A_444 = vector.broadcast %lt3A_443 : i32 to vector<16xi32>
    %lt3A_445 = arith.cmpi slt, %rem3A_439, %lt3A_444 : vector<16xi32>
    %lt3A_446 = arith.constant 0 : i32
    %lt3A_447 = arith.cmpi slt, %select_n3A_437, %lt3A_446 : i32
    %ne3A_448 = vector.broadcast %lt3A_447 : i1 to vector<16xi1>
    %ne3A_449 = vector.broadcast %ne3A_448 : vector<16xi1> to vector<16xi1>
    %ne3A_450 = arith.xori %lt3A_445, %ne3A_449 : vector<16xi1>
    %and3A_451 = arith.andi %ne3A_450, %ne3A_442 : vector<16xi1>
    %add3A_452 = vector.broadcast %select_n3A_437 : i32 to vector<16xi32>
    %add3A_453 = arith.addi %rem3A_439, %add3A_452 : vector<16xi32>
    %select_n3A_454 = arith.select %and3A_451, %add3A_453, %rem3A_439 : vector<16xi1>, vector<16xi32>
    %jit3A_455 = arith.constant 8 : i32
    %eq3A_456 = arith.constant 0 : i32
    %eq3A_457 = arith.cmpi eq, %jit3A_455, %eq3A_456 : i32
    %jit3A_458 = arith.constant 1 : i32
    %select_n3A_459 = arith.select %eq3A_457, %jit3A_458, %jit3A_455 : i32
    %rem3A_460 = vector.broadcast %select_n3A_459 : i32 to vector<16xi32>
    %rem3A_461 = arith.remsi %add3A_17, %rem3A_460 : vector<16xi32>
    %ne3A_462 = arith.constant 0 : i32
    %ne3A_463 = vector.broadcast %ne3A_462 : i32 to vector<16xi32>
    %ne3A_464 = arith.cmpi ne, %rem3A_461, %ne3A_463 : vector<16xi32>
    %lt3A_465 = arith.constant 0 : i32
    %lt3A_466 = vector.broadcast %lt3A_465 : i32 to vector<16xi32>
    %lt3A_467 = arith.cmpi slt, %rem3A_461, %lt3A_466 : vector<16xi32>
    %lt3A_468 = arith.constant 0 : i32
    %lt3A_469 = arith.cmpi slt, %select_n3A_459, %lt3A_468 : i32
    %ne3A_470 = vector.broadcast %lt3A_469 : i1 to vector<16xi1>
    %ne3A_471 = vector.broadcast %ne3A_470 : vector<16xi1> to vector<16xi1>
    %ne3A_472 = arith.xori %lt3A_467, %ne3A_471 : vector<16xi1>
    %and3A_473 = arith.andi %ne3A_472, %ne3A_464 : vector<16xi1>
    %add3A_474 = vector.broadcast %select_n3A_459 : i32 to vector<16xi32>
    %add3A_475 = arith.addi %rem3A_461, %add3A_474 : vector<16xi32>
    %select_n3A_476 = arith.select %and3A_473, %add3A_475, %rem3A_461 : vector<16xi1>, vector<16xi32>
    %jit3A_477 = arith.constant 8 : i32
    %eq3A_478 = arith.constant 0 : i32
    %eq3A_479 = arith.cmpi eq, %jit3A_477, %eq3A_478 : i32
    %jit3A_480 = arith.constant 1 : i32
    %select_n3A_481 = arith.select %eq3A_479, %jit3A_480, %jit3A_477 : i32
    %rem3A_482 = vector.broadcast %select_n3A_481 : i32 to vector<16xi32>
    %rem3A_483 = arith.remsi %add3A_20, %rem3A_482 : vector<16xi32>
    %ne3A_484 = arith.constant 0 : i32
    %ne3A_485 = vector.broadcast %ne3A_484 : i32 to vector<16xi32>
    %ne3A_486 = arith.cmpi ne, %rem3A_483, %ne3A_485 : vector<16xi32>
    %lt3A_487 = arith.constant 0 : i32
    %lt3A_488 = vector.broadcast %lt3A_487 : i32 to vector<16xi32>
    %lt3A_489 = arith.cmpi slt, %rem3A_483, %lt3A_488 : vector<16xi32>
    %lt3A_490 = arith.constant 0 : i32
    %lt3A_491 = arith.cmpi slt, %select_n3A_481, %lt3A_490 : i32
    %ne3A_492 = vector.broadcast %lt3A_491 : i1 to vector<16xi1>
    %ne3A_493 = vector.broadcast %ne3A_492 : vector<16xi1> to vector<16xi1>
    %ne3A_494 = arith.xori %lt3A_489, %ne3A_493 : vector<16xi1>
    %and3A_495 = arith.andi %ne3A_494, %ne3A_486 : vector<16xi1>
    %add3A_496 = vector.broadcast %select_n3A_481 : i32 to vector<16xi32>
    %add3A_497 = arith.addi %rem3A_483, %add3A_496 : vector<16xi32>
    %select_n3A_498 = arith.select %and3A_495, %add3A_497, %rem3A_483 : vector<16xi1>, vector<16xi32>
    %jit3A_499 = arith.constant 8 : i32
    %eq3A_500 = arith.constant 0 : i32
    %eq3A_501 = arith.cmpi eq, %jit3A_499, %eq3A_500 : i32
    %jit3A_502 = arith.constant 1 : i32
    %select_n3A_503 = arith.select %eq3A_501, %jit3A_502, %jit3A_499 : i32
    %rem3A_504 = vector.broadcast %select_n3A_503 : i32 to vector<16xi32>
    %rem3A_505 = arith.remsi %add3A_23, %rem3A_504 : vector<16xi32>
    %ne3A_506 = arith.constant 0 : i32
    %ne3A_507 = vector.broadcast %ne3A_506 : i32 to vector<16xi32>
    %ne3A_508 = arith.cmpi ne, %rem3A_505, %ne3A_507 : vector<16xi32>
    %lt3A_509 = arith.constant 0 : i32
    %lt3A_510 = vector.broadcast %lt3A_509 : i32 to vector<16xi32>
    %lt3A_511 = arith.cmpi slt, %rem3A_505, %lt3A_510 : vector<16xi32>
    %lt3A_512 = arith.constant 0 : i32
    %lt3A_513 = arith.cmpi slt, %select_n3A_503, %lt3A_512 : i32
    %ne3A_514 = vector.broadcast %lt3A_513 : i1 to vector<16xi1>
    %ne3A_515 = vector.broadcast %ne3A_514 : vector<16xi1> to vector<16xi1>
    %ne3A_516 = arith.xori %lt3A_511, %ne3A_515 : vector<16xi1>
    %and3A_517 = arith.andi %ne3A_516, %ne3A_508 : vector<16xi1>
    %add3A_518 = vector.broadcast %select_n3A_503 : i32 to vector<16xi32>
    %add3A_519 = arith.addi %rem3A_505, %add3A_518 : vector<16xi32>
    %select_n3A_520 = arith.select %and3A_517, %add3A_519, %rem3A_505 : vector<16xi1>, vector<16xi32>
    %jit3A_521 = arith.constant 8 : i32
    %eq3A_522 = arith.constant 0 : i32
    %eq3A_523 = arith.cmpi eq, %jit3A_521, %eq3A_522 : i32
    %jit3A_524 = arith.constant 1 : i32
    %select_n3A_525 = arith.select %eq3A_523, %jit3A_524, %jit3A_521 : i32
    %rem3A_526 = vector.broadcast %select_n3A_525 : i32 to vector<16xi32>
    %rem3A_527 = arith.remsi %add3A_26, %rem3A_526 : vector<16xi32>
    %ne3A_528 = arith.constant 0 : i32
    %ne3A_529 = vector.broadcast %ne3A_528 : i32 to vector<16xi32>
    %ne3A_530 = arith.cmpi ne, %rem3A_527, %ne3A_529 : vector<16xi32>
    %lt3A_531 = arith.constant 0 : i32
    %lt3A_532 = vector.broadcast %lt3A_531 : i32 to vector<16xi32>
    %lt3A_533 = arith.cmpi slt, %rem3A_527, %lt3A_532 : vector<16xi32>
    %lt3A_534 = arith.constant 0 : i32
    %lt3A_535 = arith.cmpi slt, %select_n3A_525, %lt3A_534 : i32
    %ne3A_536 = vector.broadcast %lt3A_535 : i1 to vector<16xi1>
    %ne3A_537 = vector.broadcast %ne3A_536 : vector<16xi1> to vector<16xi1>
    %ne3A_538 = arith.xori %lt3A_533, %ne3A_537 : vector<16xi1>
    %and3A_539 = arith.andi %ne3A_538, %ne3A_530 : vector<16xi1>
    %add3A_540 = vector.broadcast %select_n3A_525 : i32 to vector<16xi32>
    %add3A_541 = arith.addi %rem3A_527, %add3A_540 : vector<16xi32>
    %select_n3A_542 = arith.select %and3A_539, %add3A_541, %rem3A_527 : vector<16xi1>, vector<16xi32>
    %jit3A_543 = arith.constant 8 : i32
    %eq3A_544 = arith.constant 0 : i32
    %eq3A_545 = arith.cmpi eq, %jit3A_543, %eq3A_544 : i32
    %jit3A_546 = arith.constant 1 : i32
    %select_n3A_547 = arith.select %eq3A_545, %jit3A_546, %jit3A_543 : i32
    %rem3A_548 = vector.broadcast %select_n3A_547 : i32 to vector<16xi32>
    %rem3A_549 = arith.remsi %add3A_29, %rem3A_548 : vector<16xi32>
    %ne3A_550 = arith.constant 0 : i32
    %ne3A_551 = vector.broadcast %ne3A_550 : i32 to vector<16xi32>
    %ne3A_552 = arith.cmpi ne, %rem3A_549, %ne3A_551 : vector<16xi32>
    %lt3A_553 = arith.constant 0 : i32
    %lt3A_554 = vector.broadcast %lt3A_553 : i32 to vector<16xi32>
    %lt3A_555 = arith.cmpi slt, %rem3A_549, %lt3A_554 : vector<16xi32>
    %lt3A_556 = arith.constant 0 : i32
    %lt3A_557 = arith.cmpi slt, %select_n3A_547, %lt3A_556 : i32
    %ne3A_558 = vector.broadcast %lt3A_557 : i1 to vector<16xi1>
    %ne3A_559 = vector.broadcast %ne3A_558 : vector<16xi1> to vector<16xi1>
    %ne3A_560 = arith.xori %lt3A_555, %ne3A_559 : vector<16xi1>
    %and3A_561 = arith.andi %ne3A_560, %ne3A_552 : vector<16xi1>
    %add3A_562 = vector.broadcast %select_n3A_547 : i32 to vector<16xi32>
    %add3A_563 = arith.addi %rem3A_549, %add3A_562 : vector<16xi32>
    %select_n3A_564 = arith.select %and3A_561, %add3A_563, %rem3A_549 : vector<16xi1>, vector<16xi32>
    %jit3A_565 = arith.constant 8 : i32
    %eq3A_566 = arith.constant 0 : i32
    %eq3A_567 = arith.cmpi eq, %jit3A_565, %eq3A_566 : i32
    %jit3A_568 = arith.constant 1 : i32
    %select_n3A_569 = arith.select %eq3A_567, %jit3A_568, %jit3A_565 : i32
    %rem3A_570 = vector.broadcast %select_n3A_569 : i32 to vector<16xi32>
    %rem3A_571 = arith.remsi %add3A_32, %rem3A_570 : vector<16xi32>
    %ne3A_572 = arith.constant 0 : i32
    %ne3A_573 = vector.broadcast %ne3A_572 : i32 to vector<16xi32>
    %ne3A_574 = arith.cmpi ne, %rem3A_571, %ne3A_573 : vector<16xi32>
    %lt3A_575 = arith.constant 0 : i32
    %lt3A_576 = vector.broadcast %lt3A_575 : i32 to vector<16xi32>
    %lt3A_577 = arith.cmpi slt, %rem3A_571, %lt3A_576 : vector<16xi32>
    %lt3A_578 = arith.constant 0 : i32
    %lt3A_579 = arith.cmpi slt, %select_n3A_569, %lt3A_578 : i32
    %ne3A_580 = vector.broadcast %lt3A_579 : i1 to vector<16xi1>
    %ne3A_581 = vector.broadcast %ne3A_580 : vector<16xi1> to vector<16xi1>
    %ne3A_582 = arith.xori %lt3A_577, %ne3A_581 : vector<16xi1>
    %and3A_583 = arith.andi %ne3A_582, %ne3A_574 : vector<16xi1>
    %add3A_584 = vector.broadcast %select_n3A_569 : i32 to vector<16xi32>
    %add3A_585 = arith.addi %rem3A_571, %add3A_584 : vector<16xi32>
    %select_n3A_586 = arith.select %and3A_583, %add3A_585, %rem3A_571 : vector<16xi1>, vector<16xi32>
    %jit3A_587 = arith.constant 8 : i32
    %eq3A_588 = arith.constant 0 : i32
    %eq3A_589 = arith.cmpi eq, %jit3A_587, %eq3A_588 : i32
    %jit3A_590 = arith.constant 1 : i32
    %select_n3A_591 = arith.select %eq3A_589, %jit3A_590, %jit3A_587 : i32
    %rem3A_592 = vector.broadcast %select_n3A_591 : i32 to vector<16xi32>
    %rem3A_593 = arith.remsi %add3A_35, %rem3A_592 : vector<16xi32>
    %ne3A_594 = arith.constant 0 : i32
    %ne3A_595 = vector.broadcast %ne3A_594 : i32 to vector<16xi32>
    %ne3A_596 = arith.cmpi ne, %rem3A_593, %ne3A_595 : vector<16xi32>
    %lt3A_597 = arith.constant 0 : i32
    %lt3A_598 = vector.broadcast %lt3A_597 : i32 to vector<16xi32>
    %lt3A_599 = arith.cmpi slt, %rem3A_593, %lt3A_598 : vector<16xi32>
    %lt3A_600 = arith.constant 0 : i32
    %lt3A_601 = arith.cmpi slt, %select_n3A_591, %lt3A_600 : i32
    %ne3A_602 = vector.broadcast %lt3A_601 : i1 to vector<16xi1>
    %ne3A_603 = vector.broadcast %ne3A_602 : vector<16xi1> to vector<16xi1>
    %ne3A_604 = arith.xori %lt3A_599, %ne3A_603 : vector<16xi1>
    %and3A_605 = arith.andi %ne3A_604, %ne3A_596 : vector<16xi1>
    %add3A_606 = vector.broadcast %select_n3A_591 : i32 to vector<16xi32>
    %add3A_607 = arith.addi %rem3A_593, %add3A_606 : vector<16xi32>
    %select_n3A_608 = arith.select %and3A_605, %add3A_607, %rem3A_593 : vector<16xi1>, vector<16xi32>
    %add3A_609 = arith.constant 0 : i32
    %add3A_610 = arith.addi %mul3A_2, %add3A_609 : i32
    %add3A_611 = arith.constant 200 : i32
    %add3A_612 = arith.addi %mul3A_2, %add3A_611 : i32
    %sub3A_613 = arith.constant 1 : i32
    %sub3A_614 = arith.subi %add3A_612, %sub3A_613 : i32
    %min3A = arith.minsi %add3A_610, %sub3A_614 : i32
    %mul3A_615 = arith.constant 128 : i32
    %mul3A_616 = arith.muli %min3A, %mul3A_615 : i32
    %dma_start3A = tpu.memref_slice %arg2[%mul3A_616] : memref<819200xi32, #tpu.memory_space<hbm>> -> memref<128xi32, #tpu.memory_space<hbm>>
    %dma_start3A_617 = tpu.memref_slice %arg2[%mul3A_616] : memref<819200xi32, #tpu.memory_space<hbm>> -> memref<128xi32, #tpu.memory_space<hbm>>
    tpu.enqueue_dma source(%dma_start3A_617 : memref<128xi32, #tpu.memory_space<hbm>>) target(%arg11 : memref<128xi32, #tpu.memory_space<vmem>>) target_semaphore(%arg37 : memref<!tpu.dma_semaphore, #tpu.memory_space<semaphore_mem>>)
    %dma_start3A_618 = tpu.memref_slice %arg3[%mul3A_616] : memref<819200xi32, #tpu.memory_space<hbm>> -> memref<128xi32, #tpu.memory_space<hbm>>
    %dma_start3A_619 = tpu.memref_slice %arg3[%mul3A_616] : memref<819200xi32, #tpu.memory_space<hbm>> -> memref<128xi32, #tpu.memory_space<hbm>>
    tpu.enqueue_dma source(%dma_start3A_619 : memref<128xi32, #tpu.memory_space<hbm>>) target(%arg12 : memref<128xi32, #tpu.memory_space<vmem>>) target_semaphore(%arg37 : memref<!tpu.dma_semaphore, #tpu.memory_space<semaphore_mem>>)
    %dma_start3A_620 = tpu.memref_slice %arg4[%mul3A_616] : memref<819200xi32, #tpu.memory_space<hbm>> -> memref<128xi32, #tpu.memory_space<hbm>>
    %dma_start3A_621 = tpu.memref_slice %arg4[%mul3A_616] : memref<819200xi32, #tpu.memory_space<hbm>> -> memref<128xi32, #tpu.memory_space<hbm>>
    tpu.enqueue_dma source(%dma_start3A_621 : memref<128xi32, #tpu.memory_space<hbm>>) target(%arg13 : memref<128xi32, #tpu.memory_space<vmem>>) target_semaphore(%arg37 : memref<!tpu.dma_semaphore, #tpu.memory_space<semaphore_mem>>)
    %dma_start3A_622 = tpu.memref_slice %arg5[%mul3A_616] : memref<819200xi32, #tpu.memory_space<hbm>> -> memref<128xi32, #tpu.memory_space<hbm>>
    %dma_start3A_623 = tpu.memref_slice %arg5[%mul3A_616] : memref<819200xi32, #tpu.memory_space<hbm>> -> memref<128xi32, #tpu.memory_space<hbm>>
    tpu.enqueue_dma source(%dma_start3A_623 : memref<128xi32, #tpu.memory_space<hbm>>) target(%arg14 : memref<128xi32, #tpu.memory_space<vmem>>) target_semaphore(%arg37 : memref<!tpu.dma_semaphore, #tpu.memory_space<semaphore_mem>>)
    %add3A_624 = arith.constant 1 : i32
    %add3A_625 = arith.addi %mul3A_2, %add3A_624 : i32
    %add3A_626 = arith.constant 200 : i32
    %add3A_627 = arith.addi %mul3A_2, %add3A_626 : i32
    %sub3A_628 = arith.constant 1 : i32
    %sub3A_629 = arith.subi %add3A_627, %sub3A_628 : i32
    %min3A_630 = arith.minsi %add3A_625, %sub3A_629 : i32
    %mul3A_631 = arith.constant 128 : i32
    %mul3A_632 = arith.muli %min3A_630, %mul3A_631 : i32
    %dma_start3A_633 = tpu.memref_slice %arg2[%mul3A_632] : memref<819200xi32, #tpu.memory_space<hbm>> -> memref<128xi32, #tpu.memory_space<hbm>>
    %dma_start3A_634 = tpu.memref_slice %arg2[%mul3A_632] : memref<819200xi32, #tpu.memory_space<hbm>> -> memref<128xi32, #tpu.memory_space<hbm>>
    tpu.enqueue_dma source(%dma_start3A_634 : memref<128xi32, #tpu.memory_space<hbm>>) target(%arg15 : memref<128xi32, #tpu.memory_space<vmem>>) target_semaphore(%arg38 : memref<!tpu.dma_semaphore, #tpu.memory_space<semaphore_mem>>)
    %dma_start3A_635 = tpu.memref_slice %arg3[%mul3A_632] : memref<819200xi32, #tpu.memory_space<hbm>> -> memref<128xi32, #tpu.memory_space<hbm>>
    %dma_start3A_636 = tpu.memref_slice %arg3[%mul3A_632] : memref<819200xi32, #tpu.memory_space<hbm>> -> memref<128xi32, #tpu.memory_space<hbm>>
    tpu.enqueue_dma source(%dma_start3A_636 : memref<128xi32, #tpu.memory_space<hbm>>) target(%arg16 : memref<128xi32, #tpu.memory_space<vmem>>) target_semaphore(%arg38 : memref<!tpu.dma_semaphore, #tpu.memory_space<semaphore_mem>>)
    %dma_start3A_637 = tpu.memref_slice %arg4[%mul3A_632] : memref<819200xi32, #tpu.memory_space<hbm>> -> memref<128xi32, #tpu.memory_space<hbm>>
    %dma_start3A_638 = tpu.memref_slice %arg4[%mul3A_632] : memref<819200xi32, #tpu.memory_space<hbm>> -> memref<128xi32, #tpu.memory_space<hbm>>
    tpu.enqueue_dma source(%dma_start3A_638 : memref<128xi32, #tpu.memory_space<hbm>>) target(%arg17 : memref<128xi32, #tpu.memory_space<vmem>>) target_semaphore(%arg38 : memref<!tpu.dma_semaphore, #tpu.memory_space<semaphore_mem>>)
    %dma_start3A_639 = tpu.memref_slice %arg5[%mul3A_632] : memref<819200xi32, #tpu.memory_space<hbm>> -> memref<128xi32, #tpu.memory_space<hbm>>
    %dma_start3A_640 = tpu.memref_slice %arg5[%mul3A_632] : memref<819200xi32, #tpu.memory_space<hbm>> -> memref<128xi32, #tpu.memory_space<hbm>>
    tpu.enqueue_dma source(%dma_start3A_640 : memref<128xi32, #tpu.memory_space<hbm>>) target(%arg18 : memref<128xi32, #tpu.memory_space<vmem>>) target_semaphore(%arg38 : memref<!tpu.dma_semaphore, #tpu.memory_space<semaphore_mem>>)
    %add3A_641 = arith.constant 2 : i32
    %add3A_642 = arith.addi %mul3A_2, %add3A_641 : i32
    %add3A_643 = arith.constant 200 : i32
    %add3A_644 = arith.addi %mul3A_2, %add3A_643 : i32
    %sub3A_645 = arith.constant 1 : i32
    %sub3A_646 = arith.subi %add3A_644, %sub3A_645 : i32
    %min3A_647 = arith.minsi %add3A_642, %sub3A_646 : i32
    %mul3A_648 = arith.constant 128 : i32
    %mul3A_649 = arith.muli %min3A_647, %mul3A_648 : i32
    %dma_start3A_650 = tpu.memref_slice %arg2[%mul3A_649] : memref<819200xi32, #tpu.memory_space<hbm>> -> memref<128xi32, #tpu.memory_space<hbm>>
    %dma_start3A_651 = tpu.memref_slice %arg2[%mul3A_649] : memref<819200xi32, #tpu.memory_space<hbm>> -> memref<128xi32, #tpu.memory_space<hbm>>
    tpu.enqueue_dma source(%dma_start3A_651 : memref<128xi32, #tpu.memory_space<hbm>>) target(%arg19 : memref<128xi32, #tpu.memory_space<vmem>>) target_semaphore(%arg39 : memref<!tpu.dma_semaphore, #tpu.memory_space<semaphore_mem>>)
    %dma_start3A_652 = tpu.memref_slice %arg3[%mul3A_649] : memref<819200xi32, #tpu.memory_space<hbm>> -> memref<128xi32, #tpu.memory_space<hbm>>
    %dma_start3A_653 = tpu.memref_slice %arg3[%mul3A_649] : memref<819200xi32, #tpu.memory_space<hbm>> -> memref<128xi32, #tpu.memory_space<hbm>>
    tpu.enqueue_dma source(%dma_start3A_653 : memref<128xi32, #tpu.memory_space<hbm>>) target(%arg20 : memref<128xi32, #tpu.memory_space<vmem>>) target_semaphore(%arg39 : memref<!tpu.dma_semaphore, #tpu.memory_space<semaphore_mem>>)
    %dma_start3A_654 = tpu.memref_slice %arg4[%mul3A_649] : memref<819200xi32, #tpu.memory_space<hbm>> -> memref<128xi32, #tpu.memory_space<hbm>>
    %dma_start3A_655 = tpu.memref_slice %arg4[%mul3A_649] : memref<819200xi32, #tpu.memory_space<hbm>> -> memref<128xi32, #tpu.memory_space<hbm>>
    tpu.enqueue_dma source(%dma_start3A_655 : memref<128xi32, #tpu.memory_space<hbm>>) target(%arg21 : memref<128xi32, #tpu.memory_space<vmem>>) target_semaphore(%arg39 : memref<!tpu.dma_semaphore, #tpu.memory_space<semaphore_mem>>)
    %dma_start3A_656 = tpu.memref_slice %arg5[%mul3A_649] : memref<819200xi32, #tpu.memory_space<hbm>> -> memref<128xi32, #tpu.memory_space<hbm>>
    %dma_start3A_657 = tpu.memref_slice %arg5[%mul3A_649] : memref<819200xi32, #tpu.memory_space<hbm>> -> memref<128xi32, #tpu.memory_space<hbm>>
    tpu.enqueue_dma source(%dma_start3A_657 : memref<128xi32, #tpu.memory_space<hbm>>) target(%arg22 : memref<128xi32, #tpu.memory_space<vmem>>) target_semaphore(%arg39 : memref<!tpu.dma_semaphore, #tpu.memory_space<semaphore_mem>>)
    %add3A_658 = arith.constant 3 : i32
    %add3A_659 = arith.addi %mul3A_2, %add3A_658 : i32
    %add3A_660 = arith.constant 200 : i32
    %add3A_661 = arith.addi %mul3A_2, %add3A_660 : i32
    %sub3A_662 = arith.constant 1 : i32
    %sub3A_663 = arith.subi %add3A_661, %sub3A_662 : i32
    %min3A_664 = arith.minsi %add3A_659, %sub3A_663 : i32
    %mul3A_665 = arith.constant 128 : i32
    %mul3A_666 = arith.muli %min3A_664, %mul3A_665 : i32
    %dma_start3A_667 = tpu.memref_slice %arg2[%mul3A_666] : memref<819200xi32, #tpu.memory_space<hbm>> -> memref<128xi32, #tpu.memory_space<hbm>>
    %dma_start3A_668 = tpu.memref_slice %arg2[%mul3A_666] : memref<819200xi32, #tpu.memory_space<hbm>> -> memref<128xi32, #tpu.memory_space<hbm>>
    tpu.enqueue_dma source(%dma_start3A_668 : memref<128xi32, #tpu.memory_space<hbm>>) target(%arg23 : memref<128xi32, #tpu.memory_space<vmem>>) target_semaphore(%arg40 : memref<!tpu.dma_semaphore, #tpu.memory_space<semaphore_mem>>)
    %dma_start3A_669 = tpu.memref_slice %arg3[%mul3A_666] : memref<819200xi32, #tpu.memory_space<hbm>> -> memref<128xi32, #tpu.memory_space<hbm>>
    %dma_start3A_670 = tpu.memref_slice %arg3[%mul3A_666] : memref<819200xi32, #tpu.memory_space<hbm>> -> memref<128xi32, #tpu.memory_space<hbm>>
    tpu.enqueue_dma source(%dma_start3A_670 : memref<128xi32, #tpu.memory_space<hbm>>) target(%arg24 : memref<128xi32, #tpu.memory_space<vmem>>) target_semaphore(%arg40 : memref<!tpu.dma_semaphore, #tpu.memory_space<semaphore_mem>>)
    %dma_start3A_671 = tpu.memref_slice %arg4[%mul3A_666] : memref<819200xi32, #tpu.memory_space<hbm>> -> memref<128xi32, #tpu.memory_space<hbm>>
    %dma_start3A_672 = tpu.memref_slice %arg4[%mul3A_666] : memref<819200xi32, #tpu.memory_space<hbm>> -> memref<128xi32, #tpu.memory_space<hbm>>
    tpu.enqueue_dma source(%dma_start3A_672 : memref<128xi32, #tpu.memory_space<hbm>>) target(%arg25 : memref<128xi32, #tpu.memory_space<vmem>>) target_semaphore(%arg40 : memref<!tpu.dma_semaphore, #tpu.memory_space<semaphore_mem>>)
    %dma_start3A_673 = tpu.memref_slice %arg5[%mul3A_666] : memref<819200xi32, #tpu.memory_space<hbm>> -> memref<128xi32, #tpu.memory_space<hbm>>
    %dma_start3A_674 = tpu.memref_slice %arg5[%mul3A_666] : memref<819200xi32, #tpu.memory_space<hbm>> -> memref<128xi32, #tpu.memory_space<hbm>>
    tpu.enqueue_dma source(%dma_start3A_674 : memref<128xi32, #tpu.memory_space<hbm>>) target(%arg26 : memref<128xi32, #tpu.memory_space<vmem>>) target_semaphore(%arg40 : memref<!tpu.dma_semaphore, #tpu.memory_space<semaphore_mem>>)
    %dma_wait3A = arith.constant 0 : i32
    %dma_wait3A_675 = tpu.memref_slice %arg2[%dma_wait3A] : memref<819200xi32, #tpu.memory_space<hbm>> -> memref<128xi32, #tpu.memory_space<hbm>>
    %dma_wait3A_676 = arith.constant 0 : i32
    %dma_wait3A_677 = tpu.memref_slice %arg2[%dma_wait3A_676] : memref<819200xi32, #tpu.memory_space<hbm>> -> memref<128xi32, #tpu.memory_space<hbm>>
    tpu.wait_dma2 semaphore(%arg37 : memref<!tpu.dma_semaphore, #tpu.memory_space<semaphore_mem>>) src(%dma_wait3A_677 : memref<128xi32, #tpu.memory_space<hbm>>) dst(%arg11 : memref<128xi32, #tpu.memory_space<vmem>>)
    %dma_wait3A_678 = arith.constant 0 : i32
    %dma_wait3A_679 = tpu.memref_slice %arg3[%dma_wait3A_678] : memref<819200xi32, #tpu.memory_space<hbm>> -> memref<128xi32, #tpu.memory_space<hbm>>
    %dma_wait3A_680 = arith.constant 0 : i32
    %dma_wait3A_681 = tpu.memref_slice %arg3[%dma_wait3A_680] : memref<819200xi32, #tpu.memory_space<hbm>> -> memref<128xi32, #tpu.memory_space<hbm>>
    tpu.wait_dma2 semaphore(%arg37 : memref<!tpu.dma_semaphore, #tpu.memory_space<semaphore_mem>>) src(%dma_wait3A_681 : memref<128xi32, #tpu.memory_space<hbm>>) dst(%arg12 : memref<128xi32, #tpu.memory_space<vmem>>)
    %dma_wait3A_682 = arith.constant 0 : i32
    %dma_wait3A_683 = tpu.memref_slice %arg4[%dma_wait3A_682] : memref<819200xi32, #tpu.memory_space<hbm>> -> memref<128xi32, #tpu.memory_space<hbm>>
    %dma_wait3A_684 = arith.constant 0 : i32
    %dma_wait3A_685 = tpu.memref_slice %arg4[%dma_wait3A_684] : memref<819200xi32, #tpu.memory_space<hbm>> -> memref<128xi32, #tpu.memory_space<hbm>>
    tpu.wait_dma2 semaphore(%arg37 : memref<!tpu.dma_semaphore, #tpu.memory_space<semaphore_mem>>) src(%dma_wait3A_685 : memref<128xi32, #tpu.memory_space<hbm>>) dst(%arg13 : memref<128xi32, #tpu.memory_space<vmem>>)
    %dma_wait3A_686 = arith.constant 0 : i32
    %dma_wait3A_687 = tpu.memref_slice %arg5[%dma_wait3A_686] : memref<819200xi32, #tpu.memory_space<hbm>> -> memref<128xi32, #tpu.memory_space<hbm>>
    %dma_wait3A_688 = arith.constant 0 : i32
    %dma_wait3A_689 = tpu.memref_slice %arg5[%dma_wait3A_688] : memref<819200xi32, #tpu.memory_space<hbm>> -> memref<128xi32, #tpu.memory_space<hbm>>
    tpu.wait_dma2 semaphore(%arg37 : memref<!tpu.dma_semaphore, #tpu.memory_space<semaphore_mem>>) src(%dma_wait3A_689 : memref<128xi32, #tpu.memory_space<hbm>>) dst(%arg14 : memref<128xi32, #tpu.memory_space<vmem>>)
    %dma_start3A_690 = arith.constant 0 : i32
    %dma_start3A_691 = arith.constant 0 : i32
    %dma_start3A_692 = tpu.memref_slice %arg6[%dma_start3A_690, %dma_start3A_691] : memref<100000x128xf32, #tpu.memory_space<hbm>> -> memref<100000x128xf32, #tpu.memory_space<hbm>>
    tpu.enqueue_indirect_dma source(%dma_start3A_692 : memref<100000x128xf32, #tpu.memory_space<hbm>>) target(%arg27 : memref<128x128xf32, #tpu.memory_space<vmem>>) offsets(%arg11 : memref<128xi32, #tpu.memory_space<vmem>>) semaphore(%arg41 : memref<!tpu.dma_semaphore, #tpu.memory_space<semaphore_mem>>)
    %dma_start3A_693 = arith.constant 0 : i32
    %dma_start3A_694 = arith.constant 0 : i32
    %dma_start3A_695 = tpu.memref_slice %arg7[%dma_start3A_693, %dma_start3A_694] : memref<200x16xf32, #tpu.memory_space<hbm>> -> memref<200x16xf32, #tpu.memory_space<hbm>>
    tpu.enqueue_indirect_dma source(%dma_start3A_695 : memref<200x16xf32, #tpu.memory_space<hbm>>) target(%arg28 : memref<128x16xf32, #tpu.memory_space<vmem>>) offsets(%arg12 : memref<128xi32, #tpu.memory_space<vmem>>) semaphore(%arg41 : memref<!tpu.dma_semaphore, #tpu.memory_space<semaphore_mem>>)
    %dma_start3A_696 = arith.constant 0 : i32
    %dma_start3A_697 = arith.constant 0 : i32
    %dma_start3A_698 = tpu.memref_slice %arg8[%dma_start3A_696, %dma_start3A_697] : memref<400x16xf32, #tpu.memory_space<hbm>> -> memref<400x16xf32, #tpu.memory_space<hbm>>
    tpu.enqueue_indirect_dma source(%dma_start3A_698 : memref<400x16xf32, #tpu.memory_space<hbm>>) target(%arg29 : memref<128x16xf32, #tpu.memory_space<vmem>>) offsets(%arg13 : memref<128xi32, #tpu.memory_space<vmem>>) semaphore(%arg41 : memref<!tpu.dma_semaphore, #tpu.memory_space<semaphore_mem>>)
    %dma_start3A_699 = arith.constant 0 : i32
    %dma_start3A_700 = arith.constant 0 : i32
    %dma_start3A_701 = tpu.memref_slice %arg9[%dma_start3A_699, %dma_start3A_700] : memref<400x16xf32, #tpu.memory_space<hbm>> -> memref<400x16xf32, #tpu.memory_space<hbm>>
    tpu.enqueue_indirect_dma source(%dma_start3A_701 : memref<400x16xf32, #tpu.memory_space<hbm>>) target(%arg30 : memref<128x16xf32, #tpu.memory_space<vmem>>) offsets(%arg14 : memref<128xi32, #tpu.memory_space<vmem>>) semaphore(%arg41 : memref<!tpu.dma_semaphore, #tpu.memory_space<semaphore_mem>>)
    %dma_wait3A_702 = arith.constant 0 : i32
    %dma_wait3A_703 = tpu.memref_slice %arg2[%dma_wait3A_702] : memref<819200xi32, #tpu.memory_space<hbm>> -> memref<128xi32, #tpu.memory_space<hbm>>
    %dma_wait3A_704 = arith.constant 0 : i32
    %dma_wait3A_705 = tpu.memref_slice %arg2[%dma_wait3A_704] : memref<819200xi32, #tpu.memory_space<hbm>> -> memref<128xi32, #tpu.memory_space<hbm>>
    tpu.wait_dma2 semaphore(%arg38 : memref<!tpu.dma_semaphore, #tpu.memory_space<semaphore_mem>>) src(%dma_wait3A_705 : memref<128xi32, #tpu.memory_space<hbm>>) dst(%arg15 : memref<128xi32, #tpu.memory_space<vmem>>)
    %dma_wait3A_706 = arith.constant 0 : i32
    %dma_wait3A_707 = tpu.memref_slice %arg3[%dma_wait3A_706] : memref<819200xi32, #tpu.memory_space<hbm>> -> memref<128xi32, #tpu.memory_space<hbm>>
    %dma_wait3A_708 = arith.constant 0 : i32
    %dma_wait3A_709 = tpu.memref_slice %arg3[%dma_wait3A_708] : memref<819200xi32, #tpu.memory_space<hbm>> -> memref<128xi32, #tpu.memory_space<hbm>>
    tpu.wait_dma2 semaphore(%arg38 : memref<!tpu.dma_semaphore, #tpu.memory_space<semaphore_mem>>) src(%dma_wait3A_709 : memref<128xi32, #tpu.memory_space<hbm>>) dst(%arg16 : memref<128xi32, #tpu.memory_space<vmem>>)
    %dma_wait3A_710 = arith.constant 0 : i32
    %dma_wait3A_711 = tpu.memref_slice %arg4[%dma_wait3A_710] : memref<819200xi32, #tpu.memory_space<hbm>> -> memref<128xi32, #tpu.memory_space<hbm>>
    %dma_wait3A_712 = arith.constant 0 : i32
    %dma_wait3A_713 = tpu.memref_slice %arg4[%dma_wait3A_712] : memref<819200xi32, #tpu.memory_space<hbm>> -> memref<128xi32, #tpu.memory_space<hbm>>
    tpu.wait_dma2 semaphore(%arg38 : memref<!tpu.dma_semaphore, #tpu.memory_space<semaphore_mem>>) src(%dma_wait3A_713 : memref<128xi32, #tpu.memory_space<hbm>>) dst(%arg17 : memref<128xi32, #tpu.memory_space<vmem>>)
    %dma_wait3A_714 = arith.constant 0 : i32
    %dma_wait3A_715 = tpu.memref_slice %arg5[%dma_wait3A_714] : memref<819200xi32, #tpu.memory_space<hbm>> -> memref<128xi32, #tpu.memory_space<hbm>>
    %dma_wait3A_716 = arith.constant 0 : i32
    %dma_wait3A_717 = tpu.memref_slice %arg5[%dma_wait3A_716] : memref<819200xi32, #tpu.memory_space<hbm>> -> memref<128xi32, #tpu.memory_space<hbm>>
    tpu.wait_dma2 semaphore(%arg38 : memref<!tpu.dma_semaphore, #tpu.memory_space<semaphore_mem>>) src(%dma_wait3A_717 : memref<128xi32, #tpu.memory_space<hbm>>) dst(%arg18 : memref<128xi32, #tpu.memory_space<vmem>>)
    %dma_start3A_718 = arith.constant 0 : i32
    %dma_start3A_719 = arith.constant 0 : i32
    %dma_start3A_720 = tpu.memref_slice %arg6[%dma_start3A_718, %dma_start3A_719] : memref<100000x128xf32, #tpu.memory_space<hbm>> -> memref<100000x128xf32, #tpu.memory_space<hbm>>
    tpu.enqueue_indirect_dma source(%dma_start3A_720 : memref<100000x128xf32, #tpu.memory_space<hbm>>) target(%arg31 : memref<128x128xf32, #tpu.memory_space<vmem>>) offsets(%arg15 : memref<128xi32, #tpu.memory_space<vmem>>) semaphore(%arg42 : memref<!tpu.dma_semaphore, #tpu.memory_space<semaphore_mem>>)
    %dma_start3A_721 = arith.constant 0 : i32
    %dma_start3A_722 = arith.constant 0 : i32
    %dma_start3A_723 = tpu.memref_slice %arg7[%dma_start3A_721, %dma_start3A_722] : memref<200x16xf32, #tpu.memory_space<hbm>> -> memref<200x16xf32, #tpu.memory_space<hbm>>
    tpu.enqueue_indirect_dma source(%dma_start3A_723 : memref<200x16xf32, #tpu.memory_space<hbm>>) target(%arg32 : memref<128x16xf32, #tpu.memory_space<vmem>>) offsets(%arg16 : memref<128xi32, #tpu.memory_space<vmem>>) semaphore(%arg42 : memref<!tpu.dma_semaphore, #tpu.memory_space<semaphore_mem>>)
    %dma_start3A_724 = arith.constant 0 : i32
    %dma_start3A_725 = arith.constant 0 : i32
    %dma_start3A_726 = tpu.memref_slice %arg8[%dma_start3A_724, %dma_start3A_725] : memref<400x16xf32, #tpu.memory_space<hbm>> -> memref<400x16xf32, #tpu.memory_space<hbm>>
    tpu.enqueue_indirect_dma source(%dma_start3A_726 : memref<400x16xf32, #tpu.memory_space<hbm>>) target(%arg33 : memref<128x16xf32, #tpu.memory_space<vmem>>) offsets(%arg17 : memref<128xi32, #tpu.memory_space<vmem>>) semaphore(%arg42 : memref<!tpu.dma_semaphore, #tpu.memory_space<semaphore_mem>>)
    %dma_start3A_727 = arith.constant 0 : i32
    %dma_start3A_728 = arith.constant 0 : i32
    %dma_start3A_729 = tpu.memref_slice %arg9[%dma_start3A_727, %dma_start3A_728] : memref<400x16xf32, #tpu.memory_space<hbm>> -> memref<400x16xf32, #tpu.memory_space<hbm>>
    tpu.enqueue_indirect_dma source(%dma_start3A_729 : memref<400x16xf32, #tpu.memory_space<hbm>>) target(%arg34 : memref<128x16xf32, #tpu.memory_space<vmem>>) offsets(%arg18 : memref<128xi32, #tpu.memory_space<vmem>>) semaphore(%arg42 : memref<!tpu.dma_semaphore, #tpu.memory_space<semaphore_mem>>)
    %scan3A = arith.constant 0 : i32
    %scan3A_730 = arith.constant 0 : i32
    %scan3A_731 = arith.constant 50 : i32
    %scan3A_732 = arith.addi %scan3A_730, %scan3A_731 : i32
    %scan3A_733 = arith.constant 1 : i32
    scf.for %scan3A_831 = %scan3A_730 to %scan3A_732 step %scan3A_733  : i32 {
      %mul3A_832 = arith.constant 4 : i32
      %mul3A_833 = arith.muli %scan3A_831, %mul3A_832 : i32
      %add3A_834 = arith.addi %mul3A_2, %mul3A_833 : i32
      %add3A_835 = arith.constant 0 : i32
      %add3A_836 = arith.addi %add3A_834, %add3A_835 : i32
      %dma_wait3A_837 = arith.constant 0 : i32
      %dma_wait3A_838 = arith.constant 0 : i32
      %dma_wait3A_839 = tpu.memref_slice %arg6[%dma_wait3A_837, %dma_wait3A_838] : memref<100000x128xf32, #tpu.memory_space<hbm>> -> memref<100000x128xf32, #tpu.memory_space<hbm>>
      tpu.wait_indirect_dma semaphore(%arg41 : memref<!tpu.dma_semaphore, #tpu.memory_space<semaphore_mem>>) src(%dma_wait3A_839 : memref<100000x128xf32, #tpu.memory_space<hbm>>) dst(%arg27 : memref<128x128xf32, #tpu.memory_space<vmem>>)
      %dma_wait3A_840 = arith.constant 0 : i32
      %dma_wait3A_841 = arith.constant 0 : i32
      %dma_wait3A_842 = tpu.memref_slice %arg7[%dma_wait3A_840, %dma_wait3A_841] : memref<200x16xf32, #tpu.memory_space<hbm>> -> memref<200x16xf32, #tpu.memory_space<hbm>>
      tpu.wait_indirect_dma semaphore(%arg41 : memref<!tpu.dma_semaphore, #tpu.memory_space<semaphore_mem>>) src(%dma_wait3A_842 : memref<200x16xf32, #tpu.memory_space<hbm>>) dst(%arg28 : memref<128x16xf32, #tpu.memory_space<vmem>>)
      %dma_wait3A_843 = arith.constant 0 : i32
      %dma_wait3A_844 = arith.constant 0 : i32
      %dma_wait3A_845 = tpu.memref_slice %arg8[%dma_wait3A_843, %dma_wait3A_844] : memref<400x16xf32, #tpu.memory_space<hbm>> -> memref<400x16xf32, #tpu.memory_space<hbm>>
      tpu.wait_indirect_dma semaphore(%arg41 : memref<!tpu.dma_semaphore, #tpu.memory_space<semaphore_mem>>) src(%dma_wait3A_845 : memref<400x16xf32, #tpu.memory_space<hbm>>) dst(%arg29 : memref<128x16xf32, #tpu.memory_space<vmem>>)
      %dma_wait3A_846 = arith.constant 0 : i32
      %dma_wait3A_847 = arith.constant 0 : i32
      %dma_wait3A_848 = tpu.memref_slice %arg9[%dma_wait3A_846, %dma_wait3A_847] : memref<400x16xf32, #tpu.memory_space<hbm>> -> memref<400x16xf32, #tpu.memory_space<hbm>>
      tpu.wait_indirect_dma semaphore(%arg41 : memref<!tpu.dma_semaphore, #tpu.memory_space<semaphore_mem>>) src(%dma_wait3A_848 : memref<400x16xf32, #tpu.memory_space<hbm>>) dst(%arg30 : memref<128x16xf32, #tpu.memory_space<vmem>>)
      %gt3A = arith.constant 0 : i32
      %gt3A_849 = arith.cmpi sgt, %scan3A_831, %gt3A : i32
      %convert_element_type3A = arith.extui %gt3A_849 : i1 to i32
      %cond3A = arith.constant 0 : i32
      %cond3A_850 = arith.cmpi ne, %convert_element_type3A, %cond3A : i32
      scf.if %cond3A_850 {
        %dma_wait3A_1374 = arith.constant 0 : i32
        %dma_wait3A_1375 = arith.constant 0 : i32
        %dma_wait3A_1376 = arith.constant 0 : i32
        %dma_wait3A_1377 = arith.constant 0 : i32
        %dma_wait3A_1378 = arith.constant 0 : i32
        %dma_wait3A_1379 = tpu.memref_slice %arg35[%dma_wait3A_1376, %dma_wait3A_1377, %dma_wait3A_1378] : memref<22x8x136xf32, #tpu.memory_space<vmem>> -> memref<22x8x128xf32, #tpu.memory_space<vmem>>
        %dma_wait3A_1380 = arith.constant 0 : i32
        %dma_wait3A_1381 = arith.constant 0 : i32
        %dma_wait3A_1382 = arith.constant 0 : i32
        %dma_wait3A_1383 = tpu.memref_slice %arg10[%dma_wait3A_1374, %dma_wait3A_1380, %dma_wait3A_1375, %dma_wait3A_1381, %dma_wait3A_1382] : memref<200x22x32x8x128xf32, #tpu.memory_space<hbm>> -> memref<1x22x1x8x128xf32, #tpu.memory_space<hbm>>
        %dma_wait3A_1384 = tpu.memref_squeeze %dma_wait3A_1383 : memref<1x22x1x8x128xf32, #tpu.memory_space<hbm>> -> memref<22x8x128xf32, #tpu.memory_space<hbm>>
        %dma_wait3A_1385 = arith.constant 0 : i32
        %dma_wait3A_1386 = arith.constant 0 : i32
        %dma_wait3A_1387 = arith.constant 0 : i32
        %dma_wait3A_1388 = tpu.memref_slice %arg10[%dma_wait3A_1374, %dma_wait3A_1385, %dma_wait3A_1375, %dma_wait3A_1386, %dma_wait3A_1387] : memref<200x22x32x8x128xf32, #tpu.memory_space<hbm>> -> memref<1x22x1x8x128xf32, #tpu.memory_space<hbm>>
        %dma_wait3A_1389 = tpu.memref_squeeze %dma_wait3A_1388 : memref<1x22x1x8x128xf32, #tpu.memory_space<hbm>> -> memref<22x8x128xf32, #tpu.memory_space<hbm>>
        %dma_wait3A_1390 = arith.constant 0 : i32
        %dma_wait3A_1391 = arith.constant 0 : i32
        %dma_wait3A_1392 = arith.constant 0 : i32
        %dma_wait3A_1393 = tpu.memref_slice %arg35[%dma_wait3A_1390, %dma_wait3A_1391, %dma_wait3A_1392] : memref<22x8x136xf32, #tpu.memory_space<vmem>> -> memref<22x8x128xf32, #tpu.memory_space<vmem>>
        tpu.wait_dma2 semaphore(%arg43 : memref<!tpu.dma_semaphore, #tpu.memory_space<semaphore_mem>>) src(%dma_wait3A_1393 : memref<22x8x128xf32, #tpu.memory_space<vmem>>) dst(%dma_wait3A_1389 : memref<22x8x128xf32, #tpu.memory_space<hbm>>)
      } else {
      }
      %add3A_851 = arith.constant 4 : i32
      %add3A_852 = arith.addi %add3A_836, %add3A_851 : i32
      %add3A_853 = arith.constant 200 : i32
      %add3A_854 = arith.addi %mul3A_2, %add3A_853 : i32
      %sub3A_855 = arith.constant 1 : i32
      %sub3A_856 = arith.subi %add3A_854, %sub3A_855 : i32
      %min3A_857 = arith.minsi %add3A_852, %sub3A_856 : i32
      %mul3A_858 = arith.constant 128 : i32
      %mul3A_859 = arith.muli %min3A_857, %mul3A_858 : i32
      %dma_start3A_860 = tpu.memref_slice %arg2[%mul3A_859] : memref<819200xi32, #tpu.memory_space<hbm>> -> memref<128xi32, #tpu.memory_space<hbm>>
      %dma_start3A_861 = tpu.memref_slice %arg2[%mul3A_859] : memref<819200xi32, #tpu.memory_space<hbm>> -> memref<128xi32, #tpu.memory_space<hbm>>
      tpu.enqueue_dma source(%dma_start3A_861 : memref<128xi32, #tpu.memory_space<hbm>>) target(%arg11 : memref<128xi32, #tpu.memory_space<vmem>>) target_semaphore(%arg37 : memref<!tpu.dma_semaphore, #tpu.memory_space<semaphore_mem>>)
      %dma_start3A_862 = tpu.memref_slice %arg3[%mul3A_859] : memref<819200xi32, #tpu.memory_space<hbm>> -> memref<128xi32, #tpu.memory_space<hbm>>
      %dma_start3A_863 = tpu.memref_slice %arg3[%mul3A_859] : memref<819200xi32, #tpu.memory_space<hbm>> -> memref<128xi32, #tpu.memory_space<hbm>>
      tpu.enqueue_dma source(%dma_start3A_863 : memref<128xi32, #tpu.memory_space<hbm>>) target(%arg12 : memref<128xi32, #tpu.memory_space<vmem>>) target_semaphore(%arg37 : memref<!tpu.dma_semaphore, #tpu.memory_space<semaphore_mem>>)
      %dma_start3A_864 = tpu.memref_slice %arg4[%mul3A_859] : memref<819200xi32, #tpu.memory_space<hbm>> -> memref<128xi32, #tpu.memory_space<hbm>>
      %dma_start3A_865 = tpu.memref_slice %arg4[%mul3A_859] : memref<819200xi32, #tpu.memory_space<hbm>> -> memref<128xi32, #tpu.memory_space<hbm>>
      tpu.enqueue_dma source(%dma_start3A_865 : memref<128xi32, #tpu.memory_space<hbm>>) target(%arg13 : memref<128xi32, #tpu.memory_space<vmem>>) target_semaphore(%arg37 : memref<!tpu.dma_semaphore, #tpu.memory_space<semaphore_mem>>)
      %dma_start3A_866 = tpu.memref_slice %arg5[%mul3A_859] : memref<819200xi32, #tpu.memory_space<hbm>> -> memref<128xi32, #tpu.memory_space<hbm>>
      %dma_start3A_867 = tpu.memref_slice %arg5[%mul3A_859] : memref<819200xi32, #tpu.memory_space<hbm>> -> memref<128xi32, #tpu.memory_space<hbm>>
      tpu.enqueue_dma source(%dma_start3A_867 : memref<128xi32, #tpu.memory_space<hbm>>) target(%arg14 : memref<128xi32, #tpu.memory_space<vmem>>) target_semaphore(%arg37 : memref<!tpu.dma_semaphore, #tpu.memory_space<semaphore_mem>>)
      %scan3A_868 = arith.constant 0 : i32
      %scan3A_869 = arith.constant 0 : i32
      %scan3A_870 = arith.constant 64 : i32
      %scan3A_871 = arith.addi %scan3A_869, %scan3A_870 : i32
      %scan3A_872 = arith.constant 1 : i32
      scf.for %scan3A_1374 = %scan3A_869 to %scan3A_871 step %scan3A_872  : i32 {
        %mul3A_1375 = arith.constant 2 : i32
        %mul3A_1376 = arith.muli %scan3A_1374, %mul3A_1375 : i32
        %add3A_1377 = arith.constant 0 : i32
        %add3A_1378 = arith.addi %mul3A_1376, %add3A_1377 : i32
        %broadcast_in_dim3A = vector.broadcast %add3A_1378 : i32 to vector<16xi32>
        %get3A = arith.index_cast %add3A_1378 : i32 to index
        %get3A_1379 = arith.constant 0 : index
        %get3A_1380 = tpu.vector_load %arg27[%get3A, %get3A_1379] {strides = array<i32>} : memref<128x128xf32, #tpu.memory_space<vmem>>, vector<16xf32>,
        tpu.vector_store_idx %arg35[%select_n3A, %select_n3A_388, %broadcast_in_dim3A], %get3A_1380 : memref<22x8x136xf32, #tpu.memory_space<vmem>>[vector<16xi32>, vector<16xi32>, vector<16xi32>], vector<16xf32>,
        %get3A_1381 = arith.index_cast %add3A_1378 : i32 to index
        %get3A_1382 = arith.constant 16 : index
        %get3A_1383 = tpu.vector_load %arg27[%get3A_1381, %get3A_1382] {strides = array<i32>} : memref<128x128xf32, #tpu.memory_space<vmem>>, vector<16xf32>,
        tpu.vector_store_idx %arg35[%select_n3A_89, %select_n3A_410, %broadcast_in_dim3A], %get3A_1383 : memref<22x8x136xf32, #tpu.memory_space<vmem>>[vector<16xi32>, vector<16xi32>, vector<16xi32>], vector<16xf32>,
        %get3A_1384 = arith.index_cast %add3A_1378 : i32 to index
        %get3A_1385 = arith.constant 32 : index
        %get3A_1386 = tpu.vector_load %arg27[%get3A_1384, %get3A_1385] {strides = array<i32>} : memref<128x128xf32, #tpu.memory_space<vmem>>, vector<16xf32>,
        tpu.vector_store_idx %arg35[%select_n3A_120, %select_n3A_432, %broadcast_in_dim3A], %get3A_1386 : memref<22x8x136xf32, #tpu.memory_space<vmem>>[vector<16xi32>, vector<16xi32>, vector<16xi32>], vector<16xf32>,
        %get3A_1387 = arith.index_cast %add3A_1378 : i32 to index
        %get3A_1388 = arith.constant 48 : index
        %get3A_1389 = tpu.vector_load %arg27[%get3A_1387, %get3A_1388] {strides = array<i32>} : memref<128x128xf32, #tpu.memory_space<vmem>>, vector<16xf32>,
        tpu.vector_store_idx %arg35[%select_n3A_151, %select_n3A_454, %broadcast_in_dim3A], %get3A_1389 : memref<22x8x136xf32, #tpu.memory_space<vmem>>[vector<16xi32>, vector<16xi32>, vector<16xi32>], vector<16xf32>,
        %get3A_1390 = arith.index_cast %add3A_1378 : i32 to index
        %get3A_1391 = arith.constant 64 : index
        %get3A_1392 = tpu.vector_load %arg27[%get3A_1390, %get3A_1391] {strides = array<i32>} : memref<128x128xf32, #tpu.memory_space<vmem>>, vector<16xf32>,
        tpu.vector_store_idx %arg35[%select_n3A_182, %select_n3A_476, %broadcast_in_dim3A], %get3A_1392 : memref<22x8x136xf32, #tpu.memory_space<vmem>>[vector<16xi32>, vector<16xi32>, vector<16xi32>], vector<16xf32>,
        %get3A_1393 = arith.index_cast %add3A_1378 : i32 to index
        %get3A_1394 = arith.constant 80 : index
        %get3A_1395 = tpu.vector_load %arg27[%get3A_1393, %get3A_1394] {strides = array<i32>} : memref<128x128xf32, #tpu.memory_space<vmem>>, vector<16xf32>,
        tpu.vector_store_idx %arg35[%select_n3A_213, %select_n3A_498, %broadcast_in_dim3A], %get3A_1395 : memref<22x8x136xf32, #tpu.memory_space<vmem>>[vector<16xi32>, vector<16xi32>, vector<16xi32>], vector<16xf32>,
        %get3A_1396 = arith.index_cast %add3A_1378 : i32 to index
        %get3A_1397 = arith.constant 96 : index
        %get3A_1398 = tpu.vector_load %arg27[%get3A_1396, %get3A_1397] {strides = array<i32>} : memref<128x128xf32, #tpu.memory_space<vmem>>, vector<16xf32>,
        tpu.vector_store_idx %arg35[%select_n3A_244, %select_n3A_520, %broadcast_in_dim3A], %get3A_1398 : memref<22x8x136xf32, #tpu.memory_space<vmem>>[vector<16xi32>, vector<16xi32>, vector<16xi32>], vector<16xf32>,
        %get3A_1399 = arith.index_cast %add3A_1378 : i32 to index
        %get3A_1400 = arith.constant 112 : index
        %get3A_1401 = tpu.vector_load %arg27[%get3A_1399, %get3A_1400] {strides = array<i32>} : memref<128x128xf32, #tpu.memory_space<vmem>>, vector<16xf32>,
        tpu.vector_store_idx %arg35[%select_n3A_275, %select_n3A_542, %broadcast_in_dim3A], %get3A_1401 : memref<22x8x136xf32, #tpu.memory_space<vmem>>[vector<16xi32>, vector<16xi32>, vector<16xi32>], vector<16xf32>,
        %get3A_1402 = arith.index_cast %add3A_1378 : i32 to index
        %get3A_1403 = arith.constant 0 : index
        %get3A_1404 = tpu.vector_load %arg28[%get3A_1402, %get3A_1403] {strides = array<i32>} : memref<128x16xf32, #tpu.memory_space<vmem>>, vector<16xf32>,
        tpu.vector_store_idx %arg35[%select_n3A_306, %select_n3A_564, %broadcast_in_dim3A], %get3A_1404 : memref<22x8x136xf32, #tpu.memory_space<vmem>>[vector<16xi32>, vector<16xi32>, vector<16xi32>], vector<16xf32>,
        %get3A_1405 = arith.index_cast %add3A_1378 : i32 to index
        %get3A_1406 = arith.constant 0 : index
        %get3A_1407 = tpu.vector_load %arg29[%get3A_1405, %get3A_1406] {strides = array<i32>} : memref<128x16xf32, #tpu.memory_space<vmem>>, vector<16xf32>,
        tpu.vector_store_idx %arg35[%select_n3A_337, %select_n3A_586, %broadcast_in_dim3A], %get3A_1407 : memref<22x8x136xf32, #tpu.memory_space<vmem>>[vector<16xi32>, vector<16xi32>, vector<16xi32>], vector<16xf32>,
        %get3A_1408 = arith.index_cast %add3A_1378 : i32 to index
        %get3A_1409 = arith.constant 0 : index
        %get3A_1410 = tpu.vector_load %arg30[%get3A_1408, %get3A_1409] {strides = array<i32>} : memref<128x16xf32, #tpu.memory_space<vmem>>, vector<16xf32>,
        tpu.vector_store_idx %arg35[%select_n3A_368, %select_n3A_608, %broadcast_in_dim3A], %get3A_1410 : memref<22x8x136xf32, #tpu.memory_space<vmem>>[vector<16xi32>, vector<16xi32>, vector<16xi32>], vector<16xf32>,
        %mul3A_1411 = arith.constant 2 : i32
        %mul3A_1412 = arith.muli %scan3A_1374, %mul3A_1411 : i32
        %add3A_1413 = arith.constant 1 : i32
        %add3A_1414 = arith.addi %mul3A_1412, %add3A_1413 : i32
        %broadcast_in_dim3A_1415 = vector.broadcast %add3A_1414 : i32 to vector<16xi32>
        %get3A_1416 = arith.index_cast %add3A_1414 : i32 to index
        %get3A_1417 = arith.constant 0 : index
        %get3A_1418 = tpu.vector_load %arg27[%get3A_1416, %get3A_1417] {strides = array<i32>} : memref<128x128xf32, #tpu.memory_space<vmem>>, vector<16xf32>,
        tpu.vector_store_idx %arg35[%select_n3A, %select_n3A_388, %broadcast_in_dim3A_1415], %get3A_1418 : memref<22x8x136xf32, #tpu.memory_space<vmem>>[vector<16xi32>, vector<16xi32>, vector<16xi32>], vector<16xf32>,
        %get3A_1419 = arith.index_cast %add3A_1414 : i32 to index
        %get3A_1420 = arith.constant 16 : index
        %get3A_1421 = tpu.vector_load %arg27[%get3A_1419, %get3A_1420] {strides = array<i32>} : memref<128x128xf32, #tpu.memory_space<vmem>>, vector<16xf32>,
        tpu.vector_store_idx %arg35[%select_n3A_89, %select_n3A_410, %broadcast_in_dim3A_1415], %get3A_1421 : memref<22x8x136xf32, #tpu.memory_space<vmem>>[vector<16xi32>, vector<16xi32>, vector<16xi32>], vector<16xf32>,
        %get3A_1422 = arith.index_cast %add3A_1414 : i32 to index
        %get3A_1423 = arith.constant 32 : index
        %get3A_1424 = tpu.vector_load %arg27[%get3A_1422, %get3A_1423] {strides = array<i32>} : memref<128x128xf32, #tpu.memory_space<vmem>>, vector<16xf32>,
        tpu.vector_store_idx %arg35[%select_n3A_120, %select_n3A_432, %broadcast_in_dim3A_1415], %get3A_1424 : memref<22x8x136xf32, #tpu.memory_space<vmem>>[vector<16xi32>, vector<16xi32>, vector<16xi32>], vector<16xf32>,
        %get3A_1425 = arith.index_cast %add3A_1414 : i32 to index
        %get3A_1426 = arith.constant 48 : index
        %get3A_1427 = tpu.vector_load %arg27[%get3A_1425, %get3A_1426] {strides = array<i32>} : memref<128x128xf32, #tpu.memory_space<vmem>>, vector<16xf32>,
        tpu.vector_store_idx %arg35[%select_n3A_151, %select_n3A_454, %broadcast_in_dim3A_1415], %get3A_1427 : memref<22x8x136xf32, #tpu.memory_space<vmem>>[vector<16xi32>, vector<16xi32>, vector<16xi32>], vector<16xf32>,
        %get3A_1428 = arith.index_cast %add3A_1414 : i32 to index
        %get3A_1429 = arith.constant 64 : index
        %get3A_1430 = tpu.vector_load %arg27[%get3A_1428, %get3A_1429] {strides = array<i32>} : memref<128x128xf32, #tpu.memory_space<vmem>>, vector<16xf32>,
        tpu.vector_store_idx %arg35[%select_n3A_182, %select_n3A_476, %broadcast_in_dim3A_1415], %get3A_1430 : memref<22x8x136xf32, #tpu.memory_space<vmem>>[vector<16xi32>, vector<16xi32>, vector<16xi32>], vector<16xf32>,
        %get3A_1431 = arith.index_cast %add3A_1414 : i32 to index
        %get3A_1432 = arith.constant 80 : index
        %get3A_1433 = tpu.vector_load %arg27[%get3A_1431, %get3A_1432] {strides = array<i32>} : memref<128x128xf32, #tpu.memory_space<vmem>>, vector<16xf32>,
        tpu.vector_store_idx %arg35[%select_n3A_213, %select_n3A_498, %broadcast_in_dim3A_1415], %get3A_1433 : memref<22x8x136xf32, #tpu.memory_space<vmem>>[vector<16xi32>, vector<16xi32>, vector<16xi32>], vector<16xf32>,
        %get3A_1434 = arith.index_cast %add3A_1414 : i32 to index
        %get3A_1435 = arith.constant 96 : index
        %get3A_1436 = tpu.vector_load %arg27[%get3A_1434, %get3A_1435] {strides = array<i32>} : memref<128x128xf32, #tpu.memory_space<vmem>>, vector<16xf32>,
        tpu.vector_store_idx %arg35[%select_n3A_244, %select_n3A_520, %broadcast_in_dim3A_1415], %get3A_1436 : memref<22x8x136xf32, #tpu.memory_space<vmem>>[vector<16xi32>, vector<16xi32>, vector<16xi32>], vector<16xf32>,
        %get3A_1437 = arith.index_cast %add3A_1414 : i32 to index
        %get3A_1438 = arith.constant 112 : index
        %get3A_1439 = tpu.vector_load %arg27[%get3A_1437, %get3A_1438] {strides = array<i32>} : memref<128x128xf32, #tpu.memory_space<vmem>>, vector<16xf32>,
        tpu.vector_store_idx %arg35[%select_n3A_275, %select_n3A_542, %broadcast_in_dim3A_1415], %get3A_1439 : memref<22x8x136xf32, #tpu.memory_space<vmem>>[vector<16xi32>, vector<16xi32>, vector<16xi32>], vector<16xf32>,
        %get3A_1440 = arith.index_cast %add3A_1414 : i32 to index
        %get3A_1441 = arith.constant 0 : index
        %get3A_1442 = tpu.vector_load %arg28[%get3A_1440, %get3A_1441] {strides = array<i32>} : memref<128x16xf32, #tpu.memory_space<vmem>>, vector<16xf32>,
        tpu.vector_store_idx %arg35[%select_n3A_306, %select_n3A_564, %broadcast_in_dim3A_1415], %get3A_1442 : memref<22x8x136xf32, #tpu.memory_space<vmem>>[vector<16xi32>, vector<16xi32>, vector<16xi32>], vector<16xf32>,
        %get3A_1443 = arith.index_cast %add3A_1414 : i32 to index
        %get3A_1444 = arith.constant 0 : index
        %get3A_1445 = tpu.vector_load %arg29[%get3A_1443, %get3A_1444] {strides = array<i32>} : memref<128x16xf32, #tpu.memory_space<vmem>>, vector<16xf32>,
        tpu.vector_store_idx %arg35[%select_n3A_337, %select_n3A_586, %broadcast_in_dim3A_1415], %get3A_1445 : memref<22x8x136xf32, #tpu.memory_space<vmem>>[vector<16xi32>, vector<16xi32>, vector<16xi32>], vector<16xf32>,
        %get3A_1446 = arith.index_cast %add3A_1414 : i32 to index
        %get3A_1447 = arith.constant 0 : index
        %get3A_1448 = tpu.vector_load %arg30[%get3A_1446, %get3A_1447] {strides = array<i32>} : memref<128x16xf32, #tpu.memory_space<vmem>>, vector<16xf32>,
        tpu.vector_store_idx %arg35[%select_n3A_368, %select_n3A_608, %broadcast_in_dim3A_1415], %get3A_1448 : memref<22x8x136xf32, #tpu.memory_space<vmem>>[vector<16xi32>, vector<16xi32>, vector<16xi32>], vector<16xf32>,
      }
      %scan3A_873 = arith.constant 64 : i32
      %jit3A_874 = arith.constant 32 : i32
      %div3A_875 = arith.divsi %add3A_836, %jit3A_874 : i32
      %sign3A_876 = arith.constant 0 : i32
      %sign3A_877 = arith.cmpi sgt, %add3A_836, %sign3A_876 : i32
      %sign3A_878 = arith.extui %sign3A_877 : i1 to i32
      %sign3A_879 = arith.constant 0 : i32
      %sign3A_880 = arith.cmpi slt, %add3A_836, %sign3A_879 : i32
      %sign3A_881 = arith.extui %sign3A_880 : i1 to i32
      %sign3A_882 = arith.subi %sign3A_878, %sign3A_881 : i32
      %sign3A_883 = arith.constant 0 : i32
      %sign3A_884 = arith.cmpi sgt, %jit3A_874, %sign3A_883 : i32
      %sign3A_885 = arith.extui %sign3A_884 : i1 to i32
      %sign3A_886 = arith.constant 0 : i32
      %sign3A_887 = arith.cmpi slt, %jit3A_874, %sign3A_886 : i32
      %sign3A_888 = arith.extui %sign3A_887 : i1 to i32
      %sign3A_889 = arith.subi %sign3A_885, %sign3A_888 : i32
      %ne3A_890 = arith.cmpi ne, %sign3A_882, %sign3A_889 : i32
      %rem3A_891 = arith.remsi %add3A_836, %jit3A_874 : i32
      %ne3A_892 = arith.constant 0 : i32
      %ne3A_893 = arith.cmpi ne, %rem3A_891, %ne3A_892 : i32
      %and3A_894 = arith.andi %ne3A_890, %ne3A_893 : i1
      %sub3A_895 = arith.constant 1 : i32
      %sub3A_896 = arith.subi %div3A_875, %sub3A_895 : i32
      %select_n3A_897 = arith.select %and3A_894, %sub3A_896, %div3A_875 : i32
      %jit3A_898 = arith.constant 32 : i32
      %eq3A_899 = arith.constant 0 : i32
      %eq3A_900 = arith.cmpi eq, %jit3A_898, %eq3A_899 : i32
      %jit3A_901 = arith.constant 1 : i32
      %select_n3A_902 = arith.select %eq3A_900, %jit3A_901, %jit3A_898 : i32
      %rem3A_903 = arith.remsi %add3A_836, %select_n3A_902 : i32
      %ne3A_904 = arith.constant 0 : i32
      %ne3A_905 = arith.cmpi ne, %rem3A_903, %ne3A_904 : i32
      %lt3A_906 = arith.constant 0 : i32
      %lt3A_907 = arith.cmpi slt, %rem3A_903, %lt3A_906 : i32
      %lt3A_908 = arith.constant 0 : i32
      %lt3A_909 = arith.cmpi slt, %select_n3A_902, %lt3A_908 : i32
      %ne3A_910 = arith.xori %lt3A_907, %lt3A_909 : i1
      %and3A_911 = arith.andi %ne3A_910, %ne3A_905 : i1
      %add3A_912 = arith.addi %rem3A_903, %select_n3A_902 : i32
      %select_n3A_913 = arith.select %and3A_911, %add3A_912, %rem3A_903 : i32
      %dma_start3A_914 = arith.constant 0 : i32
      %dma_start3A_915 = arith.constant 0 : i32
      %dma_start3A_916 = arith.constant 0 : i32
      %dma_start3A_917 = tpu.memref_slice %arg35[%dma_start3A_914, %dma_start3A_915, %dma_start3A_916] : memref<22x8x136xf32, #tpu.memory_space<vmem>> -> memref<22x8x128xf32, #tpu.memory_space<vmem>>
      %dma_start3A_918 = arith.constant 0 : i32
      %dma_start3A_919 = arith.constant 0 : i32
      %dma_start3A_920 = arith.constant 0 : i32
      %dma_start3A_921 = tpu.memref_slice %arg10[%select_n3A_897, %dma_start3A_918, %select_n3A_913, %dma_start3A_919, %dma_start3A_920] : memref<200x22x32x8x128xf32, #tpu.memory_space<hbm>> -> memref<1x22x1x8x128xf32, #tpu.memory_space<hbm>>
      %dma_start3A_922 = tpu.memref_squeeze %dma_start3A_921 : memref<1x22x1x8x128xf32, #tpu.memory_space<hbm>> -> memref<22x8x128xf32, #tpu.memory_space<hbm>>
      %dma_start3A_923 = arith.constant 0 : i32
      %dma_start3A_924 = arith.constant 0 : i32
      %dma_start3A_925 = arith.constant 0 : i32
      %dma_start3A_926 = tpu.memref_slice %arg10[%select_n3A_897, %dma_start3A_923, %select_n3A_913, %dma_start3A_924, %dma_start3A_925] : memref<200x22x32x8x128xf32, #tpu.memory_space<hbm>> -> memref<1x22x1x8x128xf32, #tpu.memory_space<hbm>>
      %dma_start3A_927 = tpu.memref_squeeze %dma_start3A_926 : memref<1x22x1x8x128xf32, #tpu.memory_space<hbm>> -> memref<22x8x128xf32, #tpu.memory_space<hbm>>
      %dma_start3A_928 = arith.constant 0 : i32
      %dma_start3A_929 = arith.constant 0 : i32
      %dma_start3A_930 = arith.constant 0 : i32
      %dma_start3A_931 = tpu.memref_slice %arg35[%dma_start3A_928, %dma_start3A_929, %dma_start3A_930] : memref<22x8x136xf32, #tpu.memory_space<vmem>> -> memref<22x8x128xf32, #tpu.memory_space<vmem>>
      tpu.enqueue_dma source(%dma_start3A_931 : memref<22x8x128xf32, #tpu.memory_space<vmem>>) target(%dma_start3A_927 : memref<22x8x128xf32, #tpu.memory_space<hbm>>) target_semaphore(%arg43 : memref<!tpu.dma_semaphore, #tpu.memory_space<semaphore_mem>>)
      %dma_wait3A_932 = arith.constant 0 : i32
      %dma_wait3A_933 = tpu.memref_slice %arg2[%dma_wait3A_932] : memref<819200xi32, #tpu.memory_space<hbm>> -> memref<128xi32, #tpu.memory_space<hbm>>
      %dma_wait3A_934 = arith.constant 0 : i32
      %dma_wait3A_935 = tpu.memref_slice %arg2[%dma_wait3A_934] : memref<819200xi32, #tpu.memory_space<hbm>> -> memref<128xi32, #tpu.memory_space<hbm>>
      tpu.wait_dma2 semaphore(%arg39 : memref<!tpu.dma_semaphore, #tpu.memory_space<semaphore_mem>>) src(%dma_wait3A_935 : memref<128xi32, #tpu.memory_space<hbm>>) dst(%arg19 : memref<128xi32, #tpu.memory_space<vmem>>)
      %dma_wait3A_936 = arith.constant 0 : i32
      %dma_wait3A_937 = tpu.memref_slice %arg3[%dma_wait3A_936] : memref<819200xi32, #tpu.memory_space<hbm>> -> memref<128xi32, #tpu.memory_space<hbm>>
      %dma_wait3A_938 = arith.constant 0 : i32
      %dma_wait3A_939 = tpu.memref_slice %arg3[%dma_wait3A_938] : memref<819200xi32, #tpu.memory_space<hbm>> -> memref<128xi32, #tpu.memory_space<hbm>>
      tpu.wait_dma2 semaphore(%arg39 : memref<!tpu.dma_semaphore, #tpu.memory_space<semaphore_mem>>) src(%dma_wait3A_939 : memref<128xi32, #tpu.memory_space<hbm>>) dst(%arg20 : memref<128xi32, #tpu.memory_space<vmem>>)
      %dma_wait3A_940 = arith.constant 0 : i32
      %dma_wait3A_941 = tpu.memref_slice %arg4[%dma_wait3A_940] : memref<819200xi32, #tpu.memory_space<hbm>> -> memref<128xi32, #tpu.memory_space<hbm>>
      %dma_wait3A_942 = arith.constant 0 : i32
      %dma_wait3A_943 = tpu.memref_slice %arg4[%dma_wait3A_942] : memref<819200xi32, #tpu.memory_space<hbm>> -> memref<128xi32, #tpu.memory_space<hbm>>
      tpu.wait_dma2 semaphore(%arg39 : memref<!tpu.dma_semaphore, #tpu.memory_space<semaphore_mem>>) src(%dma_wait3A_943 : memref<128xi32, #tpu.memory_space<hbm>>) dst(%arg21 : memref<128xi32, #tpu.memory_space<vmem>>)
      %dma_wait3A_944 = arith.constant 0 : i32
      %dma_wait3A_945 = tpu.memref_slice %arg5[%dma_wait3A_944] : memref<819200xi32, #tpu.memory_space<hbm>> -> memref<128xi32, #tpu.memory_space<hbm>>
      %dma_wait3A_946 = arith.constant 0 : i32
      %dma_wait3A_947 = tpu.memref_slice %arg5[%dma_wait3A_946] : memref<819200xi32, #tpu.memory_space<hbm>> -> memref<128xi32, #tpu.memory_space<hbm>>
      tpu.wait_dma2 semaphore(%arg39 : memref<!tpu.dma_semaphore, #tpu.memory_space<semaphore_mem>>) src(%dma_wait3A_947 : memref<128xi32, #tpu.memory_space<hbm>>) dst(%arg22 : memref<128xi32, #tpu.memory_space<vmem>>)
      %dma_start3A_948 = arith.constant 0 : i32
      %dma_start3A_949 = arith.constant 0 : i32
      %dma_start3A_950 = tpu.memref_slice %arg6[%dma_start3A_948, %dma_start3A_949] : memref<100000x128xf32, #tpu.memory_space<hbm>> -> memref<100000x128xf32, #tpu.memory_space<hbm>>
      tpu.enqueue_indirect_dma source(%dma_start3A_950 : memref<100000x128xf32, #tpu.memory_space<hbm>>) target(%arg27 : memref<128x128xf32, #tpu.memory_space<vmem>>) offsets(%arg19 : memref<128xi32, #tpu.memory_space<vmem>>) semaphore(%arg41 : memref<!tpu.dma_semaphore, #tpu.memory_space<semaphore_mem>>)
      %dma_start3A_951 = arith.constant 0 : i32
      %dma_start3A_952 = arith.constant 0 : i32
      %dma_start3A_953 = tpu.memref_slice %arg7[%dma_start3A_951, %dma_start3A_952] : memref<200x16xf32, #tpu.memory_space<hbm>> -> memref<200x16xf32, #tpu.memory_space<hbm>>
      tpu.enqueue_indirect_dma source(%dma_start3A_953 : memref<200x16xf32, #tpu.memory_space<hbm>>) target(%arg28 : memref<128x16xf32, #tpu.memory_space<vmem>>) offsets(%arg20 : memref<128xi32, #tpu.memory_space<vmem>>) semaphore(%arg41 : memref<!tpu.dma_semaphore, #tpu.memory_space<semaphore_mem>>)
      %dma_start3A_954 = arith.constant 0 : i32
      %dma_start3A_955 = arith.constant 0 : i32
      %dma_start3A_956 = tpu.memref_slice %arg8[%dma_start3A_954, %dma_start3A_955] : memref<400x16xf32, #tpu.memory_space<hbm>> -> memref<400x16xf32, #tpu.memory_space<hbm>>
      tpu.enqueue_indirect_dma source(%dma_start3A_956 : memref<400x16xf32, #tpu.memory_space<hbm>>) target(%arg29 : memref<128x16xf32, #tpu.memory_space<vmem>>) offsets(%arg21 : memref<128xi32, #tpu.memory_space<vmem>>) semaphore(%arg41 : memref<!tpu.dma_semaphore, #tpu.memory_space<semaphore_mem>>)
      %dma_start3A_957 = arith.constant 0 : i32
      %dma_start3A_958 = arith.constant 0 : i32
      %dma_start3A_959 = tpu.memref_slice %arg9[%dma_start3A_957, %dma_start3A_958] : memref<400x16xf32, #tpu.memory_space<hbm>> -> memref<400x16xf32, #tpu.memory_space<hbm>>
      tpu.enqueue_indirect_dma source(%dma_start3A_959 : memref<400x16xf32, #tpu.memory_space<hbm>>) target(%arg30 : memref<128x16xf32, #tpu.memory_space<vmem>>) offsets(%arg22 : memref<128xi32, #tpu.memory_space<vmem>>) semaphore(%arg41 : memref<!tpu.dma_semaphore, #tpu.memory_space<semaphore_mem>>)
      %add3A_960 = arith.constant 1 : i32
      %add3A_961 = arith.addi %add3A_834, %add3A_960 : i32
      %dma_wait3A_962 = arith.constant 0 : i32
      %dma_wait3A_963 = arith.constant 0 : i32
      %dma_wait3A_964 = tpu.memref_slice %arg6[%dma_wait3A_962, %dma_wait3A_963] : memref<100000x128xf32, #tpu.memory_space<hbm>> -> memref<100000x128xf32, #tpu.memory_space<hbm>>
      tpu.wait_indirect_dma semaphore(%arg42 : memref<!tpu.dma_semaphore, #tpu.memory_space<semaphore_mem>>) src(%dma_wait3A_964 : memref<100000x128xf32, #tpu.memory_space<hbm>>) dst(%arg31 : memref<128x128xf32, #tpu.memory_space<vmem>>)
      %dma_wait3A_965 = arith.constant 0 : i32
      %dma_wait3A_966 = arith.constant 0 : i32
      %dma_wait3A_967 = tpu.memref_slice %arg7[%dma_wait3A_965, %dma_wait3A_966] : memref<200x16xf32, #tpu.memory_space<hbm>> -> memref<200x16xf32, #tpu.memory_space<hbm>>
      tpu.wait_indirect_dma semaphore(%arg42 : memref<!tpu.dma_semaphore, #tpu.memory_space<semaphore_mem>>) src(%dma_wait3A_967 : memref<200x16xf32, #tpu.memory_space<hbm>>) dst(%arg32 : memref<128x16xf32, #tpu.memory_space<vmem>>)
      %dma_wait3A_968 = arith.constant 0 : i32
      %dma_wait3A_969 = arith.constant 0 : i32
      %dma_wait3A_970 = tpu.memref_slice %arg8[%dma_wait3A_968, %dma_wait3A_969] : memref<400x16xf32, #tpu.memory_space<hbm>> -> memref<400x16xf32, #tpu.memory_space<hbm>>
      tpu.wait_indirect_dma semaphore(%arg42 : memref<!tpu.dma_semaphore, #tpu.memory_space<semaphore_mem>>) src(%dma_wait3A_970 : memref<400x16xf32, #tpu.memory_space<hbm>>) dst(%arg33 : memref<128x16xf32, #tpu.memory_space<vmem>>)
      %dma_wait3A_971 = arith.constant 0 : i32
      %dma_wait3A_972 = arith.constant 0 : i32
      %dma_wait3A_973 = tpu.memref_slice %arg9[%dma_wait3A_971, %dma_wait3A_972] : memref<400x16xf32, #tpu.memory_space<hbm>> -> memref<400x16xf32, #tpu.memory_space<hbm>>
      tpu.wait_indirect_dma semaphore(%arg42 : memref<!tpu.dma_semaphore, #tpu.memory_space<semaphore_mem>>) src(%dma_wait3A_973 : memref<400x16xf32, #tpu.memory_space<hbm>>) dst(%arg34 : memref<128x16xf32, #tpu.memory_space<vmem>>)
      %gt3A_974 = arith.constant 0 : i32
      %gt3A_975 = arith.cmpi sgt, %scan3A_831, %gt3A_974 : i32
      %convert_element_type3A_976 = arith.extui %gt3A_975 : i1 to i32
      %cond3A_977 = arith.constant 0 : i32
      %cond3A_978 = arith.cmpi ne, %convert_element_type3A_976, %cond3A_977 : i32
      scf.if %cond3A_978 {
        %dma_wait3A_1374 = arith.constant 0 : i32
        %dma_wait3A_1375 = arith.constant 0 : i32
        %dma_wait3A_1376 = arith.constant 0 : i32
        %dma_wait3A_1377 = arith.constant 0 : i32
        %dma_wait3A_1378 = arith.constant 0 : i32
        %dma_wait3A_1379 = tpu.memref_slice %arg36[%dma_wait3A_1376, %dma_wait3A_1377, %dma_wait3A_1378] : memref<22x8x136xf32, #tpu.memory_space<vmem>> -> memref<22x8x128xf32, #tpu.memory_space<vmem>>
        %dma_wait3A_1380 = arith.constant 0 : i32
        %dma_wait3A_1381 = arith.constant 0 : i32
        %dma_wait3A_1382 = arith.constant 0 : i32
        %dma_wait3A_1383 = tpu.memref_slice %arg10[%dma_wait3A_1374, %dma_wait3A_1380, %dma_wait3A_1375, %dma_wait3A_1381, %dma_wait3A_1382] : memref<200x22x32x8x128xf32, #tpu.memory_space<hbm>> -> memref<1x22x1x8x128xf32, #tpu.memory_space<hbm>>
        %dma_wait3A_1384 = tpu.memref_squeeze %dma_wait3A_1383 : memref<1x22x1x8x128xf32, #tpu.memory_space<hbm>> -> memref<22x8x128xf32, #tpu.memory_space<hbm>>
        %dma_wait3A_1385 = arith.constant 0 : i32
        %dma_wait3A_1386 = arith.constant 0 : i32
        %dma_wait3A_1387 = arith.constant 0 : i32
        %dma_wait3A_1388 = tpu.memref_slice %arg10[%dma_wait3A_1374, %dma_wait3A_1385, %dma_wait3A_1375, %dma_wait3A_1386, %dma_wait3A_1387] : memref<200x22x32x8x128xf32, #tpu.memory_space<hbm>> -> memref<1x22x1x8x128xf32, #tpu.memory_space<hbm>>
        %dma_wait3A_1389 = tpu.memref_squeeze %dma_wait3A_1388 : memref<1x22x1x8x128xf32, #tpu.memory_space<hbm>> -> memref<22x8x128xf32, #tpu.memory_space<hbm>>
        %dma_wait3A_1390 = arith.constant 0 : i32
        %dma_wait3A_1391 = arith.constant 0 : i32
        %dma_wait3A_1392 = arith.constant 0 : i32
        %dma_wait3A_1393 = tpu.memref_slice %arg36[%dma_wait3A_1390, %dma_wait3A_1391, %dma_wait3A_1392] : memref<22x8x136xf32, #tpu.memory_space<vmem>> -> memref<22x8x128xf32, #tpu.memory_space<vmem>>
        tpu.wait_dma2 semaphore(%arg44 : memref<!tpu.dma_semaphore, #tpu.memory_space<semaphore_mem>>) src(%dma_wait3A_1393 : memref<22x8x128xf32, #tpu.memory_space<vmem>>) dst(%dma_wait3A_1389 : memref<22x8x128xf32, #tpu.memory_space<hbm>>)
      } else {
      }
      %add3A_979 = arith.constant 4 : i32
      %add3A_980 = arith.addi %add3A_961, %add3A_979 : i32
      %add3A_981 = arith.constant 200 : i32
      %add3A_982 = arith.addi %mul3A_2, %add3A_981 : i32
      %sub3A_983 = arith.constant 1 : i32
      %sub3A_984 = arith.subi %add3A_982, %sub3A_983 : i32
      %min3A_985 = arith.minsi %add3A_980, %sub3A_984 : i32
      %mul3A_986 = arith.constant 128 : i32
      %mul3A_987 = arith.muli %min3A_985, %mul3A_986 : i32
      %dma_start3A_988 = tpu.memref_slice %arg2[%mul3A_987] : memref<819200xi32, #tpu.memory_space<hbm>> -> memref<128xi32, #tpu.memory_space<hbm>>
      %dma_start3A_989 = tpu.memref_slice %arg2[%mul3A_987] : memref<819200xi32, #tpu.memory_space<hbm>> -> memref<128xi32, #tpu.memory_space<hbm>>
      tpu.enqueue_dma source(%dma_start3A_989 : memref<128xi32, #tpu.memory_space<hbm>>) target(%arg15 : memref<128xi32, #tpu.memory_space<vmem>>) target_semaphore(%arg38 : memref<!tpu.dma_semaphore, #tpu.memory_space<semaphore_mem>>)
      %dma_start3A_990 = tpu.memref_slice %arg3[%mul3A_987] : memref<819200xi32, #tpu.memory_space<hbm>> -> memref<128xi32, #tpu.memory_space<hbm>>
      %dma_start3A_991 = tpu.memref_slice %arg3[%mul3A_987] : memref<819200xi32, #tpu.memory_space<hbm>> -> memref<128xi32, #tpu.memory_space<hbm>>
      tpu.enqueue_dma source(%dma_start3A_991 : memref<128xi32, #tpu.memory_space<hbm>>) target(%arg16 : memref<128xi32, #tpu.memory_space<vmem>>) target_semaphore(%arg38 : memref<!tpu.dma_semaphore, #tpu.memory_space<semaphore_mem>>)
      %dma_start3A_992 = tpu.memref_slice %arg4[%mul3A_987] : memref<819200xi32, #tpu.memory_space<hbm>> -> memref<128xi32, #tpu.memory_space<hbm>>
      %dma_start3A_993 = tpu.memref_slice %arg4[%mul3A_987] : memref<819200xi32, #tpu.memory_space<hbm>> -> memref<128xi32, #tpu.memory_space<hbm>>
      tpu.enqueue_dma source(%dma_start3A_993 : memref<128xi32, #tpu.memory_space<hbm>>) target(%arg17 : memref<128xi32, #tpu.memory_space<vmem>>) target_semaphore(%arg38 : memref<!tpu.dma_semaphore, #tpu.memory_space<semaphore_mem>>)
      %dma_start3A_994 = tpu.memref_slice %arg5[%mul3A_987] : memref<819200xi32, #tpu.memory_space<hbm>> -> memref<128xi32, #tpu.memory_space<hbm>>
      %dma_start3A_995 = tpu.memref_slice %arg5[%mul3A_987] : memref<819200xi32, #tpu.memory_space<hbm>> -> memref<128xi32, #tpu.memory_space<hbm>>
      tpu.enqueue_dma source(%dma_start3A_995 : memref<128xi32, #tpu.memory_space<hbm>>) target(%arg18 : memref<128xi32, #tpu.memory_space<vmem>>) target_semaphore(%arg38 : memref<!tpu.dma_semaphore, #tpu.memory_space<semaphore_mem>>)
      %scan3A_996 = arith.constant 0 : i32
      %scan3A_997 = arith.constant 0 : i32
      %scan3A_998 = arith.constant 64 : i32
      %scan3A_999 = arith.addi %scan3A_997, %scan3A_998 : i32
      %scan3A_1000 = arith.constant 1 : i32
      scf.for %scan3A_1374 = %scan3A_997 to %scan3A_999 step %scan3A_1000  : i32 {
        %mul3A_1375 = arith.constant 2 : i32
        %mul3A_1376 = arith.muli %scan3A_1374, %mul3A_1375 : i32
        %add3A_1377 = arith.constant 0 : i32
        %add3A_1378 = arith.addi %mul3A_1376, %add3A_1377 : i32
        %broadcast_in_dim3A = vector.broadcast %add3A_1378 : i32 to vector<16xi32>
        %get3A = arith.index_cast %add3A_1378 : i32 to index
        %get3A_1379 = arith.constant 0 : index
        %get3A_1380 = tpu.vector_load %arg31[%get3A, %get3A_1379] {strides = array<i32>} : memref<128x128xf32, #tpu.memory_space<vmem>>, vector<16xf32>,
        tpu.vector_store_idx %arg36[%select_n3A, %select_n3A_388, %broadcast_in_dim3A], %get3A_1380 : memref<22x8x136xf32, #tpu.memory_space<vmem>>[vector<16xi32>, vector<16xi32>, vector<16xi32>], vector<16xf32>,
        %get3A_1381 = arith.index_cast %add3A_1378 : i32 to index
        %get3A_1382 = arith.constant 16 : index
        %get3A_1383 = tpu.vector_load %arg31[%get3A_1381, %get3A_1382] {strides = array<i32>} : memref<128x128xf32, #tpu.memory_space<vmem>>, vector<16xf32>,
        tpu.vector_store_idx %arg36[%select_n3A_89, %select_n3A_410, %broadcast_in_dim3A], %get3A_1383 : memref<22x8x136xf32, #tpu.memory_space<vmem>>[vector<16xi32>, vector<16xi32>, vector<16xi32>], vector<16xf32>,
        %get3A_1384 = arith.index_cast %add3A_1378 : i32 to index
        %get3A_1385 = arith.constant 32 : index
        %get3A_1386 = tpu.vector_load %arg31[%get3A_1384, %get3A_1385] {strides = array<i32>} : memref<128x128xf32, #tpu.memory_space<vmem>>, vector<16xf32>,
        tpu.vector_store_idx %arg36[%select_n3A_120, %select_n3A_432, %broadcast_in_dim3A], %get3A_1386 : memref<22x8x136xf32, #tpu.memory_space<vmem>>[vector<16xi32>, vector<16xi32>, vector<16xi32>], vector<16xf32>,
        %get3A_1387 = arith.index_cast %add3A_1378 : i32 to index
        %get3A_1388 = arith.constant 48 : index
        %get3A_1389 = tpu.vector_load %arg31[%get3A_1387, %get3A_1388] {strides = array<i32>} : memref<128x128xf32, #tpu.memory_space<vmem>>, vector<16xf32>,
        tpu.vector_store_idx %arg36[%select_n3A_151, %select_n3A_454, %broadcast_in_dim3A], %get3A_1389 : memref<22x8x136xf32, #tpu.memory_space<vmem>>[vector<16xi32>, vector<16xi32>, vector<16xi32>], vector<16xf32>,
        %get3A_1390 = arith.index_cast %add3A_1378 : i32 to index
        %get3A_1391 = arith.constant 64 : index
        %get3A_1392 = tpu.vector_load %arg31[%get3A_1390, %get3A_1391] {strides = array<i32>} : memref<128x128xf32, #tpu.memory_space<vmem>>, vector<16xf32>,
        tpu.vector_store_idx %arg36[%select_n3A_182, %select_n3A_476, %broadcast_in_dim3A], %get3A_1392 : memref<22x8x136xf32, #tpu.memory_space<vmem>>[vector<16xi32>, vector<16xi32>, vector<16xi32>], vector<16xf32>,
        %get3A_1393 = arith.index_cast %add3A_1378 : i32 to index
        %get3A_1394 = arith.constant 80 : index
        %get3A_1395 = tpu.vector_load %arg31[%get3A_1393, %get3A_1394] {strides = array<i32>} : memref<128x128xf32, #tpu.memory_space<vmem>>, vector<16xf32>,
        tpu.vector_store_idx %arg36[%select_n3A_213, %select_n3A_498, %broadcast_in_dim3A], %get3A_1395 : memref<22x8x136xf32, #tpu.memory_space<vmem>>[vector<16xi32>, vector<16xi32>, vector<16xi32>], vector<16xf32>,
        %get3A_1396 = arith.index_cast %add3A_1378 : i32 to index
        %get3A_1397 = arith.constant 96 : index
        %get3A_1398 = tpu.vector_load %arg31[%get3A_1396, %get3A_1397] {strides = array<i32>} : memref<128x128xf32, #tpu.memory_space<vmem>>, vector<16xf32>,
        tpu.vector_store_idx %arg36[%select_n3A_244, %select_n3A_520, %broadcast_in_dim3A], %get3A_1398 : memref<22x8x136xf32, #tpu.memory_space<vmem>>[vector<16xi32>, vector<16xi32>, vector<16xi32>], vector<16xf32>,
        %get3A_1399 = arith.index_cast %add3A_1378 : i32 to index
        %get3A_1400 = arith.constant 112 : index
        %get3A_1401 = tpu.vector_load %arg31[%get3A_1399, %get3A_1400] {strides = array<i32>} : memref<128x128xf32, #tpu.memory_space<vmem>>, vector<16xf32>,
        tpu.vector_store_idx %arg36[%select_n3A_275, %select_n3A_542, %broadcast_in_dim3A], %get3A_1401 : memref<22x8x136xf32, #tpu.memory_space<vmem>>[vector<16xi32>, vector<16xi32>, vector<16xi32>], vector<16xf32>,
        %get3A_1402 = arith.index_cast %add3A_1378 : i32 to index
        %get3A_1403 = arith.constant 0 : index
        %get3A_1404 = tpu.vector_load %arg32[%get3A_1402, %get3A_1403] {strides = array<i32>} : memref<128x16xf32, #tpu.memory_space<vmem>>, vector<16xf32>,
        tpu.vector_store_idx %arg36[%select_n3A_306, %select_n3A_564, %broadcast_in_dim3A], %get3A_1404 : memref<22x8x136xf32, #tpu.memory_space<vmem>>[vector<16xi32>, vector<16xi32>, vector<16xi32>], vector<16xf32>,
        %get3A_1405 = arith.index_cast %add3A_1378 : i32 to index
        %get3A_1406 = arith.constant 0 : index
        %get3A_1407 = tpu.vector_load %arg33[%get3A_1405, %get3A_1406] {strides = array<i32>} : memref<128x16xf32, #tpu.memory_space<vmem>>, vector<16xf32>,
        tpu.vector_store_idx %arg36[%select_n3A_337, %select_n3A_586, %broadcast_in_dim3A], %get3A_1407 : memref<22x8x136xf32, #tpu.memory_space<vmem>>[vector<16xi32>, vector<16xi32>, vector<16xi32>], vector<16xf32>,
        %get3A_1408 = arith.index_cast %add3A_1378 : i32 to index
        %get3A_1409 = arith.constant 0 : index
        %get3A_1410 = tpu.vector_load %arg34[%get3A_1408, %get3A_1409] {strides = array<i32>} : memref<128x16xf32, #tpu.memory_space<vmem>>, vector<16xf32>,
        tpu.vector_store_idx %arg36[%select_n3A_368, %select_n3A_608, %broadcast_in_dim3A], %get3A_1410 : memref<22x8x136xf32, #tpu.memory_space<vmem>>[vector<16xi32>, vector<16xi32>, vector<16xi32>], vector<16xf32>,
        %mul3A_1411 = arith.constant 2 : i32
        %mul3A_1412 = arith.muli %scan3A_1374, %mul3A_1411 : i32
        %add3A_1413 = arith.constant 1 : i32
        %add3A_1414 = arith.addi %mul3A_1412, %add3A_1413 : i32
        %broadcast_in_dim3A_1415 = vector.broadcast %add3A_1414 : i32 to vector<16xi32>
        %get3A_1416 = arith.index_cast %add3A_1414 : i32 to index
        %get3A_1417 = arith.constant 0 : index
        %get3A_1418 = tpu.vector_load %arg31[%get3A_1416, %get3A_1417] {strides = array<i32>} : memref<128x128xf32, #tpu.memory_space<vmem>>, vector<16xf32>,
        tpu.vector_store_idx %arg36[%select_n3A, %select_n3A_388, %broadcast_in_dim3A_1415], %get3A_1418 : memref<22x8x136xf32, #tpu.memory_space<vmem>>[vector<16xi32>, vector<16xi32>, vector<16xi32>], vector<16xf32>,
        %get3A_1419 = arith.index_cast %add3A_1414 : i32 to index
        %get3A_1420 = arith.constant 16 : index
        %get3A_1421 = tpu.vector_load %arg31[%get3A_1419, %get3A_1420] {strides = array<i32>} : memref<128x128xf32, #tpu.memory_space<vmem>>, vector<16xf32>,
        tpu.vector_store_idx %arg36[%select_n3A_89, %select_n3A_410, %broadcast_in_dim3A_1415], %get3A_1421 : memref<22x8x136xf32, #tpu.memory_space<vmem>>[vector<16xi32>, vector<16xi32>, vector<16xi32>], vector<16xf32>,
        %get3A_1422 = arith.index_cast %add3A_1414 : i32 to index
        %get3A_1423 = arith.constant 32 : index
        %get3A_1424 = tpu.vector_load %arg31[%get3A_1422, %get3A_1423] {strides = array<i32>} : memref<128x128xf32, #tpu.memory_space<vmem>>, vector<16xf32>,
        tpu.vector_store_idx %arg36[%select_n3A_120, %select_n3A_432, %broadcast_in_dim3A_1415], %get3A_1424 : memref<22x8x136xf32, #tpu.memory_space<vmem>>[vector<16xi32>, vector<16xi32>, vector<16xi32>], vector<16xf32>,
        %get3A_1425 = arith.index_cast %add3A_1414 : i32 to index
        %get3A_1426 = arith.constant 48 : index
        %get3A_1427 = tpu.vector_load %arg31[%get3A_1425, %get3A_1426] {strides = array<i32>} : memref<128x128xf32, #tpu.memory_space<vmem>>, vector<16xf32>,
        tpu.vector_store_idx %arg36[%select_n3A_151, %select_n3A_454, %broadcast_in_dim3A_1415], %get3A_1427 : memref<22x8x136xf32, #tpu.memory_space<vmem>>[vector<16xi32>, vector<16xi32>, vector<16xi32>], vector<16xf32>,
        %get3A_1428 = arith.index_cast %add3A_1414 : i32 to index
        %get3A_1429 = arith.constant 64 : index
        %get3A_1430 = tpu.vector_load %arg31[%get3A_1428, %get3A_1429] {strides = array<i32>} : memref<128x128xf32, #tpu.memory_space<vmem>>, vector<16xf32>,
        tpu.vector_store_idx %arg36[%select_n3A_182, %select_n3A_476, %broadcast_in_dim3A_1415], %get3A_1430 : memref<22x8x136xf32, #tpu.memory_space<vmem>>[vector<16xi32>, vector<16xi32>, vector<16xi32>], vector<16xf32>,
        %get3A_1431 = arith.index_cast %add3A_1414 : i32 to index
        %get3A_1432 = arith.constant 80 : index
        %get3A_1433 = tpu.vector_load %arg31[%get3A_1431, %get3A_1432] {strides = array<i32>} : memref<128x128xf32, #tpu.memory_space<vmem>>, vector<16xf32>,
        tpu.vector_store_idx %arg36[%select_n3A_213, %select_n3A_498, %broadcast_in_dim3A_1415], %get3A_1433 : memref<22x8x136xf32, #tpu.memory_space<vmem>>[vector<16xi32>, vector<16xi32>, vector<16xi32>], vector<16xf32>,
        %get3A_1434 = arith.index_cast %add3A_1414 : i32 to index
        %get3A_1435 = arith.constant 96 : index
        %get3A_1436 = tpu.vector_load %arg31[%get3A_1434, %get3A_1435] {strides = array<i32>} : memref<128x128xf32, #tpu.memory_space<vmem>>, vector<16xf32>,
        tpu.vector_store_idx %arg36[%select_n3A_244, %select_n3A_520, %broadcast_in_dim3A_1415], %get3A_1436 : memref<22x8x136xf32, #tpu.memory_space<vmem>>[vector<16xi32>, vector<16xi32>, vector<16xi32>], vector<16xf32>,
        %get3A_1437 = arith.index_cast %add3A_1414 : i32 to index
        %get3A_1438 = arith.constant 112 : index
        %get3A_1439 = tpu.vector_load %arg31[%get3A_1437, %get3A_1438] {strides = array<i32>} : memref<128x128xf32, #tpu.memory_space<vmem>>, vector<16xf32>,
        tpu.vector_store_idx %arg36[%select_n3A_275, %select_n3A_542, %broadcast_in_dim3A_1415], %get3A_1439 : memref<22x8x136xf32, #tpu.memory_space<vmem>>[vector<16xi32>, vector<16xi32>, vector<16xi32>], vector<16xf32>,
        %get3A_1440 = arith.index_cast %add3A_1414 : i32 to index
        %get3A_1441 = arith.constant 0 : index
        %get3A_1442 = tpu.vector_load %arg32[%get3A_1440, %get3A_1441] {strides = array<i32>} : memref<128x16xf32, #tpu.memory_space<vmem>>, vector<16xf32>,
        tpu.vector_store_idx %arg36[%select_n3A_306, %select_n3A_564, %broadcast_in_dim3A_1415], %get3A_1442 : memref<22x8x136xf32, #tpu.memory_space<vmem>>[vector<16xi32>, vector<16xi32>, vector<16xi32>], vector<16xf32>,
        %get3A_1443 = arith.index_cast %add3A_1414 : i32 to index
        %get3A_1444 = arith.constant 0 : index
        %get3A_1445 = tpu.vector_load %arg33[%get3A_1443, %get3A_1444] {strides = array<i32>} : memref<128x16xf32, #tpu.memory_space<vmem>>, vector<16xf32>,
        tpu.vector_store_idx %arg36[%select_n3A_337, %select_n3A_586, %broadcast_in_dim3A_1415], %get3A_1445 : memref<22x8x136xf32, #tpu.memory_space<vmem>>[vector<16xi32>, vector<16xi32>, vector<16xi32>], vector<16xf32>,
        %get3A_1446 = arith.index_cast %add3A_1414 : i32 to index
        %get3A_1447 = arith.constant 0 : index
        %get3A_1448 = tpu.vector_load %arg34[%get3A_1446, %get3A_1447] {strides = array<i32>} : memref<128x16xf32, #tpu.memory_space<vmem>>, vector<16xf32>,
        tpu.vector_store_idx %arg36[%select_n3A_368, %select_n3A_608, %broadcast_in_dim3A_1415], %get3A_1448 : memref<22x8x136xf32, #tpu.memory_space<vmem>>[vector<16xi32>, vector<16xi32>, vector<16xi32>], vector<16xf32>,
      }
      %scan3A_1001 = arith.constant 64 : i32
      %jit3A_1002 = arith.constant 32 : i32
      %div3A_1003 = arith.divsi %add3A_961, %jit3A_1002 : i32
      %sign3A_1004 = arith.constant 0 : i32
      %sign3A_1005 = arith.cmpi sgt, %add3A_961, %sign3A_1004 : i32
      %sign3A_1006 = arith.extui %sign3A_1005 : i1 to i32
      %sign3A_1007 = arith.constant 0 : i32
      %sign3A_1008 = arith.cmpi slt, %add3A_961, %sign3A_1007 : i32
      %sign3A_1009 = arith.extui %sign3A_1008 : i1 to i32
      %sign3A_1010 = arith.subi %sign3A_1006, %sign3A_1009 : i32
      %sign3A_1011 = arith.constant 0 : i32
      %sign3A_1012 = arith.cmpi sgt, %jit3A_1002, %sign3A_1011 : i32
      %sign3A_1013 = arith.extui %sign3A_1012 : i1 to i32
      %sign3A_1014 = arith.constant 0 : i32
      %sign3A_1015 = arith.cmpi slt, %jit3A_1002, %sign3A_1014 : i32
      %sign3A_1016 = arith.extui %sign3A_1015 : i1 to i32
      %sign3A_1017 = arith.subi %sign3A_1013, %sign3A_1016 : i32
      %ne3A_1018 = arith.cmpi ne, %sign3A_1010, %sign3A_1017 : i32
      %rem3A_1019 = arith.remsi %add3A_961, %jit3A_1002 : i32
      %ne3A_1020 = arith.constant 0 : i32
      %ne3A_1021 = arith.cmpi ne, %rem3A_1019, %ne3A_1020 : i32
      %and3A_1022 = arith.andi %ne3A_1018, %ne3A_1021 : i1
      %sub3A_1023 = arith.constant 1 : i32
      %sub3A_1024 = arith.subi %div3A_1003, %sub3A_1023 : i32
      %select_n3A_1025 = arith.select %and3A_1022, %sub3A_1024, %div3A_1003 : i32
      %jit3A_1026 = arith.constant 32 : i32
      %eq3A_1027 = arith.constant 0 : i32
      %eq3A_1028 = arith.cmpi eq, %jit3A_1026, %eq3A_1027 : i32
      %jit3A_1029 = arith.constant 1 : i32
      %select_n3A_1030 = arith.select %eq3A_1028, %jit3A_1029, %jit3A_1026 : i32
      %rem3A_1031 = arith.remsi %add3A_961, %select_n3A_1030 : i32
      %ne3A_1032 = arith.constant 0 : i32
      %ne3A_1033 = arith.cmpi ne, %rem3A_1031, %ne3A_1032 : i32
      %lt3A_1034 = arith.constant 0 : i32
      %lt3A_1035 = arith.cmpi slt, %rem3A_1031, %lt3A_1034 : i32
      %lt3A_1036 = arith.constant 0 : i32
      %lt3A_1037 = arith.cmpi slt, %select_n3A_1030, %lt3A_1036 : i32
      %ne3A_1038 = arith.xori %lt3A_1035, %lt3A_1037 : i1
      %and3A_1039 = arith.andi %ne3A_1038, %ne3A_1033 : i1
      %add3A_1040 = arith.addi %rem3A_1031, %select_n3A_1030 : i32
      %select_n3A_1041 = arith.select %and3A_1039, %add3A_1040, %rem3A_1031 : i32
      %dma_start3A_1042 = arith.constant 0 : i32
      %dma_start3A_1043 = arith.constant 0 : i32
      %dma_start3A_1044 = arith.constant 0 : i32
      %dma_start3A_1045 = tpu.memref_slice %arg36[%dma_start3A_1042, %dma_start3A_1043, %dma_start3A_1044] : memref<22x8x136xf32, #tpu.memory_space<vmem>> -> memref<22x8x128xf32, #tpu.memory_space<vmem>>
      %dma_start3A_1046 = arith.constant 0 : i32
      %dma_start3A_1047 = arith.constant 0 : i32
      %dma_start3A_1048 = arith.constant 0 : i32
      %dma_start3A_1049 = tpu.memref_slice %arg10[%select_n3A_1025, %dma_start3A_1046, %select_n3A_1041, %dma_start3A_1047, %dma_start3A_1048] : memref<200x22x32x8x128xf32, #tpu.memory_space<hbm>> -> memref<1x22x1x8x128xf32, #tpu.memory_space<hbm>>
      %dma_start3A_1050 = tpu.memref_squeeze %dma_start3A_1049 : memref<1x22x1x8x128xf32, #tpu.memory_space<hbm>> -> memref<22x8x128xf32, #tpu.memory_space<hbm>>
      %dma_start3A_1051 = arith.constant 0 : i32
      %dma_start3A_1052 = arith.constant 0 : i32
      %dma_start3A_1053 = arith.constant 0 : i32
      %dma_start3A_1054 = tpu.memref_slice %arg10[%select_n3A_1025, %dma_start3A_1051, %select_n3A_1041, %dma_start3A_1052, %dma_start3A_1053] : memref<200x22x32x8x128xf32, #tpu.memory_space<hbm>> -> memref<1x22x1x8x128xf32, #tpu.memory_space<hbm>>
      %dma_start3A_1055 = tpu.memref_squeeze %dma_start3A_1054 : memref<1x22x1x8x128xf32, #tpu.memory_space<hbm>> -> memref<22x8x128xf32, #tpu.memory_space<hbm>>
      %dma_start3A_1056 = arith.constant 0 : i32
      %dma_start3A_1057 = arith.constant 0 : i32
      %dma_start3A_1058 = arith.constant 0 : i32
      %dma_start3A_1059 = tpu.memref_slice %arg36[%dma_start3A_1056, %dma_start3A_1057, %dma_start3A_1058] : memref<22x8x136xf32, #tpu.memory_space<vmem>> -> memref<22x8x128xf32, #tpu.memory_space<vmem>>
      tpu.enqueue_dma source(%dma_start3A_1059 : memref<22x8x128xf32, #tpu.memory_space<vmem>>) target(%dma_start3A_1055 : memref<22x8x128xf32, #tpu.memory_space<hbm>>) target_semaphore(%arg44 : memref<!tpu.dma_semaphore, #tpu.memory_space<semaphore_mem>>)
      %dma_wait3A_1060 = arith.constant 0 : i32
      %dma_wait3A_1061 = tpu.memref_slice %arg2[%dma_wait3A_1060] : memref<819200xi32, #tpu.memory_space<hbm>> -> memref<128xi32, #tpu.memory_space<hbm>>
      %dma_wait3A_1062 = arith.constant 0 : i32
      %dma_wait3A_1063 = tpu.memref_slice %arg2[%dma_wait3A_1062] : memref<819200xi32, #tpu.memory_space<hbm>> -> memref<128xi32, #tpu.memory_space<hbm>>
      tpu.wait_dma2 semaphore(%arg40 : memref<!tpu.dma_semaphore, #tpu.memory_space<semaphore_mem>>) src(%dma_wait3A_1063 : memref<128xi32, #tpu.memory_space<hbm>>) dst(%arg23 : memref<128xi32, #tpu.memory_space<vmem>>)
      %dma_wait3A_1064 = arith.constant 0 : i32
      %dma_wait3A_1065 = tpu.memref_slice %arg3[%dma_wait3A_1064] : memref<819200xi32, #tpu.memory_space<hbm>> -> memref<128xi32, #tpu.memory_space<hbm>>
      %dma_wait3A_1066 = arith.constant 0 : i32
      %dma_wait3A_1067 = tpu.memref_slice %arg3[%dma_wait3A_1066] : memref<819200xi32, #tpu.memory_space<hbm>> -> memref<128xi32, #tpu.memory_space<hbm>>
      tpu.wait_dma2 semaphore(%arg40 : memref<!tpu.dma_semaphore, #tpu.memory_space<semaphore_mem>>) src(%dma_wait3A_1067 : memref<128xi32, #tpu.memory_space<hbm>>) dst(%arg24 : memref<128xi32, #tpu.memory_space<vmem>>)
      %dma_wait3A_1068 = arith.constant 0 : i32
      %dma_wait3A_1069 = tpu.memref_slice %arg4[%dma_wait3A_1068] : memref<819200xi32, #tpu.memory_space<hbm>> -> memref<128xi32, #tpu.memory_space<hbm>>
      %dma_wait3A_1070 = arith.constant 0 : i32
      %dma_wait3A_1071 = tpu.memref_slice %arg4[%dma_wait3A_1070] : memref<819200xi32, #tpu.memory_space<hbm>> -> memref<128xi32, #tpu.memory_space<hbm>>
      tpu.wait_dma2 semaphore(%arg40 : memref<!tpu.dma_semaphore, #tpu.memory_space<semaphore_mem>>) src(%dma_wait3A_1071 : memref<128xi32, #tpu.memory_space<hbm>>) dst(%arg25 : memref<128xi32, #tpu.memory_space<vmem>>)
      %dma_wait3A_1072 = arith.constant 0 : i32
      %dma_wait3A_1073 = tpu.memref_slice %arg5[%dma_wait3A_1072] : memref<819200xi32, #tpu.memory_space<hbm>> -> memref<128xi32, #tpu.memory_space<hbm>>
      %dma_wait3A_1074 = arith.constant 0 : i32
      %dma_wait3A_1075 = tpu.memref_slice %arg5[%dma_wait3A_1074] : memref<819200xi32, #tpu.memory_space<hbm>> -> memref<128xi32, #tpu.memory_space<hbm>>
      tpu.wait_dma2 semaphore(%arg40 : memref<!tpu.dma_semaphore, #tpu.memory_space<semaphore_mem>>) src(%dma_wait3A_1075 : memref<128xi32, #tpu.memory_space<hbm>>) dst(%arg26 : memref<128xi32, #tpu.memory_space<vmem>>)
      %dma_start3A_1076 = arith.constant 0 : i32
      %dma_start3A_1077 = arith.constant 0 : i32
      %dma_start3A_1078 = tpu.memref_slice %arg6[%dma_start3A_1076, %dma_start3A_1077] : memref<100000x128xf32, #tpu.memory_space<hbm>> -> memref<100000x128xf32, #tpu.memory_space<hbm>>
      tpu.enqueue_indirect_dma source(%dma_start3A_1078 : memref<100000x128xf32, #tpu.memory_space<hbm>>) target(%arg31 : memref<128x128xf32, #tpu.memory_space<vmem>>) offsets(%arg23 : memref<128xi32, #tpu.memory_space<vmem>>) semaphore(%arg42 : memref<!tpu.dma_semaphore, #tpu.memory_space<semaphore_mem>>)
      %dma_start3A_1079 = arith.constant 0 : i32
      %dma_start3A_1080 = arith.constant 0 : i32
      %dma_start3A_1081 = tpu.memref_slice %arg7[%dma_start3A_1079, %dma_start3A_1080] : memref<200x16xf32, #tpu.memory_space<hbm>> -> memref<200x16xf32, #tpu.memory_space<hbm>>
      tpu.enqueue_indirect_dma source(%dma_start3A_1081 : memref<200x16xf32, #tpu.memory_space<hbm>>) target(%arg32 : memref<128x16xf32, #tpu.memory_space<vmem>>) offsets(%arg24 : memref<128xi32, #tpu.memory_space<vmem>>) semaphore(%arg42 : memref<!tpu.dma_semaphore, #tpu.memory_space<semaphore_mem>>)
      %dma_start3A_1082 = arith.constant 0 : i32
      %dma_start3A_1083 = arith.constant 0 : i32
      %dma_start3A_1084 = tpu.memref_slice %arg8[%dma_start3A_1082, %dma_start3A_1083] : memref<400x16xf32, #tpu.memory_space<hbm>> -> memref<400x16xf32, #tpu.memory_space<hbm>>
      tpu.enqueue_indirect_dma source(%dma_start3A_1084 : memref<400x16xf32, #tpu.memory_space<hbm>>) target(%arg33 : memref<128x16xf32, #tpu.memory_space<vmem>>) offsets(%arg25 : memref<128xi32, #tpu.memory_space<vmem>>) semaphore(%arg42 : memref<!tpu.dma_semaphore, #tpu.memory_space<semaphore_mem>>)
      %dma_start3A_1085 = arith.constant 0 : i32
      %dma_start3A_1086 = arith.constant 0 : i32
      %dma_start3A_1087 = tpu.memref_slice %arg9[%dma_start3A_1085, %dma_start3A_1086] : memref<400x16xf32, #tpu.memory_space<hbm>> -> memref<400x16xf32, #tpu.memory_space<hbm>>
      tpu.enqueue_indirect_dma source(%dma_start3A_1087 : memref<400x16xf32, #tpu.memory_space<hbm>>) target(%arg34 : memref<128x16xf32, #tpu.memory_space<vmem>>) offsets(%arg26 : memref<128xi32, #tpu.memory_space<vmem>>) semaphore(%arg42 : memref<!tpu.dma_semaphore, #tpu.memory_space<semaphore_mem>>)
      %add3A_1088 = arith.constant 2 : i32
      %add3A_1089 = arith.addi %add3A_834, %add3A_1088 : i32
      %dma_wait3A_1090 = arith.constant 0 : i32
      %dma_wait3A_1091 = arith.constant 0 : i32
      %dma_wait3A_1092 = tpu.memref_slice %arg6[%dma_wait3A_1090, %dma_wait3A_1091] : memref<100000x128xf32, #tpu.memory_space<hbm>> -> memref<100000x128xf32, #tpu.memory_space<hbm>>
      tpu.wait_indirect_dma semaphore(%arg41 : memref<!tpu.dma_semaphore, #tpu.memory_space<semaphore_mem>>) src(%dma_wait3A_1092 : memref<100000x128xf32, #tpu.memory_space<hbm>>) dst(%arg27 : memref<128x128xf32, #tpu.memory_space<vmem>>)
      %dma_wait3A_1093 = arith.constant 0 : i32
      %dma_wait3A_1094 = arith.constant 0 : i32
      %dma_wait3A_1095 = tpu.memref_slice %arg7[%dma_wait3A_1093, %dma_wait3A_1094] : memref<200x16xf32, #tpu.memory_space<hbm>> -> memref<200x16xf32, #tpu.memory_space<hbm>>
      tpu.wait_indirect_dma semaphore(%arg41 : memref<!tpu.dma_semaphore, #tpu.memory_space<semaphore_mem>>) src(%dma_wait3A_1095 : memref<200x16xf32, #tpu.memory_space<hbm>>) dst(%arg28 : memref<128x16xf32, #tpu.memory_space<vmem>>)
      %dma_wait3A_1096 = arith.constant 0 : i32
      %dma_wait3A_1097 = arith.constant 0 : i32
      %dma_wait3A_1098 = tpu.memref_slice %arg8[%dma_wait3A_1096, %dma_wait3A_1097] : memref<400x16xf32, #tpu.memory_space<hbm>> -> memref<400x16xf32, #tpu.memory_space<hbm>>
      tpu.wait_indirect_dma semaphore(%arg41 : memref<!tpu.dma_semaphore, #tpu.memory_space<semaphore_mem>>) src(%dma_wait3A_1098 : memref<400x16xf32, #tpu.memory_space<hbm>>) dst(%arg29 : memref<128x16xf32, #tpu.memory_space<vmem>>)
      %dma_wait3A_1099 = arith.constant 0 : i32
      %dma_wait3A_1100 = arith.constant 0 : i32
      %dma_wait3A_1101 = tpu.memref_slice %arg9[%dma_wait3A_1099, %dma_wait3A_1100] : memref<400x16xf32, #tpu.memory_space<hbm>> -> memref<400x16xf32, #tpu.memory_space<hbm>>
      tpu.wait_indirect_dma semaphore(%arg41 : memref<!tpu.dma_semaphore, #tpu.memory_space<semaphore_mem>>) src(%dma_wait3A_1101 : memref<400x16xf32, #tpu.memory_space<hbm>>) dst(%arg30 : memref<128x16xf32, #tpu.memory_space<vmem>>)
      %dma_wait3A_1102 = arith.constant 0 : i32
      %dma_wait3A_1103 = arith.constant 0 : i32
      %dma_wait3A_1104 = arith.constant 0 : i32
      %dma_wait3A_1105 = arith.constant 0 : i32
      %dma_wait3A_1106 = arith.constant 0 : i32
      %dma_wait3A_1107 = tpu.memref_slice %arg35[%dma_wait3A_1104, %dma_wait3A_1105, %dma_wait3A_1106] : memref<22x8x136xf32, #tpu.memory_space<vmem>> -> memref<22x8x128xf32, #tpu.memory_space<vmem>>
      %dma_wait3A_1108 = arith.constant 0 : i32
      %dma_wait3A_1109 = arith.constant 0 : i32
      %dma_wait3A_1110 = arith.constant 0 : i32
      %dma_wait3A_1111 = tpu.memref_slice %arg10[%dma_wait3A_1102, %dma_wait3A_1108, %dma_wait3A_1103, %dma_wait3A_1109, %dma_wait3A_1110] : memref<200x22x32x8x128xf32, #tpu.memory_space<hbm>> -> memref<1x22x1x8x128xf32, #tpu.memory_space<hbm>>
      %dma_wait3A_1112 = tpu.memref_squeeze %dma_wait3A_1111 : memref<1x22x1x8x128xf32, #tpu.memory_space<hbm>> -> memref<22x8x128xf32, #tpu.memory_space<hbm>>
      %dma_wait3A_1113 = arith.constant 0 : i32
      %dma_wait3A_1114 = arith.constant 0 : i32
      %dma_wait3A_1115 = arith.constant 0 : i32
      %dma_wait3A_1116 = tpu.memref_slice %arg10[%dma_wait3A_1102, %dma_wait3A_1113, %dma_wait3A_1103, %dma_wait3A_1114, %dma_wait3A_1115] : memref<200x22x32x8x128xf32, #tpu.memory_space<hbm>> -> memref<1x22x1x8x128xf32, #tpu.memory_space<hbm>>
      %dma_wait3A_1117 = tpu.memref_squeeze %dma_wait3A_1116 : memref<1x22x1x8x128xf32, #tpu.memory_space<hbm>> -> memref<22x8x128xf32, #tpu.memory_space<hbm>>
      %dma_wait3A_1118 = arith.constant 0 : i32
      %dma_wait3A_1119 = arith.constant 0 : i32
      %dma_wait3A_1120 = arith.constant 0 : i32
      %dma_wait3A_1121 = tpu.memref_slice %arg35[%dma_wait3A_1118, %dma_wait3A_1119, %dma_wait3A_1120] : memref<22x8x136xf32, #tpu.memory_space<vmem>> -> memref<22x8x128xf32, #tpu.memory_space<vmem>>
      tpu.wait_dma2 semaphore(%arg43 : memref<!tpu.dma_semaphore, #tpu.memory_space<semaphore_mem>>) src(%dma_wait3A_1121 : memref<22x8x128xf32, #tpu.memory_space<vmem>>) dst(%dma_wait3A_1117 : memref<22x8x128xf32, #tpu.memory_space<hbm>>)
      %add3A_1122 = arith.constant 4 : i32
      %add3A_1123 = arith.addi %add3A_1089, %add3A_1122 : i32
      %add3A_1124 = arith.constant 200 : i32
      %add3A_1125 = arith.addi %mul3A_2, %add3A_1124 : i32
      %sub3A_1126 = arith.constant 1 : i32
      %sub3A_1127 = arith.subi %add3A_1125, %sub3A_1126 : i32
      %min3A_1128 = arith.minsi %add3A_1123, %sub3A_1127 : i32
      %mul3A_1129 = arith.constant 128 : i32
      %mul3A_1130 = arith.muli %min3A_1128, %mul3A_1129 : i32
      %dma_start3A_1131 = tpu.memref_slice %arg2[%mul3A_1130] : memref<819200xi32, #tpu.memory_space<hbm>> -> memref<128xi32, #tpu.memory_space<hbm>>
      %dma_start3A_1132 = tpu.memref_slice %arg2[%mul3A_1130] : memref<819200xi32, #tpu.memory_space<hbm>> -> memref<128xi32, #tpu.memory_space<hbm>>
      tpu.enqueue_dma source(%dma_start3A_1132 : memref<128xi32, #tpu.memory_space<hbm>>) target(%arg19 : memref<128xi32, #tpu.memory_space<vmem>>) target_semaphore(%arg39 : memref<!tpu.dma_semaphore, #tpu.memory_space<semaphore_mem>>)
      %dma_start3A_1133 = tpu.memref_slice %arg3[%mul3A_1130] : memref<819200xi32, #tpu.memory_space<hbm>> -> memref<128xi32, #tpu.memory_space<hbm>>
      %dma_start3A_1134 = tpu.memref_slice %arg3[%mul3A_1130] : memref<819200xi32, #tpu.memory_space<hbm>> -> memref<128xi32, #tpu.memory_space<hbm>>
      tpu.enqueue_dma source(%dma_start3A_1134 : memref<128xi32, #tpu.memory_space<hbm>>) target(%arg20 : memref<128xi32, #tpu.memory_space<vmem>>) target_semaphore(%arg39 : memref<!tpu.dma_semaphore, #tpu.memory_space<semaphore_mem>>)
      %dma_start3A_1135 = tpu.memref_slice %arg4[%mul3A_1130] : memref<819200xi32, #tpu.memory_space<hbm>> -> memref<128xi32, #tpu.memory_space<hbm>>
      %dma_start3A_1136 = tpu.memref_slice %arg4[%mul3A_1130] : memref<819200xi32, #tpu.memory_space<hbm>> -> memref<128xi32, #tpu.memory_space<hbm>>
      tpu.enqueue_dma source(%dma_start3A_1136 : memref<128xi32, #tpu.memory_space<hbm>>) target(%arg21 : memref<128xi32, #tpu.memory_space<vmem>>) target_semaphore(%arg39 : memref<!tpu.dma_semaphore, #tpu.memory_space<semaphore_mem>>)
      %dma_start3A_1137 = tpu.memref_slice %arg5[%mul3A_1130] : memref<819200xi32, #tpu.memory_space<hbm>> -> memref<128xi32, #tpu.memory_space<hbm>>
      %dma_start3A_1138 = tpu.memref_slice %arg5[%mul3A_1130] : memref<819200xi32, #tpu.memory_space<hbm>> -> memref<128xi32, #tpu.memory_space<hbm>>
      tpu.enqueue_dma source(%dma_start3A_1138 : memref<128xi32, #tpu.memory_space<hbm>>) target(%arg22 : memref<128xi32, #tpu.memory_space<vmem>>) target_semaphore(%arg39 : memref<!tpu.dma_semaphore, #tpu.memory_space<semaphore_mem>>)
      %scan3A_1139 = arith.constant 0 : i32
      %scan3A_1140 = arith.constant 0 : i32
      %scan3A_1141 = arith.constant 64 : i32
      %scan3A_1142 = arith.addi %scan3A_1140, %scan3A_1141 : i32
      %scan3A_1143 = arith.constant 1 : i32
      scf.for %scan3A_1374 = %scan3A_1140 to %scan3A_1142 step %scan3A_1143  : i32 {
        %mul3A_1375 = arith.constant 2 : i32
        %mul3A_1376 = arith.muli %scan3A_1374, %mul3A_1375 : i32
        %add3A_1377 = arith.constant 0 : i32
        %add3A_1378 = arith.addi %mul3A_1376, %add3A_1377 : i32
        %broadcast_in_dim3A = vector.broadcast %add3A_1378 : i32 to vector<16xi32>
        %get3A = arith.index_cast %add3A_1378 : i32 to index
        %get3A_1379 = arith.constant 0 : index
        %get3A_1380 = tpu.vector_load %arg27[%get3A, %get3A_1379] {strides = array<i32>} : memref<128x128xf32, #tpu.memory_space<vmem>>, vector<16xf32>,
        tpu.vector_store_idx %arg35[%select_n3A, %select_n3A_388, %broadcast_in_dim3A], %get3A_1380 : memref<22x8x136xf32, #tpu.memory_space<vmem>>[vector<16xi32>, vector<16xi32>, vector<16xi32>], vector<16xf32>,
        %get3A_1381 = arith.index_cast %add3A_1378 : i32 to index
        %get3A_1382 = arith.constant 16 : index
        %get3A_1383 = tpu.vector_load %arg27[%get3A_1381, %get3A_1382] {strides = array<i32>} : memref<128x128xf32, #tpu.memory_space<vmem>>, vector<16xf32>,
        tpu.vector_store_idx %arg35[%select_n3A_89, %select_n3A_410, %broadcast_in_dim3A], %get3A_1383 : memref<22x8x136xf32, #tpu.memory_space<vmem>>[vector<16xi32>, vector<16xi32>, vector<16xi32>], vector<16xf32>,
        %get3A_1384 = arith.index_cast %add3A_1378 : i32 to index
        %get3A_1385 = arith.constant 32 : index
        %get3A_1386 = tpu.vector_load %arg27[%get3A_1384, %get3A_1385] {strides = array<i32>} : memref<128x128xf32, #tpu.memory_space<vmem>>, vector<16xf32>,
        tpu.vector_store_idx %arg35[%select_n3A_120, %select_n3A_432, %broadcast_in_dim3A], %get3A_1386 : memref<22x8x136xf32, #tpu.memory_space<vmem>>[vector<16xi32>, vector<16xi32>, vector<16xi32>], vector<16xf32>,
        %get3A_1387 = arith.index_cast %add3A_1378 : i32 to index
        %get3A_1388 = arith.constant 48 : index
        %get3A_1389 = tpu.vector_load %arg27[%get3A_1387, %get3A_1388] {strides = array<i32>} : memref<128x128xf32, #tpu.memory_space<vmem>>, vector<16xf32>,
        tpu.vector_store_idx %arg35[%select_n3A_151, %select_n3A_454, %broadcast_in_dim3A], %get3A_1389 : memref<22x8x136xf32, #tpu.memory_space<vmem>>[vector<16xi32>, vector<16xi32>, vector<16xi32>], vector<16xf32>,
        %get3A_1390 = arith.index_cast %add3A_1378 : i32 to index
        %get3A_1391 = arith.constant 64 : index
        %get3A_1392 = tpu.vector_load %arg27[%get3A_1390, %get3A_1391] {strides = array<i32>} : memref<128x128xf32, #tpu.memory_space<vmem>>, vector<16xf32>,
        tpu.vector_store_idx %arg35[%select_n3A_182, %select_n3A_476, %broadcast_in_dim3A], %get3A_1392 : memref<22x8x136xf32, #tpu.memory_space<vmem>>[vector<16xi32>, vector<16xi32>, vector<16xi32>], vector<16xf32>,
        %get3A_1393 = arith.index_cast %add3A_1378 : i32 to index
        %get3A_1394 = arith.constant 80 : index
        %get3A_1395 = tpu.vector_load %arg27[%get3A_1393, %get3A_1394] {strides = array<i32>} : memref<128x128xf32, #tpu.memory_space<vmem>>, vector<16xf32>,
        tpu.vector_store_idx %arg35[%select_n3A_213, %select_n3A_498, %broadcast_in_dim3A], %get3A_1395 : memref<22x8x136xf32, #tpu.memory_space<vmem>>[vector<16xi32>, vector<16xi32>, vector<16xi32>], vector<16xf32>,
        %get3A_1396 = arith.index_cast %add3A_1378 : i32 to index
        %get3A_1397 = arith.constant 96 : index
        %get3A_1398 = tpu.vector_load %arg27[%get3A_1396, %get3A_1397] {strides = array<i32>} : memref<128x128xf32, #tpu.memory_space<vmem>>, vector<16xf32>,
        tpu.vector_store_idx %arg35[%select_n3A_244, %select_n3A_520, %broadcast_in_dim3A], %get3A_1398 : memref<22x8x136xf32, #tpu.memory_space<vmem>>[vector<16xi32>, vector<16xi32>, vector<16xi32>], vector<16xf32>,
        %get3A_1399 = arith.index_cast %add3A_1378 : i32 to index
        %get3A_1400 = arith.constant 112 : index
        %get3A_1401 = tpu.vector_load %arg27[%get3A_1399, %get3A_1400] {strides = array<i32>} : memref<128x128xf32, #tpu.memory_space<vmem>>, vector<16xf32>,
        tpu.vector_store_idx %arg35[%select_n3A_275, %select_n3A_542, %broadcast_in_dim3A], %get3A_1401 : memref<22x8x136xf32, #tpu.memory_space<vmem>>[vector<16xi32>, vector<16xi32>, vector<16xi32>], vector<16xf32>,
        %get3A_1402 = arith.index_cast %add3A_1378 : i32 to index
        %get3A_1403 = arith.constant 0 : index
        %get3A_1404 = tpu.vector_load %arg28[%get3A_1402, %get3A_1403] {strides = array<i32>} : memref<128x16xf32, #tpu.memory_space<vmem>>, vector<16xf32>,
        tpu.vector_store_idx %arg35[%select_n3A_306, %select_n3A_564, %broadcast_in_dim3A], %get3A_1404 : memref<22x8x136xf32, #tpu.memory_space<vmem>>[vector<16xi32>, vector<16xi32>, vector<16xi32>], vector<16xf32>,
        %get3A_1405 = arith.index_cast %add3A_1378 : i32 to index
        %get3A_1406 = arith.constant 0 : index
        %get3A_1407 = tpu.vector_load %arg29[%get3A_1405, %get3A_1406] {strides = array<i32>} : memref<128x16xf32, #tpu.memory_space<vmem>>, vector<16xf32>,
        tpu.vector_store_idx %arg35[%select_n3A_337, %select_n3A_586, %broadcast_in_dim3A], %get3A_1407 : memref<22x8x136xf32, #tpu.memory_space<vmem>>[vector<16xi32>, vector<16xi32>, vector<16xi32>], vector<16xf32>,
        %get3A_1408 = arith.index_cast %add3A_1378 : i32 to index
        %get3A_1409 = arith.constant 0 : index
        %get3A_1410 = tpu.vector_load %arg30[%get3A_1408, %get3A_1409] {strides = array<i32>} : memref<128x16xf32, #tpu.memory_space<vmem>>, vector<16xf32>,
        tpu.vector_store_idx %arg35[%select_n3A_368, %select_n3A_608, %broadcast_in_dim3A], %get3A_1410 : memref<22x8x136xf32, #tpu.memory_space<vmem>>[vector<16xi32>, vector<16xi32>, vector<16xi32>], vector<16xf32>,
        %mul3A_1411 = arith.constant 2 : i32
        %mul3A_1412 = arith.muli %scan3A_1374, %mul3A_1411 : i32
        %add3A_1413 = arith.constant 1 : i32
        %add3A_1414 = arith.addi %mul3A_1412, %add3A_1413 : i32
        %broadcast_in_dim3A_1415 = vector.broadcast %add3A_1414 : i32 to vector<16xi32>
        %get3A_1416 = arith.index_cast %add3A_1414 : i32 to index
        %get3A_1417 = arith.constant 0 : index
        %get3A_1418 = tpu.vector_load %arg27[%get3A_1416, %get3A_1417] {strides = array<i32>} : memref<128x128xf32, #tpu.memory_space<vmem>>, vector<16xf32>,
        tpu.vector_store_idx %arg35[%select_n3A, %select_n3A_388, %broadcast_in_dim3A_1415], %get3A_1418 : memref<22x8x136xf32, #tpu.memory_space<vmem>>[vector<16xi32>, vector<16xi32>, vector<16xi32>], vector<16xf32>,
        %get3A_1419 = arith.index_cast %add3A_1414 : i32 to index
        %get3A_1420 = arith.constant 16 : index
        %get3A_1421 = tpu.vector_load %arg27[%get3A_1419, %get3A_1420] {strides = array<i32>} : memref<128x128xf32, #tpu.memory_space<vmem>>, vector<16xf32>,
        tpu.vector_store_idx %arg35[%select_n3A_89, %select_n3A_410, %broadcast_in_dim3A_1415], %get3A_1421 : memref<22x8x136xf32, #tpu.memory_space<vmem>>[vector<16xi32>, vector<16xi32>, vector<16xi32>], vector<16xf32>,
        %get3A_1422 = arith.index_cast %add3A_1414 : i32 to index
        %get3A_1423 = arith.constant 32 : index
        %get3A_1424 = tpu.vector_load %arg27[%get3A_1422, %get3A_1423] {strides = array<i32>} : memref<128x128xf32, #tpu.memory_space<vmem>>, vector<16xf32>,
        tpu.vector_store_idx %arg35[%select_n3A_120, %select_n3A_432, %broadcast_in_dim3A_1415], %get3A_1424 : memref<22x8x136xf32, #tpu.memory_space<vmem>>[vector<16xi32>, vector<16xi32>, vector<16xi32>], vector<16xf32>,
        %get3A_1425 = arith.index_cast %add3A_1414 : i32 to index
        %get3A_1426 = arith.constant 48 : index
        %get3A_1427 = tpu.vector_load %arg27[%get3A_1425, %get3A_1426] {strides = array<i32>} : memref<128x128xf32, #tpu.memory_space<vmem>>, vector<16xf32>,
        tpu.vector_store_idx %arg35[%select_n3A_151, %select_n3A_454, %broadcast_in_dim3A_1415], %get3A_1427 : memref<22x8x136xf32, #tpu.memory_space<vmem>>[vector<16xi32>, vector<16xi32>, vector<16xi32>], vector<16xf32>,
        %get3A_1428 = arith.index_cast %add3A_1414 : i32 to index
        %get3A_1429 = arith.constant 64 : index
        %get3A_1430 = tpu.vector_load %arg27[%get3A_1428, %get3A_1429] {strides = array<i32>} : memref<128x128xf32, #tpu.memory_space<vmem>>, vector<16xf32>,
        tpu.vector_store_idx %arg35[%select_n3A_182, %select_n3A_476, %broadcast_in_dim3A_1415], %get3A_1430 : memref<22x8x136xf32, #tpu.memory_space<vmem>>[vector<16xi32>, vector<16xi32>, vector<16xi32>], vector<16xf32>,
        %get3A_1431 = arith.index_cast %add3A_1414 : i32 to index
        %get3A_1432 = arith.constant 80 : index
        %get3A_1433 = tpu.vector_load %arg27[%get3A_1431, %get3A_1432] {strides = array<i32>} : memref<128x128xf32, #tpu.memory_space<vmem>>, vector<16xf32>,
        tpu.vector_store_idx %arg35[%select_n3A_213, %select_n3A_498, %broadcast_in_dim3A_1415], %get3A_1433 : memref<22x8x136xf32, #tpu.memory_space<vmem>>[vector<16xi32>, vector<16xi32>, vector<16xi32>], vector<16xf32>,
        %get3A_1434 = arith.index_cast %add3A_1414 : i32 to index
        %get3A_1435 = arith.constant 96 : index
        %get3A_1436 = tpu.vector_load %arg27[%get3A_1434, %get3A_1435] {strides = array<i32>} : memref<128x128xf32, #tpu.memory_space<vmem>>, vector<16xf32>,
        tpu.vector_store_idx %arg35[%select_n3A_244, %select_n3A_520, %broadcast_in_dim3A_1415], %get3A_1436 : memref<22x8x136xf32, #tpu.memory_space<vmem>>[vector<16xi32>, vector<16xi32>, vector<16xi32>], vector<16xf32>,
        %get3A_1437 = arith.index_cast %add3A_1414 : i32 to index
        %get3A_1438 = arith.constant 112 : index
        %get3A_1439 = tpu.vector_load %arg27[%get3A_1437, %get3A_1438] {strides = array<i32>} : memref<128x128xf32, #tpu.memory_space<vmem>>, vector<16xf32>,
        tpu.vector_store_idx %arg35[%select_n3A_275, %select_n3A_542, %broadcast_in_dim3A_1415], %get3A_1439 : memref<22x8x136xf32, #tpu.memory_space<vmem>>[vector<16xi32>, vector<16xi32>, vector<16xi32>], vector<16xf32>,
        %get3A_1440 = arith.index_cast %add3A_1414 : i32 to index
        %get3A_1441 = arith.constant 0 : index
        %get3A_1442 = tpu.vector_load %arg28[%get3A_1440, %get3A_1441] {strides = array<i32>} : memref<128x16xf32, #tpu.memory_space<vmem>>, vector<16xf32>,
        tpu.vector_store_idx %arg35[%select_n3A_306, %select_n3A_564, %broadcast_in_dim3A_1415], %get3A_1442 : memref<22x8x136xf32, #tpu.memory_space<vmem>>[vector<16xi32>, vector<16xi32>, vector<16xi32>], vector<16xf32>,
        %get3A_1443 = arith.index_cast %add3A_1414 : i32 to index
        %get3A_1444 = arith.constant 0 : index
        %get3A_1445 = tpu.vector_load %arg29[%get3A_1443, %get3A_1444] {strides = array<i32>} : memref<128x16xf32, #tpu.memory_space<vmem>>, vector<16xf32>,
        tpu.vector_store_idx %arg35[%select_n3A_337, %select_n3A_586, %broadcast_in_dim3A_1415], %get3A_1445 : memref<22x8x136xf32, #tpu.memory_space<vmem>>[vector<16xi32>, vector<16xi32>, vector<16xi32>], vector<16xf32>,
        %get3A_1446 = arith.index_cast %add3A_1414 : i32 to index
        %get3A_1447 = arith.constant 0 : index
        %get3A_1448 = tpu.vector_load %arg30[%get3A_1446, %get3A_1447] {strides = array<i32>} : memref<128x16xf32, #tpu.memory_space<vmem>>, vector<16xf32>,
        tpu.vector_store_idx %arg35[%select_n3A_368, %select_n3A_608, %broadcast_in_dim3A_1415], %get3A_1448 : memref<22x8x136xf32, #tpu.memory_space<vmem>>[vector<16xi32>, vector<16xi32>, vector<16xi32>], vector<16xf32>,
      }
      %scan3A_1144 = arith.constant 64 : i32
      %jit3A_1145 = arith.constant 32 : i32
      %div3A_1146 = arith.divsi %add3A_1089, %jit3A_1145 : i32
      %sign3A_1147 = arith.constant 0 : i32
      %sign3A_1148 = arith.cmpi sgt, %add3A_1089, %sign3A_1147 : i32
      %sign3A_1149 = arith.extui %sign3A_1148 : i1 to i32
      %sign3A_1150 = arith.constant 0 : i32
      %sign3A_1151 = arith.cmpi slt, %add3A_1089, %sign3A_1150 : i32
      %sign3A_1152 = arith.extui %sign3A_1151 : i1 to i32
      %sign3A_1153 = arith.subi %sign3A_1149, %sign3A_1152 : i32
      %sign3A_1154 = arith.constant 0 : i32
      %sign3A_1155 = arith.cmpi sgt, %jit3A_1145, %sign3A_1154 : i32
      %sign3A_1156 = arith.extui %sign3A_1155 : i1 to i32
      %sign3A_1157 = arith.constant 0 : i32
      %sign3A_1158 = arith.cmpi slt, %jit3A_1145, %sign3A_1157 : i32
      %sign3A_1159 = arith.extui %sign3A_1158 : i1 to i32
      %sign3A_1160 = arith.subi %sign3A_1156, %sign3A_1159 : i32
      %ne3A_1161 = arith.cmpi ne, %sign3A_1153, %sign3A_1160 : i32
      %rem3A_1162 = arith.remsi %add3A_1089, %jit3A_1145 : i32
      %ne3A_1163 = arith.constant 0 : i32
      %ne3A_1164 = arith.cmpi ne, %rem3A_1162, %ne3A_1163 : i32
      %and3A_1165 = arith.andi %ne3A_1161, %ne3A_1164 : i1
      %sub3A_1166 = arith.constant 1 : i32
      %sub3A_1167 = arith.subi %div3A_1146, %sub3A_1166 : i32
      %select_n3A_1168 = arith.select %and3A_1165, %sub3A_1167, %div3A_1146 : i32
      %jit3A_1169 = arith.constant 32 : i32
      %eq3A_1170 = arith.constant 0 : i32
      %eq3A_1171 = arith.cmpi eq, %jit3A_1169, %eq3A_1170 : i32
      %jit3A_1172 = arith.constant 1 : i32
      %select_n3A_1173 = arith.select %eq3A_1171, %jit3A_1172, %jit3A_1169 : i32
      %rem3A_1174 = arith.remsi %add3A_1089, %select_n3A_1173 : i32
      %ne3A_1175 = arith.constant 0 : i32
      %ne3A_1176 = arith.cmpi ne, %rem3A_1174, %ne3A_1175 : i32
      %lt3A_1177 = arith.constant 0 : i32
      %lt3A_1178 = arith.cmpi slt, %rem3A_1174, %lt3A_1177 : i32
      %lt3A_1179 = arith.constant 0 : i32
      %lt3A_1180 = arith.cmpi slt, %select_n3A_1173, %lt3A_1179 : i32
      %ne3A_1181 = arith.xori %lt3A_1178, %lt3A_1180 : i1
      %and3A_1182 = arith.andi %ne3A_1181, %ne3A_1176 : i1
      %add3A_1183 = arith.addi %rem3A_1174, %select_n3A_1173 : i32
      %select_n3A_1184 = arith.select %and3A_1182, %add3A_1183, %rem3A_1174 : i32
      %dma_start3A_1185 = arith.constant 0 : i32
      %dma_start3A_1186 = arith.constant 0 : i32
      %dma_start3A_1187 = arith.constant 0 : i32
      %dma_start3A_1188 = tpu.memref_slice %arg35[%dma_start3A_1185, %dma_start3A_1186, %dma_start3A_1187] : memref<22x8x136xf32, #tpu.memory_space<vmem>> -> memref<22x8x128xf32, #tpu.memory_space<vmem>>
      %dma_start3A_1189 = arith.constant 0 : i32
      %dma_start3A_1190 = arith.constant 0 : i32
      %dma_start3A_1191 = arith.constant 0 : i32
      %dma_start3A_1192 = tpu.memref_slice %arg10[%select_n3A_1168, %dma_start3A_1189, %select_n3A_1184, %dma_start3A_1190, %dma_start3A_1191] : memref<200x22x32x8x128xf32, #tpu.memory_space<hbm>> -> memref<1x22x1x8x128xf32, #tpu.memory_space<hbm>>
      %dma_start3A_1193 = tpu.memref_squeeze %dma_start3A_1192 : memref<1x22x1x8x128xf32, #tpu.memory_space<hbm>> -> memref<22x8x128xf32, #tpu.memory_space<hbm>>
      %dma_start3A_1194 = arith.constant 0 : i32
      %dma_start3A_1195 = arith.constant 0 : i32
      %dma_start3A_1196 = arith.constant 0 : i32
      %dma_start3A_1197 = tpu.memref_slice %arg10[%select_n3A_1168, %dma_start3A_1194, %select_n3A_1184, %dma_start3A_1195, %dma_start3A_1196] : memref<200x22x32x8x128xf32, #tpu.memory_space<hbm>> -> memref<1x22x1x8x128xf32, #tpu.memory_space<hbm>>
      %dma_start3A_1198 = tpu.memref_squeeze %dma_start3A_1197 : memref<1x22x1x8x128xf32, #tpu.memory_space<hbm>> -> memref<22x8x128xf32, #tpu.memory_space<hbm>>
      %dma_start3A_1199 = arith.constant 0 : i32
      %dma_start3A_1200 = arith.constant 0 : i32
      %dma_start3A_1201 = arith.constant 0 : i32
      %dma_start3A_1202 = tpu.memref_slice %arg35[%dma_start3A_1199, %dma_start3A_1200, %dma_start3A_1201] : memref<22x8x136xf32, #tpu.memory_space<vmem>> -> memref<22x8x128xf32, #tpu.memory_space<vmem>>
      tpu.enqueue_dma source(%dma_start3A_1202 : memref<22x8x128xf32, #tpu.memory_space<vmem>>) target(%dma_start3A_1198 : memref<22x8x128xf32, #tpu.memory_space<hbm>>) target_semaphore(%arg43 : memref<!tpu.dma_semaphore, #tpu.memory_space<semaphore_mem>>)
      %dma_wait3A_1203 = arith.constant 0 : i32
      %dma_wait3A_1204 = tpu.memref_slice %arg2[%dma_wait3A_1203] : memref<819200xi32, #tpu.memory_space<hbm>> -> memref<128xi32, #tpu.memory_space<hbm>>
      %dma_wait3A_1205 = arith.constant 0 : i32
      %dma_wait3A_1206 = tpu.memref_slice %arg2[%dma_wait3A_1205] : memref<819200xi32, #tpu.memory_space<hbm>> -> memref<128xi32, #tpu.memory_space<hbm>>
      tpu.wait_dma2 semaphore(%arg37 : memref<!tpu.dma_semaphore, #tpu.memory_space<semaphore_mem>>) src(%dma_wait3A_1206 : memref<128xi32, #tpu.memory_space<hbm>>) dst(%arg11 : memref<128xi32, #tpu.memory_space<vmem>>)
      %dma_wait3A_1207 = arith.constant 0 : i32
      %dma_wait3A_1208 = tpu.memref_slice %arg3[%dma_wait3A_1207] : memref<819200xi32, #tpu.memory_space<hbm>> -> memref<128xi32, #tpu.memory_space<hbm>>
      %dma_wait3A_1209 = arith.constant 0 : i32
      %dma_wait3A_1210 = tpu.memref_slice %arg3[%dma_wait3A_1209] : memref<819200xi32, #tpu.memory_space<hbm>> -> memref<128xi32, #tpu.memory_space<hbm>>
      tpu.wait_dma2 semaphore(%arg37 : memref<!tpu.dma_semaphore, #tpu.memory_space<semaphore_mem>>) src(%dma_wait3A_1210 : memref<128xi32, #tpu.memory_space<hbm>>) dst(%arg12 : memref<128xi32, #tpu.memory_space<vmem>>)
      %dma_wait3A_1211 = arith.constant 0 : i32
      %dma_wait3A_1212 = tpu.memref_slice %arg4[%dma_wait3A_1211] : memref<819200xi32, #tpu.memory_space<hbm>> -> memref<128xi32, #tpu.memory_space<hbm>>
      %dma_wait3A_1213 = arith.constant 0 : i32
      %dma_wait3A_1214 = tpu.memref_slice %arg4[%dma_wait3A_1213] : memref<819200xi32, #tpu.memory_space<hbm>> -> memref<128xi32, #tpu.memory_space<hbm>>
      tpu.wait_dma2 semaphore(%arg37 : memref<!tpu.dma_semaphore, #tpu.memory_space<semaphore_mem>>) src(%dma_wait3A_1214 : memref<128xi32, #tpu.memory_space<hbm>>) dst(%arg13 : memref<128xi32, #tpu.memory_space<vmem>>)
      %dma_wait3A_1215 = arith.constant 0 : i32
      %dma_wait3A_1216 = tpu.memref_slice %arg5[%dma_wait3A_1215] : memref<819200xi32, #tpu.memory_space<hbm>> -> memref<128xi32, #tpu.memory_space<hbm>>
      %dma_wait3A_1217 = arith.constant 0 : i32
      %dma_wait3A_1218 = tpu.memref_slice %arg5[%dma_wait3A_1217] : memref<819200xi32, #tpu.memory_space<hbm>> -> memref<128xi32, #tpu.memory_space<hbm>>
      tpu.wait_dma2 semaphore(%arg37 : memref<!tpu.dma_semaphore, #tpu.memory_space<semaphore_mem>>) src(%dma_wait3A_1218 : memref<128xi32, #tpu.memory_space<hbm>>) dst(%arg14 : memref<128xi32, #tpu.memory_space<vmem>>)
      %dma_start3A_1219 = arith.constant 0 : i32
      %dma_start3A_1220 = arith.constant 0 : i32
      %dma_start3A_1221 = tpu.memref_slice %arg6[%dma_start3A_1219, %dma_start3A_1220] : memref<100000x128xf32, #tpu.memory_space<hbm>> -> memref<100000x128xf32, #tpu.memory_space<hbm>>
      tpu.enqueue_indirect_dma source(%dma_start3A_1221 : memref<100000x128xf32, #tpu.memory_space<hbm>>) target(%arg27 : memref<128x128xf32, #tpu.memory_space<vmem>>) offsets(%arg11 : memref<128xi32, #tpu.memory_space<vmem>>) semaphore(%arg41 : memref<!tpu.dma_semaphore, #tpu.memory_space<semaphore_mem>>)
      %dma_start3A_1222 = arith.constant 0 : i32
      %dma_start3A_1223 = arith.constant 0 : i32
      %dma_start3A_1224 = tpu.memref_slice %arg7[%dma_start3A_1222, %dma_start3A_1223] : memref<200x16xf32, #tpu.memory_space<hbm>> -> memref<200x16xf32, #tpu.memory_space<hbm>>
      tpu.enqueue_indirect_dma source(%dma_start3A_1224 : memref<200x16xf32, #tpu.memory_space<hbm>>) target(%arg28 : memref<128x16xf32, #tpu.memory_space<vmem>>) offsets(%arg12 : memref<128xi32, #tpu.memory_space<vmem>>) semaphore(%arg41 : memref<!tpu.dma_semaphore, #tpu.memory_space<semaphore_mem>>)
      %dma_start3A_1225 = arith.constant 0 : i32
      %dma_start3A_1226 = arith.constant 0 : i32
      %dma_start3A_1227 = tpu.memref_slice %arg8[%dma_start3A_1225, %dma_start3A_1226] : memref<400x16xf32, #tpu.memory_space<hbm>> -> memref<400x16xf32, #tpu.memory_space<hbm>>
      tpu.enqueue_indirect_dma source(%dma_start3A_1227 : memref<400x16xf32, #tpu.memory_space<hbm>>) target(%arg29 : memref<128x16xf32, #tpu.memory_space<vmem>>) offsets(%arg13 : memref<128xi32, #tpu.memory_space<vmem>>) semaphore(%arg41 : memref<!tpu.dma_semaphore, #tpu.memory_space<semaphore_mem>>)
      %dma_start3A_1228 = arith.constant 0 : i32
      %dma_start3A_1229 = arith.constant 0 : i32
      %dma_start3A_1230 = tpu.memref_slice %arg9[%dma_start3A_1228, %dma_start3A_1229] : memref<400x16xf32, #tpu.memory_space<hbm>> -> memref<400x16xf32, #tpu.memory_space<hbm>>
      tpu.enqueue_indirect_dma source(%dma_start3A_1230 : memref<400x16xf32, #tpu.memory_space<hbm>>) target(%arg30 : memref<128x16xf32, #tpu.memory_space<vmem>>) offsets(%arg14 : memref<128xi32, #tpu.memory_space<vmem>>) semaphore(%arg41 : memref<!tpu.dma_semaphore, #tpu.memory_space<semaphore_mem>>)
      %add3A_1231 = arith.constant 3 : i32
      %add3A_1232 = arith.addi %add3A_834, %add3A_1231 : i32
      %dma_wait3A_1233 = arith.constant 0 : i32
      %dma_wait3A_1234 = arith.constant 0 : i32
      %dma_wait3A_1235 = tpu.memref_slice %arg6[%dma_wait3A_1233, %dma_wait3A_1234] : memref<100000x128xf32, #tpu.memory_space<hbm>> -> memref<100000x128xf32, #tpu.memory_space<hbm>>
      tpu.wait_indirect_dma semaphore(%arg42 : memref<!tpu.dma_semaphore, #tpu.memory_space<semaphore_mem>>) src(%dma_wait3A_1235 : memref<100000x128xf32, #tpu.memory_space<hbm>>) dst(%arg31 : memref<128x128xf32, #tpu.memory_space<vmem>>)
      %dma_wait3A_1236 = arith.constant 0 : i32
      %dma_wait3A_1237 = arith.constant 0 : i32
      %dma_wait3A_1238 = tpu.memref_slice %arg7[%dma_wait3A_1236, %dma_wait3A_1237] : memref<200x16xf32, #tpu.memory_space<hbm>> -> memref<200x16xf32, #tpu.memory_space<hbm>>
      tpu.wait_indirect_dma semaphore(%arg42 : memref<!tpu.dma_semaphore, #tpu.memory_space<semaphore_mem>>) src(%dma_wait3A_1238 : memref<200x16xf32, #tpu.memory_space<hbm>>) dst(%arg32 : memref<128x16xf32, #tpu.memory_space<vmem>>)
      %dma_wait3A_1239 = arith.constant 0 : i32
      %dma_wait3A_1240 = arith.constant 0 : i32
      %dma_wait3A_1241 = tpu.memref_slice %arg8[%dma_wait3A_1239, %dma_wait3A_1240] : memref<400x16xf32, #tpu.memory_space<hbm>> -> memref<400x16xf32, #tpu.memory_space<hbm>>
      tpu.wait_indirect_dma semaphore(%arg42 : memref<!tpu.dma_semaphore, #tpu.memory_space<semaphore_mem>>) src(%dma_wait3A_1241 : memref<400x16xf32, #tpu.memory_space<hbm>>) dst(%arg33 : memref<128x16xf32, #tpu.memory_space<vmem>>)
      %dma_wait3A_1242 = arith.constant 0 : i32
      %dma_wait3A_1243 = arith.constant 0 : i32
      %dma_wait3A_1244 = tpu.memref_slice %arg9[%dma_wait3A_1242, %dma_wait3A_1243] : memref<400x16xf32, #tpu.memory_space<hbm>> -> memref<400x16xf32, #tpu.memory_space<hbm>>
      tpu.wait_indirect_dma semaphore(%arg42 : memref<!tpu.dma_semaphore, #tpu.memory_space<semaphore_mem>>) src(%dma_wait3A_1244 : memref<400x16xf32, #tpu.memory_space<hbm>>) dst(%arg34 : memref<128x16xf32, #tpu.memory_space<vmem>>)
      %dma_wait3A_1245 = arith.constant 0 : i32
      %dma_wait3A_1246 = arith.constant 0 : i32
      %dma_wait3A_1247 = arith.constant 0 : i32
      %dma_wait3A_1248 = arith.constant 0 : i32
      %dma_wait3A_1249 = arith.constant 0 : i32
      %dma_wait3A_1250 = tpu.memref_slice %arg36[%dma_wait3A_1247, %dma_wait3A_1248, %dma_wait3A_1249] : memref<22x8x136xf32, #tpu.memory_space<vmem>> -> memref<22x8x128xf32, #tpu.memory_space<vmem>>
      %dma_wait3A_1251 = arith.constant 0 : i32
      %dma_wait3A_1252 = arith.constant 0 : i32
      %dma_wait3A_1253 = arith.constant 0 : i32
      %dma_wait3A_1254 = tpu.memref_slice %arg10[%dma_wait3A_1245, %dma_wait3A_1251, %dma_wait3A_1246, %dma_wait3A_1252, %dma_wait3A_1253] : memref<200x22x32x8x128xf32, #tpu.memory_space<hbm>> -> memref<1x22x1x8x128xf32, #tpu.memory_space<hbm>>
      %dma_wait3A_1255 = tpu.memref_squeeze %dma_wait3A_1254 : memref<1x22x1x8x128xf32, #tpu.memory_space<hbm>> -> memref<22x8x128xf32, #tpu.memory_space<hbm>>
      %dma_wait3A_1256 = arith.constant 0 : i32
      %dma_wait3A_1257 = arith.constant 0 : i32
      %dma_wait3A_1258 = arith.constant 0 : i32
      %dma_wait3A_1259 = tpu.memref_slice %arg10[%dma_wait3A_1245, %dma_wait3A_1256, %dma_wait3A_1246, %dma_wait3A_1257, %dma_wait3A_1258] : memref<200x22x32x8x128xf32, #tpu.memory_space<hbm>> -> memref<1x22x1x8x128xf32, #tpu.memory_space<hbm>>
      %dma_wait3A_1260 = tpu.memref_squeeze %dma_wait3A_1259 : memref<1x22x1x8x128xf32, #tpu.memory_space<hbm>> -> memref<22x8x128xf32, #tpu.memory_space<hbm>>
      %dma_wait3A_1261 = arith.constant 0 : i32
      %dma_wait3A_1262 = arith.constant 0 : i32
      %dma_wait3A_1263 = arith.constant 0 : i32
      %dma_wait3A_1264 = tpu.memref_slice %arg36[%dma_wait3A_1261, %dma_wait3A_1262, %dma_wait3A_1263] : memref<22x8x136xf32, #tpu.memory_space<vmem>> -> memref<22x8x128xf32, #tpu.memory_space<vmem>>
      tpu.wait_dma2 semaphore(%arg44 : memref<!tpu.dma_semaphore, #tpu.memory_space<semaphore_mem>>) src(%dma_wait3A_1264 : memref<22x8x128xf32, #tpu.memory_space<vmem>>) dst(%dma_wait3A_1260 : memref<22x8x128xf32, #tpu.memory_space<hbm>>)
      %add3A_1265 = arith.constant 4 : i32
      %add3A_1266 = arith.addi %add3A_1232, %add3A_1265 : i32
      %add3A_1267 = arith.constant 200 : i32
      %add3A_1268 = arith.addi %mul3A_2, %add3A_1267 : i32
      %sub3A_1269 = arith.constant 1 : i32
      %sub3A_1270 = arith.subi %add3A_1268, %sub3A_1269 : i32
      %min3A_1271 = arith.minsi %add3A_1266, %sub3A_1270 : i32
      %mul3A_1272 = arith.constant 128 : i32
      %mul3A_1273 = arith.muli %min3A_1271, %mul3A_1272 : i32
      %dma_start3A_1274 = tpu.memref_slice %arg2[%mul3A_1273] : memref<819200xi32, #tpu.memory_space<hbm>> -> memref<128xi32, #tpu.memory_space<hbm>>
      %dma_start3A_1275 = tpu.memref_slice %arg2[%mul3A_1273] : memref<819200xi32, #tpu.memory_space<hbm>> -> memref<128xi32, #tpu.memory_space<hbm>>
      tpu.enqueue_dma source(%dma_start3A_1275 : memref<128xi32, #tpu.memory_space<hbm>>) target(%arg23 : memref<128xi32, #tpu.memory_space<vmem>>) target_semaphore(%arg40 : memref<!tpu.dma_semaphore, #tpu.memory_space<semaphore_mem>>)
      %dma_start3A_1276 = tpu.memref_slice %arg3[%mul3A_1273] : memref<819200xi32, #tpu.memory_space<hbm>> -> memref<128xi32, #tpu.memory_space<hbm>>
      %dma_start3A_1277 = tpu.memref_slice %arg3[%mul3A_1273] : memref<819200xi32, #tpu.memory_space<hbm>> -> memref<128xi32, #tpu.memory_space<hbm>>
      tpu.enqueue_dma source(%dma_start3A_1277 : memref<128xi32, #tpu.memory_space<hbm>>) target(%arg24 : memref<128xi32, #tpu.memory_space<vmem>>) target_semaphore(%arg40 : memref<!tpu.dma_semaphore, #tpu.memory_space<semaphore_mem>>)
      %dma_start3A_1278 = tpu.memref_slice %arg4[%mul3A_1273] : memref<819200xi32, #tpu.memory_space<hbm>> -> memref<128xi32, #tpu.memory_space<hbm>>
      %dma_start3A_1279 = tpu.memref_slice %arg4[%mul3A_1273] : memref<819200xi32, #tpu.memory_space<hbm>> -> memref<128xi32, #tpu.memory_space<hbm>>
      tpu.enqueue_dma source(%dma_start3A_1279 : memref<128xi32, #tpu.memory_space<hbm>>) target(%arg25 : memref<128xi32, #tpu.memory_space<vmem>>) target_semaphore(%arg40 : memref<!tpu.dma_semaphore, #tpu.memory_space<semaphore_mem>>)
      %dma_start3A_1280 = tpu.memref_slice %arg5[%mul3A_1273] : memref<819200xi32, #tpu.memory_space<hbm>> -> memref<128xi32, #tpu.memory_space<hbm>>
      %dma_start3A_1281 = tpu.memref_slice %arg5[%mul3A_1273] : memref<819200xi32, #tpu.memory_space<hbm>> -> memref<128xi32, #tpu.memory_space<hbm>>
      tpu.enqueue_dma source(%dma_start3A_1281 : memref<128xi32, #tpu.memory_space<hbm>>) target(%arg26 : memref<128xi32, #tpu.memory_space<vmem>>) target_semaphore(%arg40 : memref<!tpu.dma_semaphore, #tpu.memory_space<semaphore_mem>>)
      %scan3A_1282 = arith.constant 0 : i32
      %scan3A_1283 = arith.constant 0 : i32
      %scan3A_1284 = arith.constant 64 : i32
      %scan3A_1285 = arith.addi %scan3A_1283, %scan3A_1284 : i32
      %scan3A_1286 = arith.constant 1 : i32
      scf.for %scan3A_1374 = %scan3A_1283 to %scan3A_1285 step %scan3A_1286  : i32 {
        %mul3A_1375 = arith.constant 2 : i32
        %mul3A_1376 = arith.muli %scan3A_1374, %mul3A_1375 : i32
        %add3A_1377 = arith.constant 0 : i32
        %add3A_1378 = arith.addi %mul3A_1376, %add3A_1377 : i32
        %broadcast_in_dim3A = vector.broadcast %add3A_1378 : i32 to vector<16xi32>
        %get3A = arith.index_cast %add3A_1378 : i32 to index
        %get3A_1379 = arith.constant 0 : index
        %get3A_1380 = tpu.vector_load %arg31[%get3A, %get3A_1379] {strides = array<i32>} : memref<128x128xf32, #tpu.memory_space<vmem>>, vector<16xf32>,
        tpu.vector_store_idx %arg36[%select_n3A, %select_n3A_388, %broadcast_in_dim3A], %get3A_1380 : memref<22x8x136xf32, #tpu.memory_space<vmem>>[vector<16xi32>, vector<16xi32>, vector<16xi32>], vector<16xf32>,
        %get3A_1381 = arith.index_cast %add3A_1378 : i32 to index
        %get3A_1382 = arith.constant 16 : index
        %get3A_1383 = tpu.vector_load %arg31[%get3A_1381, %get3A_1382] {strides = array<i32>} : memref<128x128xf32, #tpu.memory_space<vmem>>, vector<16xf32>,
        tpu.vector_store_idx %arg36[%select_n3A_89, %select_n3A_410, %broadcast_in_dim3A], %get3A_1383 : memref<22x8x136xf32, #tpu.memory_space<vmem>>[vector<16xi32>, vector<16xi32>, vector<16xi32>], vector<16xf32>,
        %get3A_1384 = arith.index_cast %add3A_1378 : i32 to index
        %get3A_1385 = arith.constant 32 : index
        %get3A_1386 = tpu.vector_load %arg31[%get3A_1384, %get3A_1385] {strides = array<i32>} : memref<128x128xf32, #tpu.memory_space<vmem>>, vector<16xf32>,
        tpu.vector_store_idx %arg36[%select_n3A_120, %select_n3A_432, %broadcast_in_dim3A], %get3A_1386 : memref<22x8x136xf32, #tpu.memory_space<vmem>>[vector<16xi32>, vector<16xi32>, vector<16xi32>], vector<16xf32>,
        %get3A_1387 = arith.index_cast %add3A_1378 : i32 to index
        %get3A_1388 = arith.constant 48 : index
        %get3A_1389 = tpu.vector_load %arg31[%get3A_1387, %get3A_1388] {strides = array<i32>} : memref<128x128xf32, #tpu.memory_space<vmem>>, vector<16xf32>,
        tpu.vector_store_idx %arg36[%select_n3A_151, %select_n3A_454, %broadcast_in_dim3A], %get3A_1389 : memref<22x8x136xf32, #tpu.memory_space<vmem>>[vector<16xi32>, vector<16xi32>, vector<16xi32>], vector<16xf32>,
        %get3A_1390 = arith.index_cast %add3A_1378 : i32 to index
        %get3A_1391 = arith.constant 64 : index
        %get3A_1392 = tpu.vector_load %arg31[%get3A_1390, %get3A_1391] {strides = array<i32>} : memref<128x128xf32, #tpu.memory_space<vmem>>, vector<16xf32>,
        tpu.vector_store_idx %arg36[%select_n3A_182, %select_n3A_476, %broadcast_in_dim3A], %get3A_1392 : memref<22x8x136xf32, #tpu.memory_space<vmem>>[vector<16xi32>, vector<16xi32>, vector<16xi32>], vector<16xf32>,
        %get3A_1393 = arith.index_cast %add3A_1378 : i32 to index
        %get3A_1394 = arith.constant 80 : index
        %get3A_1395 = tpu.vector_load %arg31[%get3A_1393, %get3A_1394] {strides = array<i32>} : memref<128x128xf32, #tpu.memory_space<vmem>>, vector<16xf32>,
        tpu.vector_store_idx %arg36[%select_n3A_213, %select_n3A_498, %broadcast_in_dim3A], %get3A_1395 : memref<22x8x136xf32, #tpu.memory_space<vmem>>[vector<16xi32>, vector<16xi32>, vector<16xi32>], vector<16xf32>,
        %get3A_1396 = arith.index_cast %add3A_1378 : i32 to index
        %get3A_1397 = arith.constant 96 : index
        %get3A_1398 = tpu.vector_load %arg31[%get3A_1396, %get3A_1397] {strides = array<i32>} : memref<128x128xf32, #tpu.memory_space<vmem>>, vector<16xf32>,
        tpu.vector_store_idx %arg36[%select_n3A_244, %select_n3A_520, %broadcast_in_dim3A], %get3A_1398 : memref<22x8x136xf32, #tpu.memory_space<vmem>>[vector<16xi32>, vector<16xi32>, vector<16xi32>], vector<16xf32>,
        %get3A_1399 = arith.index_cast %add3A_1378 : i32 to index
        %get3A_1400 = arith.constant 112 : index
        %get3A_1401 = tpu.vector_load %arg31[%get3A_1399, %get3A_1400] {strides = array<i32>} : memref<128x128xf32, #tpu.memory_space<vmem>>, vector<16xf32>,
        tpu.vector_store_idx %arg36[%select_n3A_275, %select_n3A_542, %broadcast_in_dim3A], %get3A_1401 : memref<22x8x136xf32, #tpu.memory_space<vmem>>[vector<16xi32>, vector<16xi32>, vector<16xi32>], vector<16xf32>,
        %get3A_1402 = arith.index_cast %add3A_1378 : i32 to index
        %get3A_1403 = arith.constant 0 : index
        %get3A_1404 = tpu.vector_load %arg32[%get3A_1402, %get3A_1403] {strides = array<i32>} : memref<128x16xf32, #tpu.memory_space<vmem>>, vector<16xf32>,
        tpu.vector_store_idx %arg36[%select_n3A_306, %select_n3A_564, %broadcast_in_dim3A], %get3A_1404 : memref<22x8x136xf32, #tpu.memory_space<vmem>>[vector<16xi32>, vector<16xi32>, vector<16xi32>], vector<16xf32>,
        %get3A_1405 = arith.index_cast %add3A_1378 : i32 to index
        %get3A_1406 = arith.constant 0 : index
        %get3A_1407 = tpu.vector_load %arg33[%get3A_1405, %get3A_1406] {strides = array<i32>} : memref<128x16xf32, #tpu.memory_space<vmem>>, vector<16xf32>,
        tpu.vector_store_idx %arg36[%select_n3A_337, %select_n3A_586, %broadcast_in_dim3A], %get3A_1407 : memref<22x8x136xf32, #tpu.memory_space<vmem>>[vector<16xi32>, vector<16xi32>, vector<16xi32>], vector<16xf32>,
        %get3A_1408 = arith.index_cast %add3A_1378 : i32 to index
        %get3A_1409 = arith.constant 0 : index
        %get3A_1410 = tpu.vector_load %arg34[%get3A_1408, %get3A_1409] {strides = array<i32>} : memref<128x16xf32, #tpu.memory_space<vmem>>, vector<16xf32>,
        tpu.vector_store_idx %arg36[%select_n3A_368, %select_n3A_608, %broadcast_in_dim3A], %get3A_1410 : memref<22x8x136xf32, #tpu.memory_space<vmem>>[vector<16xi32>, vector<16xi32>, vector<16xi32>], vector<16xf32>,
        %mul3A_1411 = arith.constant 2 : i32
        %mul3A_1412 = arith.muli %scan3A_1374, %mul3A_1411 : i32
        %add3A_1413 = arith.constant 1 : i32
        %add3A_1414 = arith.addi %mul3A_1412, %add3A_1413 : i32
        %broadcast_in_dim3A_1415 = vector.broadcast %add3A_1414 : i32 to vector<16xi32>
        %get3A_1416 = arith.index_cast %add3A_1414 : i32 to index
        %get3A_1417 = arith.constant 0 : index
        %get3A_1418 = tpu.vector_load %arg31[%get3A_1416, %get3A_1417] {strides = array<i32>} : memref<128x128xf32, #tpu.memory_space<vmem>>, vector<16xf32>,
        tpu.vector_store_idx %arg36[%select_n3A, %select_n3A_388, %broadcast_in_dim3A_1415], %get3A_1418 : memref<22x8x136xf32, #tpu.memory_space<vmem>>[vector<16xi32>, vector<16xi32>, vector<16xi32>], vector<16xf32>,
        %get3A_1419 = arith.index_cast %add3A_1414 : i32 to index
        %get3A_1420 = arith.constant 16 : index
        %get3A_1421 = tpu.vector_load %arg31[%get3A_1419, %get3A_1420] {strides = array<i32>} : memref<128x128xf32, #tpu.memory_space<vmem>>, vector<16xf32>,
        tpu.vector_store_idx %arg36[%select_n3A_89, %select_n3A_410, %broadcast_in_dim3A_1415], %get3A_1421 : memref<22x8x136xf32, #tpu.memory_space<vmem>>[vector<16xi32>, vector<16xi32>, vector<16xi32>], vector<16xf32>,
        %get3A_1422 = arith.index_cast %add3A_1414 : i32 to index
        %get3A_1423 = arith.constant 32 : index
        %get3A_1424 = tpu.vector_load %arg31[%get3A_1422, %get3A_1423] {strides = array<i32>} : memref<128x128xf32, #tpu.memory_space<vmem>>, vector<16xf32>,
        tpu.vector_store_idx %arg36[%select_n3A_120, %select_n3A_432, %broadcast_in_dim3A_1415], %get3A_1424 : memref<22x8x136xf32, #tpu.memory_space<vmem>>[vector<16xi32>, vector<16xi32>, vector<16xi32>], vector<16xf32>,
        %get3A_1425 = arith.index_cast %add3A_1414 : i32 to index
        %get3A_1426 = arith.constant 48 : index
        %get3A_1427 = tpu.vector_load %arg31[%get3A_1425, %get3A_1426] {strides = array<i32>} : memref<128x128xf32, #tpu.memory_space<vmem>>, vector<16xf32>,
        tpu.vector_store_idx %arg36[%select_n3A_151, %select_n3A_454, %broadcast_in_dim3A_1415], %get3A_1427 : memref<22x8x136xf32, #tpu.memory_space<vmem>>[vector<16xi32>, vector<16xi32>, vector<16xi32>], vector<16xf32>,
        %get3A_1428 = arith.index_cast %add3A_1414 : i32 to index
        %get3A_1429 = arith.constant 64 : index
        %get3A_1430 = tpu.vector_load %arg31[%get3A_1428, %get3A_1429] {strides = array<i32>} : memref<128x128xf32, #tpu.memory_space<vmem>>, vector<16xf32>,
        tpu.vector_store_idx %arg36[%select_n3A_182, %select_n3A_476, %broadcast_in_dim3A_1415], %get3A_1430 : memref<22x8x136xf32, #tpu.memory_space<vmem>>[vector<16xi32>, vector<16xi32>, vector<16xi32>], vector<16xf32>,
        %get3A_1431 = arith.index_cast %add3A_1414 : i32 to index
        %get3A_1432 = arith.constant 80 : index
        %get3A_1433 = tpu.vector_load %arg31[%get3A_1431, %get3A_1432] {strides = array<i32>} : memref<128x128xf32, #tpu.memory_space<vmem>>, vector<16xf32>,
        tpu.vector_store_idx %arg36[%select_n3A_213, %select_n3A_498, %broadcast_in_dim3A_1415], %get3A_1433 : memref<22x8x136xf32, #tpu.memory_space<vmem>>[vector<16xi32>, vector<16xi32>, vector<16xi32>], vector<16xf32>,
        %get3A_1434 = arith.index_cast %add3A_1414 : i32 to index
        %get3A_1435 = arith.constant 96 : index
        %get3A_1436 = tpu.vector_load %arg31[%get3A_1434, %get3A_1435] {strides = array<i32>} : memref<128x128xf32, #tpu.memory_space<vmem>>, vector<16xf32>,
        tpu.vector_store_idx %arg36[%select_n3A_244, %select_n3A_520, %broadcast_in_dim3A_1415], %get3A_1436 : memref<22x8x136xf32, #tpu.memory_space<vmem>>[vector<16xi32>, vector<16xi32>, vector<16xi32>], vector<16xf32>,
        %get3A_1437 = arith.index_cast %add3A_1414 : i32 to index
        %get3A_1438 = arith.constant 112 : index
        %get3A_1439 = tpu.vector_load %arg31[%get3A_1437, %get3A_1438] {strides = array<i32>} : memref<128x128xf32, #tpu.memory_space<vmem>>, vector<16xf32>,
        tpu.vector_store_idx %arg36[%select_n3A_275, %select_n3A_542, %broadcast_in_dim3A_1415], %get3A_1439 : memref<22x8x136xf32, #tpu.memory_space<vmem>>[vector<16xi32>, vector<16xi32>, vector<16xi32>], vector<16xf32>,
        %get3A_1440 = arith.index_cast %add3A_1414 : i32 to index
        %get3A_1441 = arith.constant 0 : index
        %get3A_1442 = tpu.vector_load %arg32[%get3A_1440, %get3A_1441] {strides = array<i32>} : memref<128x16xf32, #tpu.memory_space<vmem>>, vector<16xf32>,
        tpu.vector_store_idx %arg36[%select_n3A_306, %select_n3A_564, %broadcast_in_dim3A_1415], %get3A_1442 : memref<22x8x136xf32, #tpu.memory_space<vmem>>[vector<16xi32>, vector<16xi32>, vector<16xi32>], vector<16xf32>,
        %get3A_1443 = arith.index_cast %add3A_1414 : i32 to index
        %get3A_1444 = arith.constant 0 : index
        %get3A_1445 = tpu.vector_load %arg33[%get3A_1443, %get3A_1444] {strides = array<i32>} : memref<128x16xf32, #tpu.memory_space<vmem>>, vector<16xf32>,
        tpu.vector_store_idx %arg36[%select_n3A_337, %select_n3A_586, %broadcast_in_dim3A_1415], %get3A_1445 : memref<22x8x136xf32, #tpu.memory_space<vmem>>[vector<16xi32>, vector<16xi32>, vector<16xi32>], vector<16xf32>,
        %get3A_1446 = arith.index_cast %add3A_1414 : i32 to index
        %get3A_1447 = arith.constant 0 : index
        %get3A_1448 = tpu.vector_load %arg34[%get3A_1446, %get3A_1447] {strides = array<i32>} : memref<128x16xf32, #tpu.memory_space<vmem>>, vector<16xf32>,
        tpu.vector_store_idx %arg36[%select_n3A_368, %select_n3A_608, %broadcast_in_dim3A_1415], %get3A_1448 : memref<22x8x136xf32, #tpu.memory_space<vmem>>[vector<16xi32>, vector<16xi32>, vector<16xi32>], vector<16xf32>,
      }
      %scan3A_1287 = arith.constant 64 : i32
      %jit3A_1288 = arith.constant 32 : i32
      %div3A_1289 = arith.divsi %add3A_1232, %jit3A_1288 : i32
      %sign3A_1290 = arith.constant 0 : i32
      %sign3A_1291 = arith.cmpi sgt, %add3A_1232, %sign3A_1290 : i32
      %sign3A_1292 = arith.extui %sign3A_1291 : i1 to i32
      %sign3A_1293 = arith.constant 0 : i32
      %sign3A_1294 = arith.cmpi slt, %add3A_1232, %sign3A_1293 : i32
      %sign3A_1295 = arith.extui %sign3A_1294 : i1 to i32
      %sign3A_1296 = arith.subi %sign3A_1292, %sign3A_1295 : i32
      %sign3A_1297 = arith.constant 0 : i32
      %sign3A_1298 = arith.cmpi sgt, %jit3A_1288, %sign3A_1297 : i32
      %sign3A_1299 = arith.extui %sign3A_1298 : i1 to i32
      %sign3A_1300 = arith.constant 0 : i32
      %sign3A_1301 = arith.cmpi slt, %jit3A_1288, %sign3A_1300 : i32
      %sign3A_1302 = arith.extui %sign3A_1301 : i1 to i32
      %sign3A_1303 = arith.subi %sign3A_1299, %sign3A_1302 : i32
      %ne3A_1304 = arith.cmpi ne, %sign3A_1296, %sign3A_1303 : i32
      %rem3A_1305 = arith.remsi %add3A_1232, %jit3A_1288 : i32
      %ne3A_1306 = arith.constant 0 : i32
      %ne3A_1307 = arith.cmpi ne, %rem3A_1305, %ne3A_1306 : i32
      %and3A_1308 = arith.andi %ne3A_1304, %ne3A_1307 : i1
      %sub3A_1309 = arith.constant 1 : i32
      %sub3A_1310 = arith.subi %div3A_1289, %sub3A_1309 : i32
      %select_n3A_1311 = arith.select %and3A_1308, %sub3A_1310, %div3A_1289 : i32
      %jit3A_1312 = arith.constant 32 : i32
      %eq3A_1313 = arith.constant 0 : i32
      %eq3A_1314 = arith.cmpi eq, %jit3A_1312, %eq3A_1313 : i32
      %jit3A_1315 = arith.constant 1 : i32
      %select_n3A_1316 = arith.select %eq3A_1314, %jit3A_1315, %jit3A_1312 : i32
      %rem3A_1317 = arith.remsi %add3A_1232, %select_n3A_1316 : i32
      %ne3A_1318 = arith.constant 0 : i32
      %ne3A_1319 = arith.cmpi ne, %rem3A_1317, %ne3A_1318 : i32
      %lt3A_1320 = arith.constant 0 : i32
      %lt3A_1321 = arith.cmpi slt, %rem3A_1317, %lt3A_1320 : i32
      %lt3A_1322 = arith.constant 0 : i32
      %lt3A_1323 = arith.cmpi slt, %select_n3A_1316, %lt3A_1322 : i32
      %ne3A_1324 = arith.xori %lt3A_1321, %lt3A_1323 : i1
      %and3A_1325 = arith.andi %ne3A_1324, %ne3A_1319 : i1
      %add3A_1326 = arith.addi %rem3A_1317, %select_n3A_1316 : i32
      %select_n3A_1327 = arith.select %and3A_1325, %add3A_1326, %rem3A_1317 : i32
      %dma_start3A_1328 = arith.constant 0 : i32
      %dma_start3A_1329 = arith.constant 0 : i32
      %dma_start3A_1330 = arith.constant 0 : i32
      %dma_start3A_1331 = tpu.memref_slice %arg36[%dma_start3A_1328, %dma_start3A_1329, %dma_start3A_1330] : memref<22x8x136xf32, #tpu.memory_space<vmem>> -> memref<22x8x128xf32, #tpu.memory_space<vmem>>
      %dma_start3A_1332 = arith.constant 0 : i32
      %dma_start3A_1333 = arith.constant 0 : i32
      %dma_start3A_1334 = arith.constant 0 : i32
      %dma_start3A_1335 = tpu.memref_slice %arg10[%select_n3A_1311, %dma_start3A_1332, %select_n3A_1327, %dma_start3A_1333, %dma_start3A_1334] : memref<200x22x32x8x128xf32, #tpu.memory_space<hbm>> -> memref<1x22x1x8x128xf32, #tpu.memory_space<hbm>>
      %dma_start3A_1336 = tpu.memref_squeeze %dma_start3A_1335 : memref<1x22x1x8x128xf32, #tpu.memory_space<hbm>> -> memref<22x8x128xf32, #tpu.memory_space<hbm>>
      %dma_start3A_1337 = arith.constant 0 : i32
      %dma_start3A_1338 = arith.constant 0 : i32
      %dma_start3A_1339 = arith.constant 0 : i32
      %dma_start3A_1340 = tpu.memref_slice %arg10[%select_n3A_1311, %dma_start3A_1337, %select_n3A_1327, %dma_start3A_1338, %dma_start3A_1339] : memref<200x22x32x8x128xf32, #tpu.memory_space<hbm>> -> memref<1x22x1x8x128xf32, #tpu.memory_space<hbm>>
      %dma_start3A_1341 = tpu.memref_squeeze %dma_start3A_1340 : memref<1x22x1x8x128xf32, #tpu.memory_space<hbm>> -> memref<22x8x128xf32, #tpu.memory_space<hbm>>
      %dma_start3A_1342 = arith.constant 0 : i32
      %dma_start3A_1343 = arith.constant 0 : i32
      %dma_start3A_1344 = arith.constant 0 : i32
      %dma_start3A_1345 = tpu.memref_slice %arg36[%dma_start3A_1342, %dma_start3A_1343, %dma_start3A_1344] : memref<22x8x136xf32, #tpu.memory_space<vmem>> -> memref<22x8x128xf32, #tpu.memory_space<vmem>>
      tpu.enqueue_dma source(%dma_start3A_1345 : memref<22x8x128xf32, #tpu.memory_space<vmem>>) target(%dma_start3A_1341 : memref<22x8x128xf32, #tpu.memory_space<hbm>>) target_semaphore(%arg44 : memref<!tpu.dma_semaphore, #tpu.memory_space<semaphore_mem>>)
      %dma_wait3A_1346 = arith.constant 0 : i32
      %dma_wait3A_1347 = tpu.memref_slice %arg2[%dma_wait3A_1346] : memref<819200xi32, #tpu.memory_space<hbm>> -> memref<128xi32, #tpu.memory_space<hbm>>
      %dma_wait3A_1348 = arith.constant 0 : i32
      %dma_wait3A_1349 = tpu.memref_slice %arg2[%dma_wait3A_1348] : memref<819200xi32, #tpu.memory_space<hbm>> -> memref<128xi32, #tpu.memory_space<hbm>>
      tpu.wait_dma2 semaphore(%arg38 : memref<!tpu.dma_semaphore, #tpu.memory_space<semaphore_mem>>) src(%dma_wait3A_1349 : memref<128xi32, #tpu.memory_space<hbm>>) dst(%arg15 : memref<128xi32, #tpu.memory_space<vmem>>)
      %dma_wait3A_1350 = arith.constant 0 : i32
      %dma_wait3A_1351 = tpu.memref_slice %arg3[%dma_wait3A_1350] : memref<819200xi32, #tpu.memory_space<hbm>> -> memref<128xi32, #tpu.memory_space<hbm>>
      %dma_wait3A_1352 = arith.constant 0 : i32
      %dma_wait3A_1353 = tpu.memref_slice %arg3[%dma_wait3A_1352] : memref<819200xi32, #tpu.memory_space<hbm>> -> memref<128xi32, #tpu.memory_space<hbm>>
      tpu.wait_dma2 semaphore(%arg38 : memref<!tpu.dma_semaphore, #tpu.memory_space<semaphore_mem>>) src(%dma_wait3A_1353 : memref<128xi32, #tpu.memory_space<hbm>>) dst(%arg16 : memref<128xi32, #tpu.memory_space<vmem>>)
      %dma_wait3A_1354 = arith.constant 0 : i32
      %dma_wait3A_1355 = tpu.memref_slice %arg4[%dma_wait3A_1354] : memref<819200xi32, #tpu.memory_space<hbm>> -> memref<128xi32, #tpu.memory_space<hbm>>
      %dma_wait3A_1356 = arith.constant 0 : i32
      %dma_wait3A_1357 = tpu.memref_slice %arg4[%dma_wait3A_1356] : memref<819200xi32, #tpu.memory_space<hbm>> -> memref<128xi32, #tpu.memory_space<hbm>>
      tpu.wait_dma2 semaphore(%arg38 : memref<!tpu.dma_semaphore, #tpu.memory_space<semaphore_mem>>) src(%dma_wait3A_1357 : memref<128xi32, #tpu.memory_space<hbm>>) dst(%arg17 : memref<128xi32, #tpu.memory_space<vmem>>)
      %dma_wait3A_1358 = arith.constant 0 : i32
      %dma_wait3A_1359 = tpu.memref_slice %arg5[%dma_wait3A_1358] : memref<819200xi32, #tpu.memory_space<hbm>> -> memref<128xi32, #tpu.memory_space<hbm>>
      %dma_wait3A_1360 = arith.constant 0 : i32
      %dma_wait3A_1361 = tpu.memref_slice %arg5[%dma_wait3A_1360] : memref<819200xi32, #tpu.memory_space<hbm>> -> memref<128xi32, #tpu.memory_space<hbm>>
      tpu.wait_dma2 semaphore(%arg38 : memref<!tpu.dma_semaphore, #tpu.memory_space<semaphore_mem>>) src(%dma_wait3A_1361 : memref<128xi32, #tpu.memory_space<hbm>>) dst(%arg18 : memref<128xi32, #tpu.memory_space<vmem>>)
      %dma_start3A_1362 = arith.constant 0 : i32
      %dma_start3A_1363 = arith.constant 0 : i32
      %dma_start3A_1364 = tpu.memref_slice %arg6[%dma_start3A_1362, %dma_start3A_1363] : memref<100000x128xf32, #tpu.memory_space<hbm>> -> memref<100000x128xf32, #tpu.memory_space<hbm>>
      tpu.enqueue_indirect_dma source(%dma_start3A_1364 : memref<100000x128xf32, #tpu.memory_space<hbm>>) target(%arg31 : memref<128x128xf32, #tpu.memory_space<vmem>>) offsets(%arg15 : memref<128xi32, #tpu.memory_space<vmem>>) semaphore(%arg42 : memref<!tpu.dma_semaphore, #tpu.memory_space<semaphore_mem>>)
      %dma_start3A_1365 = arith.constant 0 : i32
      %dma_start3A_1366 = arith.constant 0 : i32
      %dma_start3A_1367 = tpu.memref_slice %arg7[%dma_start3A_1365, %dma_start3A_1366] : memref<200x16xf32, #tpu.memory_space<hbm>> -> memref<200x16xf32, #tpu.memory_space<hbm>>
      tpu.enqueue_indirect_dma source(%dma_start3A_1367 : memref<200x16xf32, #tpu.memory_space<hbm>>) target(%arg32 : memref<128x16xf32, #tpu.memory_space<vmem>>) offsets(%arg16 : memref<128xi32, #tpu.memory_space<vmem>>) semaphore(%arg42 : memref<!tpu.dma_semaphore, #tpu.memory_space<semaphore_mem>>)
      %dma_start3A_1368 = arith.constant 0 : i32
      %dma_start3A_1369 = arith.constant 0 : i32
      %dma_start3A_1370 = tpu.memref_slice %arg8[%dma_start3A_1368, %dma_start3A_1369] : memref<400x16xf32, #tpu.memory_space<hbm>> -> memref<400x16xf32, #tpu.memory_space<hbm>>
      tpu.enqueue_indirect_dma source(%dma_start3A_1370 : memref<400x16xf32, #tpu.memory_space<hbm>>) target(%arg33 : memref<128x16xf32, #tpu.memory_space<vmem>>) offsets(%arg17 : memref<128xi32, #tpu.memory_space<vmem>>) semaphore(%arg42 : memref<!tpu.dma_semaphore, #tpu.memory_space<semaphore_mem>>)
      %dma_start3A_1371 = arith.constant 0 : i32
      %dma_start3A_1372 = arith.constant 0 : i32
      %dma_start3A_1373 = tpu.memref_slice %arg9[%dma_start3A_1371, %dma_start3A_1372] : memref<400x16xf32, #tpu.memory_space<hbm>> -> memref<400x16xf32, #tpu.memory_space<hbm>>
      tpu.enqueue_indirect_dma source(%dma_start3A_1373 : memref<400x16xf32, #tpu.memory_space<hbm>>) target(%arg34 : memref<128x16xf32, #tpu.memory_space<vmem>>) offsets(%arg18 : memref<128xi32, #tpu.memory_space<vmem>>) semaphore(%arg42 : memref<!tpu.dma_semaphore, #tpu.memory_space<semaphore_mem>>)
    }
    %scan3A_734 = arith.constant 50 : i32
    %dma_wait3A_735 = arith.constant 0 : i32
    %dma_wait3A_736 = tpu.memref_slice %arg2[%dma_wait3A_735] : memref<819200xi32, #tpu.memory_space<hbm>> -> memref<128xi32, #tpu.memory_space<hbm>>
    %dma_wait3A_737 = arith.constant 0 : i32
    %dma_wait3A_738 = tpu.memref_slice %arg2[%dma_wait3A_737] : memref<819200xi32, #tpu.memory_space<hbm>> -> memref<128xi32, #tpu.memory_space<hbm>>
    tpu.wait_dma2 semaphore(%arg39 : memref<!tpu.dma_semaphore, #tpu.memory_space<semaphore_mem>>) src(%dma_wait3A_738 : memref<128xi32, #tpu.memory_space<hbm>>) dst(%arg19 : memref<128xi32, #tpu.memory_space<vmem>>)
    %dma_wait3A_739 = arith.constant 0 : i32
    %dma_wait3A_740 = tpu.memref_slice %arg3[%dma_wait3A_739] : memref<819200xi32, #tpu.memory_space<hbm>> -> memref<128xi32, #tpu.memory_space<hbm>>
    %dma_wait3A_741 = arith.constant 0 : i32
    %dma_wait3A_742 = tpu.memref_slice %arg3[%dma_wait3A_741] : memref<819200xi32, #tpu.memory_space<hbm>> -> memref<128xi32, #tpu.memory_space<hbm>>
    tpu.wait_dma2 semaphore(%arg39 : memref<!tpu.dma_semaphore, #tpu.memory_space<semaphore_mem>>) src(%dma_wait3A_742 : memref<128xi32, #tpu.memory_space<hbm>>) dst(%arg20 : memref<128xi32, #tpu.memory_space<vmem>>)
    %dma_wait3A_743 = arith.constant 0 : i32
    %dma_wait3A_744 = tpu.memref_slice %arg4[%dma_wait3A_743] : memref<819200xi32, #tpu.memory_space<hbm>> -> memref<128xi32, #tpu.memory_space<hbm>>
    %dma_wait3A_745 = arith.constant 0 : i32
    %dma_wait3A_746 = tpu.memref_slice %arg4[%dma_wait3A_745] : memref<819200xi32, #tpu.memory_space<hbm>> -> memref<128xi32, #tpu.memory_space<hbm>>
    tpu.wait_dma2 semaphore(%arg39 : memref<!tpu.dma_semaphore, #tpu.memory_space<semaphore_mem>>) src(%dma_wait3A_746 : memref<128xi32, #tpu.memory_space<hbm>>) dst(%arg21 : memref<128xi32, #tpu.memory_space<vmem>>)
    %dma_wait3A_747 = arith.constant 0 : i32
    %dma_wait3A_748 = tpu.memref_slice %arg5[%dma_wait3A_747] : memref<819200xi32, #tpu.memory_space<hbm>> -> memref<128xi32, #tpu.memory_space<hbm>>
    %dma_wait3A_749 = arith.constant 0 : i32
    %dma_wait3A_750 = tpu.memref_slice %arg5[%dma_wait3A_749] : memref<819200xi32, #tpu.memory_space<hbm>> -> memref<128xi32, #tpu.memory_space<hbm>>
    tpu.wait_dma2 semaphore(%arg39 : memref<!tpu.dma_semaphore, #tpu.memory_space<semaphore_mem>>) src(%dma_wait3A_750 : memref<128xi32, #tpu.memory_space<hbm>>) dst(%arg22 : memref<128xi32, #tpu.memory_space<vmem>>)
    %dma_wait3A_751 = arith.constant 0 : i32
    %dma_wait3A_752 = arith.constant 0 : i32
    %dma_wait3A_753 = tpu.memref_slice %arg6[%dma_wait3A_751, %dma_wait3A_752] : memref<100000x128xf32, #tpu.memory_space<hbm>> -> memref<100000x128xf32, #tpu.memory_space<hbm>>
    tpu.wait_indirect_dma semaphore(%arg41 : memref<!tpu.dma_semaphore, #tpu.memory_space<semaphore_mem>>) src(%dma_wait3A_753 : memref<100000x128xf32, #tpu.memory_space<hbm>>) dst(%arg27 : memref<128x128xf32, #tpu.memory_space<vmem>>)
    %dma_wait3A_754 = arith.constant 0 : i32
    %dma_wait3A_755 = arith.constant 0 : i32
    %dma_wait3A_756 = tpu.memref_slice %arg7[%dma_wait3A_754, %dma_wait3A_755] : memref<200x16xf32, #tpu.memory_space<hbm>> -> memref<200x16xf32, #tpu.memory_space<hbm>>
    tpu.wait_indirect_dma semaphore(%arg41 : memref<!tpu.dma_semaphore, #tpu.memory_space<semaphore_mem>>) src(%dma_wait3A_756 : memref<200x16xf32, #tpu.memory_space<hbm>>) dst(%arg28 : memref<128x16xf32, #tpu.memory_space<vmem>>)
    %dma_wait3A_757 = arith.constant 0 : i32
    %dma_wait3A_758 = arith.constant 0 : i32
    %dma_wait3A_759 = tpu.memref_slice %arg8[%dma_wait3A_757, %dma_wait3A_758] : memref<400x16xf32, #tpu.memory_space<hbm>> -> memref<400x16xf32, #tpu.memory_space<hbm>>
    tpu.wait_indirect_dma semaphore(%arg41 : memref<!tpu.dma_semaphore, #tpu.memory_space<semaphore_mem>>) src(%dma_wait3A_759 : memref<400x16xf32, #tpu.memory_space<hbm>>) dst(%arg29 : memref<128x16xf32, #tpu.memory_space<vmem>>)
    %dma_wait3A_760 = arith.constant 0 : i32
    %dma_wait3A_761 = arith.constant 0 : i32
    %dma_wait3A_762 = tpu.memref_slice %arg9[%dma_wait3A_760, %dma_wait3A_761] : memref<400x16xf32, #tpu.memory_space<hbm>> -> memref<400x16xf32, #tpu.memory_space<hbm>>
    tpu.wait_indirect_dma semaphore(%arg41 : memref<!tpu.dma_semaphore, #tpu.memory_space<semaphore_mem>>) src(%dma_wait3A_762 : memref<400x16xf32, #tpu.memory_space<hbm>>) dst(%arg30 : memref<128x16xf32, #tpu.memory_space<vmem>>)
    %dma_wait3A_763 = arith.constant 0 : i32
    %dma_wait3A_764 = arith.constant 0 : i32
    %dma_wait3A_765 = arith.constant 0 : i32
    %dma_wait3A_766 = arith.constant 0 : i32
    %dma_wait3A_767 = arith.constant 0 : i32
    %dma_wait3A_768 = tpu.memref_slice %arg35[%dma_wait3A_765, %dma_wait3A_766, %dma_wait3A_767] : memref<22x8x136xf32, #tpu.memory_space<vmem>> -> memref<22x8x128xf32, #tpu.memory_space<vmem>>
    %dma_wait3A_769 = arith.constant 0 : i32
    %dma_wait3A_770 = arith.constant 0 : i32
    %dma_wait3A_771 = arith.constant 0 : i32
    %dma_wait3A_772 = tpu.memref_slice %arg10[%dma_wait3A_763, %dma_wait3A_769, %dma_wait3A_764, %dma_wait3A_770, %dma_wait3A_771] : memref<200x22x32x8x128xf32, #tpu.memory_space<hbm>> -> memref<1x22x1x8x128xf32, #tpu.memory_space<hbm>>
    %dma_wait3A_773 = tpu.memref_squeeze %dma_wait3A_772 : memref<1x22x1x8x128xf32, #tpu.memory_space<hbm>> -> memref<22x8x128xf32, #tpu.memory_space<hbm>>
    %dma_wait3A_774 = arith.constant 0 : i32
    %dma_wait3A_775 = arith.constant 0 : i32
    %dma_wait3A_776 = arith.constant 0 : i32
    %dma_wait3A_777 = tpu.memref_slice %arg10[%dma_wait3A_763, %dma_wait3A_774, %dma_wait3A_764, %dma_wait3A_775, %dma_wait3A_776] : memref<200x22x32x8x128xf32, #tpu.memory_space<hbm>> -> memref<1x22x1x8x128xf32, #tpu.memory_space<hbm>>
    %dma_wait3A_778 = tpu.memref_squeeze %dma_wait3A_777 : memref<1x22x1x8x128xf32, #tpu.memory_space<hbm>> -> memref<22x8x128xf32, #tpu.memory_space<hbm>>
    %dma_wait3A_779 = arith.constant 0 : i32
    %dma_wait3A_780 = arith.constant 0 : i32
    %dma_wait3A_781 = arith.constant 0 : i32
    %dma_wait3A_782 = tpu.memref_slice %arg35[%dma_wait3A_779, %dma_wait3A_780, %dma_wait3A_781] : memref<22x8x136xf32, #tpu.memory_space<vmem>> -> memref<22x8x128xf32, #tpu.memory_space<vmem>>
    tpu.wait_dma2 semaphore(%arg43 : memref<!tpu.dma_semaphore, #tpu.memory_space<semaphore_mem>>) src(%dma_wait3A_782 : memref<22x8x128xf32, #tpu.memory_space<vmem>>) dst(%dma_wait3A_778 : memref<22x8x128xf32, #tpu.memory_space<hbm>>)
    %dma_wait3A_783 = arith.constant 0 : i32
    %dma_wait3A_784 = tpu.memref_slice %arg2[%dma_wait3A_783] : memref<819200xi32, #tpu.memory_space<hbm>> -> memref<128xi32, #tpu.memory_space<hbm>>
    %dma_wait3A_785 = arith.constant 0 : i32
    %dma_wait3A_786 = tpu.memref_slice %arg2[%dma_wait3A_785] : memref<819200xi32, #tpu.memory_space<hbm>> -> memref<128xi32, #tpu.memory_space<hbm>>
    tpu.wait_dma2 semaphore(%arg40 : memref<!tpu.dma_semaphore, #tpu.memory_space<semaphore_mem>>) src(%dma_wait3A_786 : memref<128xi32, #tpu.memory_space<hbm>>) dst(%arg23 : memref<128xi32, #tpu.memory_space<vmem>>)
    %dma_wait3A_787 = arith.constant 0 : i32
    %dma_wait3A_788 = tpu.memref_slice %arg3[%dma_wait3A_787] : memref<819200xi32, #tpu.memory_space<hbm>> -> memref<128xi32, #tpu.memory_space<hbm>>
    %dma_wait3A_789 = arith.constant 0 : i32
    %dma_wait3A_790 = tpu.memref_slice %arg3[%dma_wait3A_789] : memref<819200xi32, #tpu.memory_space<hbm>> -> memref<128xi32, #tpu.memory_space<hbm>>
    tpu.wait_dma2 semaphore(%arg40 : memref<!tpu.dma_semaphore, #tpu.memory_space<semaphore_mem>>) src(%dma_wait3A_790 : memref<128xi32, #tpu.memory_space<hbm>>) dst(%arg24 : memref<128xi32, #tpu.memory_space<vmem>>)
    %dma_wait3A_791 = arith.constant 0 : i32
    %dma_wait3A_792 = tpu.memref_slice %arg4[%dma_wait3A_791] : memref<819200xi32, #tpu.memory_space<hbm>> -> memref<128xi32, #tpu.memory_space<hbm>>
    %dma_wait3A_793 = arith.constant 0 : i32
    %dma_wait3A_794 = tpu.memref_slice %arg4[%dma_wait3A_793] : memref<819200xi32, #tpu.memory_space<hbm>> -> memref<128xi32, #tpu.memory_space<hbm>>
    tpu.wait_dma2 semaphore(%arg40 : memref<!tpu.dma_semaphore, #tpu.memory_space<semaphore_mem>>) src(%dma_wait3A_794 : memref<128xi32, #tpu.memory_space<hbm>>) dst(%arg25 : memref<128xi32, #tpu.memory_space<vmem>>)
    %dma_wait3A_795 = arith.constant 0 : i32
    %dma_wait3A_796 = tpu.memref_slice %arg5[%dma_wait3A_795] : memref<819200xi32, #tpu.memory_space<hbm>> -> memref<128xi32, #tpu.memory_space<hbm>>
    %dma_wait3A_797 = arith.constant 0 : i32
    %dma_wait3A_798 = tpu.memref_slice %arg5[%dma_wait3A_797] : memref<819200xi32, #tpu.memory_space<hbm>> -> memref<128xi32, #tpu.memory_space<hbm>>
    tpu.wait_dma2 semaphore(%arg40 : memref<!tpu.dma_semaphore, #tpu.memory_space<semaphore_mem>>) src(%dma_wait3A_798 : memref<128xi32, #tpu.memory_space<hbm>>) dst(%arg26 : memref<128xi32, #tpu.memory_space<vmem>>)
    %dma_wait3A_799 = arith.constant 0 : i32
    %dma_wait3A_800 = arith.constant 0 : i32
    %dma_wait3A_801 = tpu.memref_slice %arg6[%dma_wait3A_799, %dma_wait3A_800] : memref<100000x128xf32, #tpu.memory_space<hbm>> -> memref<100000x128xf32, #tpu.memory_space<hbm>>
    tpu.wait_indirect_dma semaphore(%arg42 : memref<!tpu.dma_semaphore, #tpu.memory_space<semaphore_mem>>) src(%dma_wait3A_801 : memref<100000x128xf32, #tpu.memory_space<hbm>>) dst(%arg31 : memref<128x128xf32, #tpu.memory_space<vmem>>)
    %dma_wait3A_802 = arith.constant 0 : i32
    %dma_wait3A_803 = arith.constant 0 : i32
    %dma_wait3A_804 = tpu.memref_slice %arg7[%dma_wait3A_802, %dma_wait3A_803] : memref<200x16xf32, #tpu.memory_space<hbm>> -> memref<200x16xf32, #tpu.memory_space<hbm>>
    tpu.wait_indirect_dma semaphore(%arg42 : memref<!tpu.dma_semaphore, #tpu.memory_space<semaphore_mem>>) src(%dma_wait3A_804 : memref<200x16xf32, #tpu.memory_space<hbm>>) dst(%arg32 : memref<128x16xf32, #tpu.memory_space<vmem>>)
    %dma_wait3A_805 = arith.constant 0 : i32
    %dma_wait3A_806 = arith.constant 0 : i32
    %dma_wait3A_807 = tpu.memref_slice %arg8[%dma_wait3A_805, %dma_wait3A_806] : memref<400x16xf32, #tpu.memory_space<hbm>> -> memref<400x16xf32, #tpu.memory_space<hbm>>
    tpu.wait_indirect_dma semaphore(%arg42 : memref<!tpu.dma_semaphore, #tpu.memory_space<semaphore_mem>>) src(%dma_wait3A_807 : memref<400x16xf32, #tpu.memory_space<hbm>>) dst(%arg33 : memref<128x16xf32, #tpu.memory_space<vmem>>)
    %dma_wait3A_808 = arith.constant 0 : i32
    %dma_wait3A_809 = arith.constant 0 : i32
    %dma_wait3A_810 = tpu.memref_slice %arg9[%dma_wait3A_808, %dma_wait3A_809] : memref<400x16xf32, #tpu.memory_space<hbm>> -> memref<400x16xf32, #tpu.memory_space<hbm>>
    tpu.wait_indirect_dma semaphore(%arg42 : memref<!tpu.dma_semaphore, #tpu.memory_space<semaphore_mem>>) src(%dma_wait3A_810 : memref<400x16xf32, #tpu.memory_space<hbm>>) dst(%arg34 : memref<128x16xf32, #tpu.memory_space<vmem>>)
    %dma_wait3A_811 = arith.constant 0 : i32
    %dma_wait3A_812 = arith.constant 0 : i32
    %dma_wait3A_813 = arith.constant 0 : i32
    %dma_wait3A_814 = arith.constant 0 : i32
    %dma_wait3A_815 = arith.constant 0 : i32
    %dma_wait3A_816 = tpu.memref_slice %arg36[%dma_wait3A_813, %dma_wait3A_814, %dma_wait3A_815] : memref<22x8x136xf32, #tpu.memory_space<vmem>> -> memref<22x8x128xf32, #tpu.memory_space<vmem>>
    %dma_wait3A_817 = arith.constant 0 : i32
    %dma_wait3A_818 = arith.constant 0 : i32
    %dma_wait3A_819 = arith.constant 0 : i32
    %dma_wait3A_820 = tpu.memref_slice %arg10[%dma_wait3A_811, %dma_wait3A_817, %dma_wait3A_812, %dma_wait3A_818, %dma_wait3A_819] : memref<200x22x32x8x128xf32, #tpu.memory_space<hbm>> -> memref<1x22x1x8x128xf32, #tpu.memory_space<hbm>>
    %dma_wait3A_821 = tpu.memref_squeeze %dma_wait3A_820 : memref<1x22x1x8x128xf32, #tpu.memory_space<hbm>> -> memref<22x8x128xf32, #tpu.memory_space<hbm>>
    %dma_wait3A_822 = arith.constant 0 : i32
    %dma_wait3A_823 = arith.constant 0 : i32
    %dma_wait3A_824 = arith.constant 0 : i32
    %dma_wait3A_825 = tpu.memref_slice %arg10[%dma_wait3A_811, %dma_wait3A_822, %dma_wait3A_812, %dma_wait3A_823, %dma_wait3A_824] : memref<200x22x32x8x128xf32, #tpu.memory_space<hbm>> -> memref<1x22x1x8x128xf32, #tpu.memory_space<hbm>>
    %dma_wait3A_826 = tpu.memref_squeeze %dma_wait3A_825 : memref<1x22x1x8x128xf32, #tpu.memory_space<hbm>> -> memref<22x8x128xf32, #tpu.memory_space<hbm>>
    %dma_wait3A_827 = arith.constant 0 : i32
    %dma_wait3A_828 = arith.constant 0 : i32
    %dma_wait3A_829 = arith.constant 0 : i32
    %dma_wait3A_830 = tpu.memref_slice %arg36[%dma_wait3A_827, %dma_wait3A_828, %dma_wait3A_829] : memref<22x8x136xf32, #tpu.memory_space<vmem>> -> memref<22x8x128xf32, #tpu.memory_space<vmem>>
    tpu.wait_dma2 semaphore(%arg44 : memref<!tpu.dma_semaphore, #tpu.memory_space<semaphore_mem>>) src(%dma_wait3A_830 : memref<22x8x128xf32, #tpu.memory_space<vmem>>) dst(%dma_wait3A_826 : memref<22x8x128xf32, #tpu.memory_space<hbm>>)
    return
  }
}

</mosaic_0001>

<sc_bundles>
// kernel: kernel.3.cloned.1.call-start
scs
__scs_entry_jumppad:
0x0: {  	(pc) =	sbr.rel $0x88, $3  }
0x1: {  	(tag) =	ssettag $0x0;
	lr =	simm.s32 $0x1  }
0x2: {  	[smem:$0x3F99] =	sst lr;
	_ =	strace $0xD0000000  }
0x3: {  	_ = 	snop  }
0x4: {  	_ = 	snop  }
0x5: {  	_ = 	snop  }
0x6: {  	_ = 	snop  }
0x7: {  	_ = 	snop  }
__scs_overlays_trampoline_lowered:
0x8: {  	[smem:$0x3FA8] =	sst s0  }
0x9: {  	[smem:$0x3FA9] =	sst s1  }
0xa: {  	[smem:$0x3FAA] =	sst s2  }
0xb: {  	[smem:$0x3FAB] =	sst s3  }
0xc: {  	[smem:$0x3FAC] =	sst s4  }
0xd: {  	[smem:$0x3FAD] =	sst s5  }
0xe: {  	[smem:$0x3FAE] =	sst s6  }
0xf: {  	[smem:$0x3FAF] =	sst s7  }
0x10: {  	[smem:$0x3FB0] =	sst s8  }
0x11: {  	[smem:$0x3FB1] =	sst s9;
	s0 =	simm.s32 @!p0 $0x0  }
0x12: {  	s1 =	sld [smem:$0x3F97];
	s0 =	simm.s32 @p0 $0x1  }
0x13: {  	[smem:$0x3FB2] =	sst s0;
	s0 =	simm.s32 @!p1 $0x0  }
0x14: {  	s2 =	sld [smem:$0x3F96];
	s0 =	simm.s32 @p1 $0x1  }
0x15: {  	[smem:$0x3FB3] =	sst s0;
	s0 =	simm.s32 @!p2 $0x0  }
0x16: {  	s3 =	sld [smem:$0x3FDB];
	s0 =	simm.s32 @p2 $0x1  }
0x17: {  	s4 =	simm.s32 $0x1BF5;
	[smem:$0x3FB5] =	sst s0  }
0x18: {  	s0 =	sld [smem:$0x3F98];
	_ =	swait.ge [sflag:s4], $0x0  }
0x19: {  	s7 =	sld [smem:$0x3F99]  }
0x1a: {  	s8 =	sadd.s32 $0xFFFFE003, lr  }
0x1b: {  	s9 =	sadd.s32 $0xFFFFFEF7, lr;
	s5 =	simm.s32 $0xFFFFFFFF;
	p2 =	slt.u32 s8, $0xFFFFF086  }
0x1c: {  	p1 =	slt.u32 s9, $0xF7A;
	s5 =	simm.s32 @!p2 $0x0  }
0x1d: {  	s5 =	simm.s32 @p1 $0x1;
	p0 =	seq.s32 s7, s2  }
0x1e: {  	s7 =	smul.u32 @!p0 $0xF7A, s2;
	p2 =	seq.s32 @!p0 s5, $0x0  }
0x1f: {  	s9 =	smul.u32 $0xF7A, s1;
	s8 =	simm.s32 @!p0 $0x1BF5;
	p2 =	por !p2, p0  }
0x20: {  	[sflag:s8] =	ssyncset.s32 @!p0 $0xFFFFF086;
	s6 =	sadd.s32 @!p0 s3, s7;
	s7 =	simm.s32 @!p0 $0x108  }
0x21: {  	s3 =	sadd.s32 s3, s9;
	s6 =	sadd.s32 @!p0 $0x88, s6;
	s7 =	simm.s32 @p2 $0x1082  }
0x22: {  	[simem:s7], [sflag:s8] =	dma.local @!p0 [hbm:s6], $0xF7A  }
0x23: {  	s9 =	sor.u32 $0xD0000000, s2;
	s6 =	simm.s32 $0x108;
	_ =	swait.ge @!p0 [sflag:s8], $0x0  }
0x24: {  	s3 =	sadd.s32 $0x88, s3;
	s6 =	simm.s32 @!p1 $0x1082;
	[sflag:s4] =	ssyncset.s32 $0xFFFFF086  }
0x25: {  	[simem:s6], [sflag:s4] =	dma.local [hbm:s3], $0xF7A  }
0x26: {  	[smem:$0x3F99] =	sst s1;
	(tag) =	ssettag s2;
	_ =	strace s9  }
0x27: {  	s1 =	sld [smem:$0x3FA9]  }
0x28: {  	s2 =	sld [smem:$0x3FAA]  }
0x29: {  	s4 =	sld [smem:$0x3FAC]  }
0x2a: {  	p0 =	seq.s32 s5, $0x0;
	s5 =	sld [smem:$0x3FAD]  }
0x2b: {  	s6 =	sld [smem:$0x3FAE]  }
0x2c: {  	s7 =	sld [smem:$0x3FAF]  }
0x2d: {  	s3 =	simm.s32 $0x108;
	s8 =	sld [smem:$0x3FB0]  }
0x2e: {  	s3 =	simm.s32 @!p0 $0x1082;
	s9 =	sld [smem:$0x3FB1]  }
0x2f: {  	lr =	sadd.s32 s0, s3;
	s0 =	sld [smem:$0x3FA8]  }
0x30: {  	s3 =	sld [smem:$0x3FAB]  }
0x31: {  	[smem:$0x3FB4] =	sst s10  }
0x32: {  	s10 =	sld [smem:$0x3FB2];
	_ =	sdelay $0x3  }
0x33: {  	p0 =	seq.s32 s10, $0x1;
	s10 =	sld [smem:$0x3FB4];
	_ =	sdelay $0x3  }
0x34: {  	[smem:$0x3FB4] =	sst s10  }
0x35: {  	s10 =	sld [smem:$0x3FB3];
	_ =	sdelay $0x3  }
0x36: {  	p1 =	seq.s32 s10, $0x1;
	s10 =	sld [smem:$0x3FB4];
	_ =	sdelay $0x3  }
0x37: {  	[smem:$0x3FB4] =	sst s10  }
0x38: {  	s10 =	sld [smem:$0x3FB5]  }
0x39: {  	_ = 	snop;
	(pc) =	sbr.ind lr, $3  }
0x3a: {  	_ = 	snop  }
0x3b: {  	_ = 	snop  }
0x3c: {  	p2 =	seq.s32 s10, $0x1;
	s10 =	sld [smem:$0x3FB4]  }
0x3d: {  	_ =	shalt  }
0x3e: {  	_ =	shalt  }
0x3f: {  	_ =	shalt  }
0x40: {  	_ =	shalt  }
0x41: {  	_ =	shalt  }
0x42: {  	_ =	shalt  }
0x43: {  	_ =	shalt  }
0x44: {  	_ =	shalt  }
0x45: {  	_ =	shalt  }
0x46: {  	_ =	shalt  }
0x47: {  	_ =	shalt  }
0x48: {  	_ =	shalt  }
0x49: {  	_ =	shalt  }
0x4a: {  	_ =	shalt  }
0x4b: {  	_ =	shalt  }
0x4c: {  	_ =	shalt  }
0x4d: {  	_ =	shalt  }
0x4e: {  	_ =	shalt  }
0x4f: {  	_ =	shalt  }
0x50: {  	_ =	shalt  }
0x51: {  	_ =	shalt  }
0x52: {  	_ =	shalt  }
0x53: {  	_ =	shalt  }
0x54: {  	_ =	shalt  }
0x55: {  	_ =	shalt  }
0x56: {  	_ =	shalt  }
0x57: {  	_ =	shalt  }
0x58: {  	_ =	shalt  }
0x59: {  	_ =	shalt  }
0x5a: {  	_ =	shalt  }
0x5b: {  	_ =	shalt  }
0x5c: {  	_ =	shalt  }
0x5d: {  	_ =	shalt  }
0x5e: {  	_ =	shalt  }
0x5f: {  	_ =	shalt  }
0x60: {  	_ =	shalt  }
0x61: {  	_ =	shalt  }
0x62: {  	_ =	shalt  }
0x63: {  	_ =	shalt  }
0x64: {  	_ =	shalt  }
0x65: {  	_ =	shalt  }
0x66: {  	_ =	shalt  }
0x67: {  	_ =	shalt  }
0x68: {  	_ =	shalt  }
0x69: {  	_ =	shalt  }
0x6a: {  	_ =	shalt  }
0x6b: {  	_ =	shalt  }
0x6c: {  	_ =	shalt  }
0x6d: {  	_ =	shalt  }
0x6e: {  	_ =	shalt  }
0x6f: {  	_ =	shalt  }
0x70: {  	_ =	shalt  }
0x71: {  	_ =	shalt  }
0x72: {  	_ =	shalt  }
0x73: {  	_ =	shalt  }
0x74: {  	_ =	shalt  }
0x75: {  	_ =	shalt  }
0x76: {  	_ =	shalt  }
0x77: {  	_ =	shalt  }
0x78: {  	_ =	shalt  }
0x79: {  	_ =	shalt  }
0x7a: {  	_ =	shalt  }
0x7b: {  	_ =	shalt  }
0x7c: {  	_ =	shalt  }
0x7d: {  	_ =	shalt  }
0x7e: {  	_ =	shalt  }
0x7f: {  	_ =	shalt  }
0x80: {  	_ =	shalt  }
0x81: {  	_ =	shalt  }
0x82: {  	_ =	shalt  }
0x83: {  	_ =	shalt  }
0x84: {  	_ =	shalt  }
0x85: {  	_ =	shalt  }
0x86: {  	_ =	shalt  }
0x87: {  	_ =	shalt  }
.Lfunc_end0:
.L_simem_size_0:
called_computation_lowered:
.L_overlay_start_0:
0x88: {  	s2 =	sld [smem:$0x3FD9]  }
0x89: {  	s3 =	sld [smem:$0x3FFE];
	_ =	sdelay $0x1  }
0x8a: {  	s1 =	srdreg.scid  }
0x8b: {  	s0 =	sand.u32 $0x1, s1  }
0x8c: {  	s17 =	sshll.u32 s0, $0xA;
	s2 =	sadd.s32 s3, s2  }
0x8d: {  	s2 =	sadd.s32 s2, s17  }
0x8e: {  	[smem:$0x3FC0] =	sst s2  }
0x8f: {  	_ = 	snop  }
0x90: {  	s2 =	sld [smem:$0x3FC5]  }
0x91: {  	s18 =	sld [smem:$0x3FD0];
	(tm) =	ssettm $0x1  }
0x92: {  	s4 =	sld [smem:$0x3FFB];
	_ =	sdelay $0x3  }
0x93: {  	_ =	strace s4  }
0x94: {  	s4 =	sld [smem:$0x3FFC];
	_ =	sdelay $0x3  }
0x95: {  	_ =	strace s4  }
0x96: {  	s4 =	sld [smem:$0x3FFD];
	_ =	sdelay $0x3  }
0x97: {  	_ =	strace s4  }
0x98: {  	_ =	strace $0x8FFFFFFF  }
0x99: {  	s19 =	sld [smem:$0x3FDB];
	_ =	sdelay $0x1  }
0x9a: {  	s5 =	simm.s32 $_scs_section_size  }
0x9b: {  	s6 =	simm.s32 $_size__tile_overlayer_lowered;
	s7 =	simm.s32 $_tile_overlayer_lowered  }
0x9c: {  	s22 =	simm.s32 $0x1BFF;
	s21 =	sshll.u32 s7, $0x1;
	s4 =	sadd.s32 s5, s19  }
0x9d: {  	s8 =	simm.s32 $0x0;
	s20 =	sshll.u32 s6, $0x1;
	s6 =	sadd.s32 s21, s4  }
0x9e: {  	[timem:s8], [sflag:s22] =	dma.local [hbm:s6], s20  }
0x9f: {  	_ =	swait.ge [sflag:s22], s20  }
0xa0: {  	s5 =	ssub.s32 $0x0, s20;
	[sflag:s22] =	ssyncset.done $0x0  }
0xa1: {  	[sflag:s22] =	ssyncadd.s32 s5;
	_ =	sdelay $0x1  }
0xa2: {  	s23 =	simm.s32 $0x1B8B  }
0xa3: {  	_ =	swait.ge [sflag:s23], $0x1  }
0xa4: {  	[sflag:s23] =	ssyncset.done $0x0  }
0xa5: {  	s25 =	simm.s32 $0x1B8E;
	s24 =	sld [smem:$0x3FFE];
	[sflag:s23] =	ssyncadd.s32 $0xFFFFFFFF  }
0xa6: {  	s26 =	simm.s32 $execute0_lowered;
	[smem:$0x3FD2] =	sst s25  }
0xa7: {  	s6 =	sshll.u32 s26, $0x1;
	_ =	strace $0x80000046;
	[dreg:$0x1] =	wrdreg $0xFFFFFFFF  }
0xa8: {  	s28 =	simm.s32 $_size_execute0_lowered;
	s4 =	sadd.s32 s4, s6;
	[dreg:$0x0] =	wrdreg $0x0  }
0xa9: {  	s6 =	sshll.u32 s28, $0x1;
	[dreg:$0x2] =	wrdreg s4  }
0xaa: {  	[dreg:$0x3] =	wrdreg s6  }
0xab: {  	[dreg:$0x4] =	wrdreg $0xC0  }
0xac: {  	_ =	task [dreg:s8], $0x5FFFF  }
0xad: {  	[dreg:$0x1] =	wrdreg $0xFFFFFFFF  }
0xae: {  	[dreg:$0x0] =	wrdreg $0x60  }
0xaf: {  	[dreg:$0x2] =	wrdreg s24  }
0xb0: {  	[dreg:$0x3] =	wrdreg s2  }
0xb1: {  	[dreg:$0x4] =	wrdreg s18  }
0xb2: {  	[dreg:$0x5] =	wrdreg $0x9  }
0xb3: {  	_ =	task.clear_ibuf [dreg:s8], $0x6FFFF;
	_ =	strace $0x90000046  }
0xb4: {  	s29 =	simm.s32 $0x9;
	_ =	strace $0x80000048  }
0xb5: {  	_ =	swait.ge [sflag:s29], $0x1  }
0xb6: {  	[sflag:s29] =	ssyncadd.s32 $0xFFFFFFFF  }
0xb7: {  	_ =	strace $0x90000048  }
0xb8: {  	_ =	sfence  }
0xb9: {  	s30 =	sld [smem:$0x0];
	_ =	sdelay $0x2  }
0xba: {  	s31 =	sshll.u32 s1, $0xD;
	s1 =	sshrl.u32 s1, $0x2  }
0xbb: {  	s3 =	sand.u32 $0x4000, s31;
	s1 =	sadd.s32 s1, s30  }
0xbc: {  	s0 =	sor.u32 s3, s0;
	s1 =	sshll.u32 s1, $0x11  }
0xbd: {  	s0 =	sor.u32 s1, s0  }
0xbe: {  	s0 =	sadd.s32 $0x8F2B, s0  }
0xbf: {  	[sflag:s0] =	ssyncadd.remote.s32 $0x1  }
0xc0: {  	_ =	sfence.sel $0xFFFF  }
0xc1: {  	[dreg:$0x0] =	wrdreg $0xFFFFFFFF;
	(pc) =	sbr.abs _section_cstart, $3  }
0xc2: {  	[dreg:$0x1] =	wrdreg $0xFFFFFFFF  }
0xc3: {  	_ =	task.clear_ibuf [dreg:s8], $0x2FFFF;
	_ =	strace $0x9FFFFFFF  }
0xc4: {  	(tm) =	ssettm $0x7FFFFFFF  }
0xc5: {  	_ =	shalt  }
tec
execute0_lowered:
.L_overlay_start_1:
0x0: {  	(tag) =	ssettag $0x1  }
0x1: {  	s0 =	rddreg [dreg:$0x0]  }
0x2: {  	s1 =	rddreg [dreg:$0x1]  }
0x3: {  	s2 =	srdreg.scid;
	s4 =	stileid.u32  }
0x4: {  	s3 =	simm.s32 $0x0;
	s2 =	sand.u32 $0x1, s2;
	s4 =	sshll.u32 s4, $0x1  }
0x5: {  	[smem:$0x7FF] =	sst s3;
	s4 =	sor.u32 s2, s4  }
0x6: {  	s5 =	sadd.s32 $0x1400, s0;
	s6 =	sadd.s32 $0x1A400, s0;
	s12 =	smul.u32 $0xC80, s4  }
0x7: {  	s7 =	sadd.s32 $0x33400, s0;
	s8 =	sadd.s32 $0x4C400, s0;
	s13 =	smul.u32 $0xC8, s4  }
0x8: {  	s9 =	sadd.s32 $0xA00, s0;
	s10 =	sadd.s32 $0xC00, s0;
	s11 =	sadd.s32 $0x1000, s0  }
0x9: {  	_ =	strace $0x80000047;
	s23 =	sadd.s32 s5, s12;
	[dreg:$0x4] =	wrdreg s13  }
0xa: {  	s2 =	ssub.s32 $0x2, s2;
	s24 =	sadd.s32 s6, s12;
	[dreg:$0x5] =	wrdreg s23  }
0xb: {  	s22 =	sshrl.u32 s2, $0x1;
	s25 =	sadd.s32 s7, s12;
	[dreg:$0x6] =	wrdreg s24  }
0xc: {  	s0 =	ssub.s32 s2, s22;
	s14 =	sadd.s32 s8, s12;
	[dreg:$0x7] =	wrdreg s25  }
0xd: {  	s26 =	sor.u32 $0x10, s12;
	s0 =	smax.u32 s0, $0x1;
	[dreg:$0x8] =	wrdreg s14  }
0xe: {  	s28 =	simm.s32 $0x11580;
	s15 =	sadd.s32 s5, s26;
	[dreg:$0x15] =	wrdreg s0  }
0xf: {  	s29 =	simm.s32 $0x4;
	s16 =	sadd.s32 s6, s26;
	[dreg:$0x9] =	wrdreg s15  }
0x10: {  	s30 =	simm.s32 $0x7;
	s17 =	sadd.s32 s7, s26;
	[dreg:$0xa] =	wrdreg s16  }
0x11: {  	s18 =	sor.u32 $0x20, s12;
	s2 =	sadd.s32 s8, s26;
	[dreg:$0xb] =	wrdreg s17  }
0x12: {  	s21 =	sor.u32 $0x30, s12;
	s19 =	sadd.s32 s5, s18;
	[dreg:$0xc] =	wrdreg s2  }
0x13: {  	s31 =	sadd.s32 $0xC7, s13;
	s20 =	sadd.s32 s6, s18;
	[dreg:$0xd] =	wrdreg s19  }
0x14: {  	s12 =	simm.s32 $0x2;
	s22 =	sadd.s32 s7, s18;
	[dreg:$0xe] =	wrdreg s20  }
0x15: {  	v0 =	vlaneseq.u32;
	s13 =	simm.s32 $0x0;
	s23 =	sadd.s32 s5, s21;
	[dreg:$0xf] =	wrdreg s22  }
0x16: {  	v0 =	vmul.u32 $0x88, v0;
	s24 =	sadd.s32 s6, s21;
	s25 =	sadd.s32 s7, s21;
	[dreg:$0x11] =	wrdreg s23  }
0x17: {  	s26 =	sadd.s32 s8, s21;
	s0 =	simm.s32 $0x80;
	[dreg:$0x12] =	wrdreg s24  }
0x18: {  	v1 =	vadd.s32 $0x880, v0;
	s21 =	simm.s32 $0x100;
	s2 =	sadd.s32 s8, s18;
	[dreg:$0x13] =	wrdreg s25  }
0x19: {  	v2 =	vadd.s32 $0x1100, v0;
	v3 =	vadd.s32 $0x1980, v0;
	v4 =	vadd.s32 $0x2200, v0;
	[dreg:$0x14] =	wrdreg s26;
	s17 =	simm.s32 $0x200;
	s26 =	simm.s32 $0x1  }
0x1a: {  	v5 =	vadd.s32 $0x2A80, v0;
	v6 =	vadd.s32 $0x3300, v0;
	v7 =	vadd.s32 $0x3B80, v0;
	s22 =	simm.s32 $0x5;
	s23 =	simm.s32 $0xB800;
	s24 =	simm.s32 $0x3  }
0x1b: {  	v8 =	vadd.s32 $0x4400, v0;
	v9 =	vadd.s32 $0x4C80, v0;
	v10 =	vadd.s32 $0x5500, v0;
	s25 =	simm.s32 $0x6;
	[dreg:$0x10] =	wrdreg s2;
	s2 =	simm.s32 $0x8  }
.LBB2_1:
0x1c: {  	[dreg:$0x16] =	wrdreg s13  }
0x1d: {  	s4 =	rddreg [dreg:$0x5]  }
0x1e: {  	[tilespmem:s3], [sflag:$0x1] =	stream.linear.gather [hbm4b:s4+s3], $0x80, $0x38;
	[tilespmem:$0x17300] =	vst v63  }
0x1f: {  	s20 =	rddreg [dreg:$0x6]  }
0x20: {  	[tilespmem:s0], [sflag:$0x1] =	stream.linear.gather [hbm4b:s20+s3], $0x80, $0x38;
	[tilespmem:$0x17300] =	vst v63  }
0x21: {  	s13 =	rddreg [dreg:$0x7]  }
0x22: {  	[tilespmem:s21], [sflag:$0x1] =	stream.linear.gather [hbm4b:s13+s3], $0x80, $0x38;
	[tilespmem:$0x17300] =	vst v63  }
0x23: {  	s14 =	rddreg [dreg:$0x8];
	s13 =	simm.s32 $0x180  }
0x24: {  	[tilespmem:s13], [sflag:$0x1] =	stream.linear.gather [hbm4b:s14+s3], $0x80, $0x38;
	[tilespmem:$0x17300] =	vst v63  }
0x25: {  	s15 =	rddreg [dreg:$0x9]  }
0x26: {  	[tilespmem:s17], [sflag:$0x2] =	stream.linear.gather [hbm4b:s15+s3], $0x80, $0x38;
	[tilespmem:$0x17300] =	vst v63  }
0x27: {  	s16 =	rddreg [dreg:$0xa];
	s14 =	simm.s32 $0x280  }
0x28: {  	[tilespmem:s14], [sflag:$0x2] =	stream.linear.gather [hbm4b:s16+s3], $0x80, $0x38;
	[tilespmem:$0x17300] =	vst v63  }
0x29: {  	s18 =	rddreg [dreg:$0xb];
	s15 =	simm.s32 $0x300  }
0x2a: {  	[tilespmem:s15], [sflag:$0x2] =	stream.linear.gather [hbm4b:s18+s3], $0x80, $0x38;
	[tilespmem:$0x17300] =	vst v63  }
0x2b: {  	s19 =	rddreg [dreg:$0xc];
	s16 =	simm.s32 $0x380  }
0x2c: {  	[tilespmem:s16], [sflag:$0x2] =	stream.linear.gather [hbm4b:s19+s3], $0x80, $0x38;
	[tilespmem:$0x17300] =	vst v63  }
0x2d: {  	s20 =	rddreg [dreg:$0xd];
	s18 =	simm.s32 $0x400  }
0x2e: {  	[tilespmem:s18], [sflag:$0x3] =	stream.linear.gather [hbm4b:s20+s3], $0x80, $0x38;
	[tilespmem:$0x17300] =	vst v63  }
0x2f: {  	s19 =	rddreg [dreg:$0xe];
	s20 =	simm.s32 $0x480  }
0x30: {  	[tilespmem:s20], [sflag:$0x3] =	stream.linear.gather [hbm4b:s19+s3], $0x80, $0x38;
	[tilespmem:$0x17300] =	vst v63  }
0x31: {  	s19 =	rddreg [dreg:$0xf];
	s20 =	simm.s32 $0x500  }
0x32: {  	[tilespmem:s20], [sflag:$0x3] =	stream.linear.gather [hbm4b:s19+s3], $0x80, $0x38;
	[tilespmem:$0x17300] =	vst v63  }
0x33: {  	s19 =	rddreg [dreg:$0x10];
	s20 =	simm.s32 $0x580  }
0x34: {  	[tilespmem:s20], [sflag:$0x3] =	stream.linear.gather [hbm4b:s19+s3], $0x80, $0x38;
	[tilespmem:$0x17300] =	vst v63  }
0x35: {  	s19 =	rddreg [dreg:$0x11];
	s20 =	simm.s32 $0x600  }
0x36: {  	[tilespmem:s20], [sflag:$0x4] =	stream.linear.gather [hbm4b:s19+s3], $0x80, $0x38;
	[tilespmem:$0x17300] =	vst v63  }
0x37: {  	s19 =	rddreg [dreg:$0x12];
	s20 =	simm.s32 $0x680  }
0x38: {  	[tilespmem:s20], [sflag:$0x4] =	stream.linear.gather [hbm4b:s19+s3], $0x80, $0x38;
	[tilespmem:$0x17300] =	vst v63  }
0x39: {  	s19 =	rddreg [dreg:$0x13];
	s20 =	simm.s32 $0x700  }
0x3a: {  	[tilespmem:s20], [sflag:$0x4] =	stream.linear.gather [hbm4b:s19+s3], $0x80, $0x38;
	[tilespmem:$0x17300] =	vst v63  }
0x3b: {  	s18 =	rddreg [dreg:$0x14];
	s19 =	simm.s32 $0x780  }
0x3c: {  	[tilespmem:s19], [sflag:$0x4] =	stream.linear.gather [hbm4b:s18+s3], $0x80, $0x38;
	[tilespmem:$0x17300] =	vst v63  }
0x3d: {  	_ =	swait.ge [sflag:s26], $0x80  }
0x3e: {  	[sflag:s26] =	ssyncset.done $0x0  }
0x3f: {  	[sflag:s26] =	ssyncadd.s32 $0xFFFFFF80  }
0x40: {  	_ =	swait.ge [sflag:s26], $0x80  }
0x41: {  	[sflag:s26] =	ssyncset.done $0x0  }
0x42: {  	[sflag:s26] =	ssyncadd.s32 $0xFFFFFF80  }
0x43: {  	_ =	swait.ge [sflag:s26], $0x80  }
0x44: {  	[sflag:s26] =	ssyncset.done $0x0  }
0x45: {  	[sflag:s26] =	ssyncadd.s32 $0xFFFFFF80  }
0x46: {  	_ =	swait.ge [sflag:s26], $0x80  }
0x47: {  	[sflag:s26] =	ssyncset.done $0x0  }
0x48: {  	s20 =	simm.s32 $0x800;
	[sflag:s26] =	ssyncadd.s32 $0xFFFFFF80  }
0x49: {  	[tilespmem:s20], [sflag:$0x5] =	stream.indirect.gather [hbm4b:s1+s0], $0x80, s3, s0, $0xb8;
	[tilespmem:$0x17300] =	vst v63  }
0x4a: {  	s18 =	simm.s32 $0x4800  }
0x4b: {  	[tilespmem:s18], [sflag:$0x5] =	stream.indirect.gather [hbm4b:s9+s0], $0x10, s0, s0, $0xb8;
	[tilespmem:$0x17300] =	vst v63  }
0x4c: {  	s19 =	simm.s32 $0x5000  }
0x4d: {  	[tilespmem:s19], [sflag:$0x5] =	stream.indirect.gather [hbm4b:s10+s0], $0x10, s21, s0, $0xb8;
	[tilespmem:$0x17300] =	vst v63  }
0x4e: {  	s20 =	simm.s32 $0x5800  }
0x4f: {  	[tilespmem:s20], [sflag:$0x5] =	stream.indirect.gather [hbm4b:s11+s0], $0x10, s13, s0, $0xb8;
	[tilespmem:$0x17300] =	vst v63  }
0x50: {  	_ =	swait.ge [sflag:s12], $0x80  }
0x51: {  	[sflag:s12] =	ssyncset.done $0x0  }
0x52: {  	[sflag:s12] =	ssyncadd.s32 $0xFFFFFF80  }
0x53: {  	_ =	swait.ge [sflag:s12], $0x80  }
0x54: {  	[sflag:s12] =	ssyncset.done $0x0  }
0x55: {  	[sflag:s12] =	ssyncadd.s32 $0xFFFFFF80  }
0x56: {  	_ =	swait.ge [sflag:s12], $0x80  }
0x57: {  	[sflag:s12] =	ssyncset.done $0x0  }
0x58: {  	[sflag:s12] =	ssyncadd.s32 $0xFFFFFF80  }
0x59: {  	_ =	swait.ge [sflag:s12], $0x80  }
0x5a: {  	[sflag:s12] =	ssyncset.done $0x0  }
0x5b: {  	s13 =	simm.s32 $0x6000;
	[sflag:s12] =	ssyncadd.s32 $0xFFFFFF80  }
0x5c: {  	[tilespmem:s13], [sflag:$0x6] =	stream.indirect.gather [hbm4b:s1+s0], $0x80, s17, s0, $0xb8;
	[tilespmem:$0x17300] =	vst v63  }
0x5d: {  	s18 =	simm.s32 $0xA000  }
0x5e: {  	[tilespmem:s18], [sflag:$0x6] =	stream.indirect.gather [hbm4b:s9+s0], $0x10, s14, s0, $0xb8;
	[tilespmem:$0x17300] =	vst v63  }
0x5f: {  	s19 =	simm.s32 $0xA800  }
0x60: {  	[tilespmem:s19], [sflag:$0x6] =	stream.indirect.gather [hbm4b:s10+s0], $0x10, s15, s0, $0xb8;
	[tilespmem:$0x17300] =	vst v63  }
0x61: {  	s20 =	simm.s32 $0xB000;
	s18 =	simm.s32 $0x0  }
0x62: {  	[tilespmem:s20], [sflag:$0x6] =	stream.indirect.gather [hbm4b:s11+s0], $0x10, s16, s0, $0xb8;
	[tilespmem:$0x17300] =	vst v63  }
.LBB2_2:
0x63: {  	_ =	swait.ge [sflag:s22], $0x4000  }
0x64: {  	[sflag:s22] =	ssyncset.done $0x0  }
0x65: {  	[sflag:s22] =	ssyncadd.s32 $0xFFFFC000  }
0x66: {  	_ =	swait.ge [sflag:s22], $0x800  }
0x67: {  	[sflag:s22] =	ssyncset.done $0x0  }
0x68: {  	[sflag:s22] =	ssyncadd.s32 $0xFFFFF800  }
0x69: {  	_ =	swait.ge [sflag:s22], $0x800  }
0x6a: {  	[sflag:s22] =	ssyncset.done $0x0  }
0x6b: {  	[sflag:s22] =	ssyncadd.s32 $0xFFFFF800  }
0x6c: {  	_ =	swait.ge [sflag:s22], $0x800  }
0x6d: {  	s4 =	sshll.u32 s18, $0x2;
	s13 =	rddreg [dreg:$0x4]  }
0x6e: {  	p0 =	seq.s32 s18, $0x0;
	[sflag:s22] =	ssyncset.done $0x0;
	s19 =	sadd.s32 s13, s4  }
0x6f: {  	[sflag:s22] =	ssyncadd.s32 $0xFFFFF800;
	s4 =	simm.s32 @!p0 $0x7;
	s13 =	sadd.s32 $0x4, s19  }
0x70: {  	_ =	swait.ge @!p0 [sflag:s4], $0x5800;
	s13 =	smin.u32 s13, s31  }
0x71: {  	[sflag:s4] =	ssyncset.done @!p0 $0x0;
	s13 =	sshll.u32 s13, $0x4  }
0x72: {  	s14 =	simm.s32 $0x0;
	[sflag:s4] =	ssyncadd.s32 @!p0 $0xFFFFA800;
	s15 =	sadd.s32 s5, s13  }
0x73: {  	[tilespmem:s14], [sflag:$0x1] =	stream.linear.gather [hbm4b:s15+s14], $0x80, $0x38;
	[tilespmem:$0x17300] =	vst v63  }
0x74: {  	s16 =	sadd.s32 s6, s13  }
0x75: {  	[tilespmem:s0], [sflag:$0x1] =	stream.linear.gather [hbm4b:s16+s14], $0x80, $0x38;
	[tilespmem:$0x17300] =	vst v63  }
0x76: {  	s20 =	sadd.s32 s7, s13  }
0x77: {  	[tilespmem:s21], [sflag:$0x1] =	stream.linear.gather [hbm4b:s20+s14], $0x80, $0x38;
	[tilespmem:$0x17300] =	vst v63  }
0x78: {  	v11 =	vmov s14;
	s13 =	sadd.s32 s8, s13;
	s15 =	simm.s32 $0x180;
	s20 =	simm.s32 $0x880  }
0x79: {  	v11 =	vand.u32 $0x7E, v11;
	[tilespmem:s15], [sflag:$0x1] =	stream.linear.gather [hbm4b:s13+s14], $0x80, $0x38;
	[tilespmem:$0x17300] =	vst v63  }
0x7a: {  	v13 =	vadd.s32 v0, v11;
	v12 =	vld [tilespmem:s20+$0xFFFFFF80];
	_ =	sdelay $0x4  }
0x7b: {  	[tilespmem:v13+s23+$0x0] =	vst.idx.msk $0xffff, v12  }
0x7c: {  	v13 =	vadd.s32 v1, v11;
	v12 =	vld [tilespmem:s20+$0xFFFFFF90];
	_ =	sdelay $0x4  }
0x7d: {  	[tilespmem:v13+s23+$0x0] =	vst.idx.msk $0xffff, v12  }
0x7e: {  	v13 =	vadd.s32 v2, v11;
	v12 =	vld [tilespmem:s20+$0xFFFFFFA0];
	_ =	sdelay $0x4  }
0x7f: {  	[tilespmem:v13+s23+$0x0] =	vst.idx.msk $0xffff, v12  }
0x80: {  	v13 =	vadd.s32 v3, v11;
	v12 =	vld [tilespmem:s20+$0xFFFFFFB0];
	_ =	sdelay $0x4  }
0x81: {  	[tilespmem:v13+s23+$0x0] =	vst.idx.msk $0xffff, v12  }
0x82: {  	v13 =	vadd.s32 v4, v11;
	v12 =	vld [tilespmem:s20+$0xFFFFFFC0];
	_ =	sdelay $0x4  }
0x83: {  	[tilespmem:v13+s23+$0x0] =	vst.idx.msk $0xffff, v12  }
0x84: {  	v13 =	vadd.s32 v5, v11;
	v12 =	vld [tilespmem:s20+$0xFFFFFFD0];
	_ =	sdelay $0x4  }
0x85: {  	[tilespmem:v13+s23+$0x0] =	vst.idx.msk $0xffff, v12  }
0x86: {  	v13 =	vadd.s32 v6, v11;
	v12 =	vld [tilespmem:s20+$0xFFFFFFE0];
	_ =	sdelay $0x4  }
0x87: {  	[tilespmem:v13+s23+$0x0] =	vst.idx.msk $0xffff, v12  }
0x88: {  	v13 =	vadd.s32 v7, v11;
	v12 =	vld [tilespmem:s20+$0xFFFFFFF0];
	_ =	sdelay $0x4  }
0x89: {  	s21 =	simm.s32 $0x4810;
	[tilespmem:v13+s23+$0x0] =	vst.idx.msk $0xffff, v12  }
0x8a: {  	v13 =	vadd.s32 v8, v11;
	v12 =	vld [tilespmem:s21+$0xFFFFFFF0];
	_ =	sdelay $0x4  }
0x8b: {  	s4 =	simm.s32 $0x5010;
	[tilespmem:v13+s23+$0x0] =	vst.idx.msk $0xffff, v12  }
0x8c: {  	v13 =	vadd.s32 v9, v11;
	v12 =	vld [tilespmem:s4+$0xFFFFFFF0];
	_ =	sdelay $0x4  }
0x8d: {  	s13 =	simm.s32 $0x5810;
	[tilespmem:v13+s23+$0x0] =	vst.idx.msk $0xffff, v12  }
0x8e: {  	v11 =	vadd.s32 v10, v11;
	v12 =	vld [tilespmem:s13+$0xFFFFFFF0];
	_ =	sdelay $0x2  }
0x8f: {  	s16 =	simm.s32 $0x1  }
0x90: {  	v13 =	vmov s16  }
0x91: {  	[tilespmem:v11+s23+$0x0] =	vst.idx.msk $0xffff, v12;
	v12 =	vand.u32 $0x7F, v13  }
0x92: {  	v11 =	vld [tilespmem:s20+$0x0];
	v13 =	vadd.s32 v0, v12;
	_ =	sdelay $0x4  }
0x93: {  	[tilespmem:v13+s23+$0x0] =	vst.idx.msk $0xffff, v11  }
0x94: {  	v13 =	vadd.s32 v1, v12;
	v11 =	vld [tilespmem:s20+$0x10];
	_ =	sdelay $0x4  }
0x95: {  	[tilespmem:v13+s23+$0x0] =	vst.idx.msk $0xffff, v11  }
0x96: {  	v13 =	vadd.s32 v2, v12;
	v11 =	vld [tilespmem:s20+$0x20];
	_ =	sdelay $0x4  }
0x97: {  	[tilespmem:v13+s23+$0x0] =	vst.idx.msk $0xffff, v11  }
0x98: {  	v13 =	vadd.s32 v3, v12;
	v11 =	vld [tilespmem:s20+$0x30];
	_ =	sdelay $0x4  }
0x99: {  	[tilespmem:v13+s23+$0x0] =	vst.idx.msk $0xffff, v11  }
0x9a: {  	v13 =	vadd.s32 v4, v12;
	v11 =	vld [tilespmem:s20+$0x40];
	_ =	sdelay $0x4  }
0x9b: {  	[tilespmem:v13+s23+$0x0] =	vst.idx.msk $0xffff, v11  }
0x9c: {  	v13 =	vadd.s32 v5, v12;
	v11 =	vld [tilespmem:s20+$0x50];
	_ =	sdelay $0x4  }
0x9d: {  	[tilespmem:v13+s23+$0x0] =	vst.idx.msk $0xffff, v11  }
0x9e: {  	v13 =	vadd.s32 v6, v12;
	v11 =	vld [tilespmem:s20+$0x60];
	_ =	sdelay $0x4  }
0x9f: {  	[tilespmem:v13+s23+$0x0] =	vst.idx.msk $0xffff, v11  }
0xa0: {  	v13 =	vadd.s32 v7, v12;
	v11 =	vld [tilespmem:s20+$0x70];
	_ =	sdelay $0x4  }
0xa1: {  	[tilespmem:v13+s23+$0x0] =	vst.idx.msk $0xffff, v11  }
0xa2: {  	v13 =	vadd.s32 v8, v12;
	v11 =	vld [tilespmem:s21+$0x0];
	_ =	sdelay $0x4  }
0xa3: {  	[tilespmem:v13+s23+$0x0] =	vst.idx.msk $0xffff, v11  }
0xa4: {  	v13 =	vadd.s32 v9, v12;
	v11 =	vld [tilespmem:s4+$0x0];
	_ =	sdelay $0x4  }
0xa5: {  	[tilespmem:v13+s23+$0x0] =	vst.idx.msk $0xffff, v11  }
0xa6: {  	v12 =	vadd.s32 v10, v12;
	v11 =	vld [tilespmem:s13+$0x0];
	_ =	sdelay $0x2  }
0xa7: {  	s14 =	simm.s32 $0x2  }
0xa8: {  	s15 =	simm.s32 $0x4;
	v13 =	vmov s14  }
.LBB2_3:
0xa9: {  	p1 =	sne.s32 s15, $0x7E;
	v13 =	vand.u32 $0x7E, v13;
	[tilespmem:v12+s23+$0x0] =	vst.idx.msk $0xffff, v11;
	s20 =	sadd.s32 $0x100, s20  }
0xaa: {  	v11 =	vld [tilespmem:s20+$0xFFFFFF80];
	v12 =	vadd.s32 v0, v13;
	_ =	sdelay $0x4  }
0xab: {  	[tilespmem:v12+s23+$0x0] =	vst.idx.msk $0xffff, v11  }
0xac: {  	v12 =	vadd.s32 v1, v13;
	v11 =	vld [tilespmem:s20+$0xFFFFFF90];
	_ =	sdelay $0x4  }
0xad: {  	[tilespmem:v12+s23+$0x0] =	vst.idx.msk $0xffff, v11  }
0xae: {  	v12 =	vadd.s32 v2, v13;
	v11 =	vld [tilespmem:s20+$0xFFFFFFA0];
	_ =	sdelay $0x4  }
0xaf: {  	[tilespmem:v12+s23+$0x0] =	vst.idx.msk $0xffff, v11  }
0xb0: {  	v12 =	vadd.s32 v3, v13;
	v11 =	vld [tilespmem:s20+$0xFFFFFFB0];
	_ =	sdelay $0x4  }
0xb1: {  	[tilespmem:v12+s23+$0x0] =	vst.idx.msk $0xffff, v11  }
0xb2: {  	v12 =	vadd.s32 v4, v13;
	v11 =	vld [tilespmem:s20+$0xFFFFFFC0];
	_ =	sdelay $0x4  }
0xb3: {  	[tilespmem:v12+s23+$0x0] =	vst.idx.msk $0xffff, v11  }
0xb4: {  	v12 =	vadd.s32 v5, v13;
	v11 =	vld [tilespmem:s20+$0xFFFFFFD0];
	_ =	sdelay $0x4  }
0xb5: {  	[tilespmem:v12+s23+$0x0] =	vst.idx.msk $0xffff, v11  }
0xb6: {  	v12 =	vadd.s32 v6, v13;
	v11 =	vld [tilespmem:s20+$0xFFFFFFE0];
	_ =	sdelay $0x4  }
0xb7: {  	[tilespmem:v12+s23+$0x0] =	vst.idx.msk $0xffff, v11  }
0xb8: {  	v12 =	vadd.s32 v7, v13;
	v11 =	vld [tilespmem:s20+$0xFFFFFFF0];
	_ =	sdelay $0x4  }
0xb9: {  	s21 =	sadd.s32 $0x20, s21;
	[tilespmem:v12+s23+$0x0] =	vst.idx.msk $0xffff, v11  }
0xba: {  	v12 =	vadd.s32 v8, v13;
	v11 =	vld [tilespmem:s21+$0xFFFFFFF0];
	_ =	sdelay $0x4  }
0xbb: {  	s4 =	sadd.s32 $0x20, s4;
	[tilespmem:v12+s23+$0x0] =	vst.idx.msk $0xffff, v11  }
0xbc: {  	v12 =	vadd.s32 v9, v13;
	v11 =	vld [tilespmem:s4+$0xFFFFFFF0];
	_ =	sdelay $0x4  }
0xbd: {  	s13 =	sadd.s32 $0x20, s13;
	[tilespmem:v12+s23+$0x0] =	vst.idx.msk $0xffff, v11  }
0xbe: {  	v12 =	vadd.s32 v10, v13;
	v11 =	vld [tilespmem:s13+$0xFFFFFFF0];
	_ =	sdelay $0x2  }
0xbf: {  	s16 =	sadd.s32 $0x1, s14;
	s14 =	smov.u32 s15  }
0xc0: {  	v13 =	vmov s16  }
0xc1: {  	[tilespmem:v12+s23+$0x0] =	vst.idx.msk $0xffff, v11;
	v12 =	vand.u32 $0x7F, v13  }
0xc2: {  	v11 =	vld [tilespmem:s20+$0x0];
	v13 =	vadd.s32 v0, v12;
	_ =	sdelay $0x4  }
0xc3: {  	[tilespmem:v13+s23+$0x0] =	vst.idx.msk $0xffff, v11  }
0xc4: {  	v13 =	vadd.s32 v1, v12;
	v11 =	vld [tilespmem:s20+$0x10];
	_ =	sdelay $0x4  }
0xc5: {  	[tilespmem:v13+s23+$0x0] =	vst.idx.msk $0xffff, v11  }
0xc6: {  	v13 =	vadd.s32 v2, v12;
	v11 =	vld [tilespmem:s20+$0x20];
	_ =	sdelay $0x4  }
0xc7: {  	[tilespmem:v13+s23+$0x0] =	vst.idx.msk $0xffff, v11  }
0xc8: {  	v13 =	vadd.s32 v3, v12;
	v11 =	vld [tilespmem:s20+$0x30];
	_ =	sdelay $0x4  }
0xc9: {  	[tilespmem:v13+s23+$0x0] =	vst.idx.msk $0xffff, v11  }
0xca: {  	v13 =	vadd.s32 v4, v12;
	v11 =	vld [tilespmem:s20+$0x40];
	_ =	sdelay $0x4  }
0xcb: {  	[tilespmem:v13+s23+$0x0] =	vst.idx.msk $0xffff, v11  }
0xcc: {  	v13 =	vadd.s32 v5, v12;
	v11 =	vld [tilespmem:s20+$0x50];
	_ =	sdelay $0x4  }
0xcd: {  	[tilespmem:v13+s23+$0x0] =	vst.idx.msk $0xffff, v11  }
0xce: {  	v13 =	vadd.s32 v6, v12;
	v11 =	vld [tilespmem:s20+$0x60];
	_ =	sdelay $0x4  }
0xcf: {  	[tilespmem:v13+s23+$0x0] =	vst.idx.msk $0xffff, v11  }
0xd0: {  	v13 =	vadd.s32 v7, v12;
	v11 =	vld [tilespmem:s20+$0x70];
	_ =	sdelay $0x4  }
0xd1: {  	[tilespmem:v13+s23+$0x0] =	vst.idx.msk $0xffff, v11  }
0xd2: {  	v13 =	vadd.s32 v8, v12;
	v11 =	vld [tilespmem:s21+$0x0];
	_ =	sdelay $0x4  }
0xd3: {  	[tilespmem:v13+s23+$0x0] =	vst.idx.msk $0xffff, v11  }
0xd4: {  	v13 =	vadd.s32 v9, v12;
	v11 =	vld [tilespmem:s4+$0x0];
	_ =	sdelay $0x4  }
0xd5: {  	[tilespmem:v13+s23+$0x0] =	vst.idx.msk $0xffff, v11  }
.Ltmp0:
0xd6: {  	v12 =	vadd.s32 v10, v12;
	v11 =	vld [tilespmem:s13+$0x0];
	(pc) =	sbr.rel @p1 .LBB2_3-.Ltmp0, $2  }
0xd7: {  	_ =	sdelay $0x2  }
0xd8: {  	s15 =	sadd.s32 $0x2, s15;
	v13 =	vmov s14  }
0xd9: {  	_ =	sdelay $0x3  }
0xda: {  	v13 =	vand.u32 $0x7E, v13;
	[tilespmem:v12+s23+$0x0] =	vst.idx.msk $0xffff, v11;
	s15 =	sadd.s32 $0x100, s20  }
0xdb: {  	v11 =	vld [tilespmem:s15+$0xFFFFFF80];
	v43 =	vadd.s32 v0, v13;
	_ =	sdelay $0x4  }
0xdc: {  	[tilespmem:v43+s23+$0x0] =	vst.idx.msk $0xffff, v11  }
0xdd: {  	v44 =	vadd.s32 v1, v13;
	v11 =	vld [tilespmem:s15+$0xFFFFFF90];
	_ =	sdelay $0x4  }
0xde: {  	[tilespmem:v44+s23+$0x0] =	vst.idx.msk $0xffff, v11  }
0xdf: {  	v45 =	vadd.s32 v2, v13;
	v11 =	vld [tilespmem:s15+$0xFFFFFFA0];
	_ =	sdelay $0x4  }
0xe0: {  	[tilespmem:v45+s23+$0x0] =	vst.idx.msk $0xffff, v11  }
0xe1: {  	v46 =	vadd.s32 v3, v13;
	v11 =	vld [tilespmem:s15+$0xFFFFFFB0];
	_ =	sdelay $0x4  }
0xe2: {  	[tilespmem:v46+s23+$0x0] =	vst.idx.msk $0xffff, v11  }
0xe3: {  	v47 =	vadd.s32 v4, v13;
	v11 =	vld [tilespmem:s15+$0xFFFFFFC0];
	_ =	sdelay $0x4  }
0xe4: {  	[tilespmem:v47+s23+$0x0] =	vst.idx.msk $0xffff, v11  }
0xe5: {  	v48 =	vadd.s32 v5, v13;
	v11 =	vld [tilespmem:s15+$0xFFFFFFD0];
	_ =	sdelay $0x4  }
0xe6: {  	[tilespmem:v48+s23+$0x0] =	vst.idx.msk $0xffff, v11  }
0xe7: {  	v49 =	vadd.s32 v6, v13;
	v11 =	vld [tilespmem:s15+$0xFFFFFFE0];
	_ =	sdelay $0x4  }
0xe8: {  	[tilespmem:v49+s23+$0x0] =	vst.idx.msk $0xffff, v11  }
0xe9: {  	v50 =	vadd.s32 v7, v13;
	v11 =	vld [tilespmem:s15+$0xFFFFFFF0];
	_ =	sdelay $0x4  }
0xea: {  	s16 =	sadd.s32 $0x20, s21;
	[tilespmem:v50+s23+$0x0] =	vst.idx.msk $0xffff, v11  }
0xeb: {  	v51 =	vadd.s32 v8, v13;
	v11 =	vld [tilespmem:s16+$0xFFFFFFF0];
	_ =	sdelay $0x4  }
0xec: {  	s4 =	sadd.s32 $0x20, s4;
	[tilespmem:v51+s23+$0x0] =	vst.idx.msk $0xffff, v11  }
0xed: {  	v52 =	vadd.s32 v9, v13;
	v11 =	vld [tilespmem:s4+$0xFFFFFFF0];
	_ =	sdelay $0x4  }
0xee: {  	s13 =	sadd.s32 $0x20, s13;
	[tilespmem:v52+s23+$0x0] =	vst.idx.msk $0xffff, v11  }
0xef: {  	v53 =	vadd.s32 v10, v13;
	v11 =	vld [tilespmem:s13+$0xFFFFFFF0];
	_ =	sdelay $0x2  }
0xf0: {  	s14 =	sadd.s32 $0x1, s14  }
0xf1: {  	v54 =	vmov s14  }
0xf2: {  	[tilespmem:v53+s23+$0x0] =	vst.idx.msk $0xffff, v11;
	v11 =	vand.u32 $0x7F, v54  }
0xf3: {  	v12 =	vld [tilespmem:s15+$0x0];
	v13 =	vadd.s32 v0, v11;
	_ =	sdelay $0x4  }
0xf4: {  	[tilespmem:v13+s23+$0x0] =	vst.idx.msk $0xffff, v12  }
0xf5: {  	v55 =	vadd.s32 v1, v11;
	v12 =	vld [tilespmem:s15+$0x10];
	_ =	sdelay $0x4  }
0xf6: {  	[tilespmem:v55+s23+$0x0] =	vst.idx.msk $0xffff, v12  }
0xf7: {  	v56 =	vadd.s32 v2, v11;
	v12 =	vld [tilespmem:s15+$0x20];
	_ =	sdelay $0x4  }
0xf8: {  	[tilespmem:v56+s23+$0x0] =	vst.idx.msk $0xffff, v12  }
0xf9: {  	v57 =	vadd.s32 v3, v11;
	v12 =	vld [tilespmem:s15+$0x30];
	_ =	sdelay $0x4  }
0xfa: {  	[tilespmem:v57+s23+$0x0] =	vst.idx.msk $0xffff, v12  }
0xfb: {  	v58 =	vadd.s32 v4, v11;
	v12 =	vld [tilespmem:s15+$0x40];
	_ =	sdelay $0x4  }
0xfc: {  	[tilespmem:v58+s23+$0x0] =	vst.idx.msk $0xffff, v12  }
0xfd: {  	v59 =	vadd.s32 v5, v11;
	v12 =	vld [tilespmem:s15+$0x50];
	_ =	sdelay $0x4  }
0xfe: {  	[tilespmem:v59+s23+$0x0] =	vst.idx.msk $0xffff, v12  }
0xff: {  	v60 =	vadd.s32 v6, v11;
	v12 =	vld [tilespmem:s15+$0x60];
	_ =	sdelay $0x4  }
0x100: {  	[tilespmem:v60+s23+$0x0] =	vst.idx.msk $0xffff, v12  }
0x101: {  	v61 =	vadd.s32 v7, v11;
	v12 =	vld [tilespmem:s15+$0x70];
	_ =	sdelay $0x4  }
0x102: {  	[tilespmem:v61+s23+$0x0] =	vst.idx.msk $0xffff, v12  }
0x103: {  	v62 =	vadd.s32 v8, v11;
	v12 =	vld [tilespmem:s16+$0x0];
	_ =	sdelay $0x4  }
0x104: {  	[tilespmem:v62+s23+$0x0] =	vst.idx.msk $0xffff, v12  }
0x105: {  	v63 =	vadd.s32 v9, v11;
	v12 =	vld [tilespmem:s4+$0x0];
	_ =	sdelay $0x4  }
0x106: {  	[tilespmem:v63+s23+$0x0] =	vst.idx.msk $0xffff, v12  }
0x107: {  	s14 =	sshrl.u32 s19, $0x5;
	v11 =	vadd.s32 v10, v11;
	v12 =	vld [tilespmem:s13+$0x0]  }
0x108: {  	s15 =	sshll.u32 s19, $0xA;
	s4 =	smul.u32 $0xB0000, s14  }
0x109: {  	s13 =	sand.u32 $0x7000, s15  }
0x10a: {  	s4 =	sor.u32 s13, s4  }
0x10b: {  	s16 =	rddreg [dreg:$0x2];
	s20 =	sshrl.u32 s4, $0x3  }
0x10c: {  	s21 =	simm.s32 $0xB800;
	s13 =	sadd.s32 s16, s20;
	[tilespmem:v11+s23+$0x0] =	vst.idx.msk $0xffff, v12  }
0x10d: {  	[hbm4b:s13+s3] =	stream.linear.scatter [tilespmem:s21], [sflag:$0x7], $0x80, $0x38;
	[tilespmem:$0x17300] =	vst v63  }
0x10e: {  	s14 =	simm.s32 $0xB888;
	s15 =	sadd.s32 $0x10, s13  }
0x10f: {  	[hbm4b:s15+s3] =	stream.linear.scatter [tilespmem:s14], [sflag:$0x7], $0x80, $0x38;
	[tilespmem:$0x17300] =	vst v63  }
0x110: {  	s16 =	simm.s32 $0xB910;
	s21 =	sadd.s32 $0x20, s13  }
0x111: {  	[hbm4b:s21+s3] =	stream.linear.scatter [tilespmem:s16], [sflag:$0x7], $0x80, $0x38;
	[tilespmem:$0x17300] =	vst v63  }
0x112: {  	s14 =	simm.s32 $0xB998;
	s15 =	sadd.s32 $0x30, s13  }
0x113: {  	[hbm4b:s15+s3] =	stream.linear.scatter [tilespmem:s14], [sflag:$0x7], $0x80, $0x38;
	[tilespmem:$0x17300] =	vst v63  }
0x114: {  	s16 =	simm.s32 $0xBA20;
	s21 =	sadd.s32 $0x40, s13  }
0x115: {  	[hbm4b:s21+s3] =	stream.linear.scatter [tilespmem:s16], [sflag:$0x7], $0x80, $0x38;
	[tilespmem:$0x17300] =	vst v63  }
0x116: {  	s4 =	simm.s32 $0x440;
	s14 =	simm.s32 $0xBAA8;
	s15 =	sadd.s32 $0x50, s13  }
0x117: {  	[hbm4b:s15+s3] =	stream.linear.scatter [tilespmem:s14], [sflag:$0x7], $0x80, $0x38;
	[tilespmem:$0x17300] =	vst v63  }
0x118: {  	s16 =	simm.s32 $0xBB30;
	s21 =	sadd.s32 $0x60, s13;
	s14 =	simm.s32 $0x2200  }
0x119: {  	[hbm4b:s21+s3] =	stream.linear.scatter [tilespmem:s16], [sflag:$0x7], $0x80, $0x38;
	[tilespmem:$0x17300] =	vst v63  }
0x11a: {  	s15 =	simm.s32 $0xBBB8;
	s16 =	sadd.s32 $0x70, s13;
	s13 =	sadd.s32 $0x1000, s13  }
.LBB2_5:
0x11b: {  	[hbm4b:s16+s3] =	stream.linear.scatter [tilespmem:s15], [sflag:$0x7], $0x80, $0x38;
	[tilespmem:$0x17300] =	vst v63  }
0x11c: {  	s15 =	smov.u32 s4;
	s4 =	smov.u32 s14  }
0x11d: {  	s21 =	sadd.s32 $0x1100, s14;
	s4 =	sshra.s32 s4, $0x2;
	s16 =	sadd.s32 $0xB800, s15  }
0x11e: {  	[hbm4b:s13+s3] =	stream.linear.scatter [tilespmem:s16], [sflag:$0x7], $0x80, $0x38;
	[tilespmem:$0x17300] =	vst v63  }
0x11f: {  	p1 =	sne.s32 s14, $0x16500;
	s14 =	sadd.s32 $0xB888, s15;
	s16 =	sadd.s32 $0x10, s13  }
0x120: {  	[hbm4b:s16+s3] =	stream.linear.scatter [tilespmem:s14], [sflag:$0x7], $0x80, $0x38;
	[tilespmem:$0x17300] =	vst v63  }
0x121: {  	s14 =	sadd.s32 $0xB910, s15;
	s16 =	sadd.s32 $0x20, s13  }
0x122: {  	[hbm4b:s16+s3] =	stream.linear.scatter [tilespmem:s14], [sflag:$0x7], $0x80, $0x38;
	[tilespmem:$0x17300] =	vst v63  }
0x123: {  	s14 =	sadd.s32 $0xB998, s15;
	s16 =	sadd.s32 $0x30, s13  }
0x124: {  	[hbm4b:s16+s3] =	stream.linear.scatter [tilespmem:s14], [sflag:$0x7], $0x80, $0x38;
	[tilespmem:$0x17300] =	vst v63  }
0x125: {  	s14 =	sadd.s32 $0xBA20, s15;
	s16 =	sadd.s32 $0x40, s13  }
0x126: {  	[hbm4b:s16+s3] =	stream.linear.scatter [tilespmem:s14], [sflag:$0x7], $0x80, $0x38;
	[tilespmem:$0x17300] =	vst v63  }
.Ltmp1:
0x127: {  	s14 =	sadd.s32 $0xBAA8, s15;
	s16 =	sadd.s32 $0x50, s13;
	(pc) =	sbr.rel @p1 .LBB2_5-.Ltmp1, $4  }
0x128: {  	[hbm4b:s16+s3] =	stream.linear.scatter [tilespmem:s14], [sflag:$0x7], $0x80, $0x38;
	[tilespmem:$0x17300] =	vst v63  }
0x129: {  	s14 =	sadd.s32 $0xBB30, s15;
	s16 =	sadd.s32 $0x60, s13;
	s15 =	sadd.s32 $0xBBB8, s15  }
0x12a: {  	[hbm4b:s16+s3] =	stream.linear.scatter [tilespmem:s14], [sflag:$0x7], $0x80, $0x38;
	[tilespmem:$0x17300] =	vst v63  }
0x12b: {  	s16 =	sadd.s32 $0x70, s13;
	s13 =	sadd.s32 $0x1000, s13;
	s14 =	smov.u32 s21  }
0x12c: {  	[hbm4b:s16+s3] =	stream.linear.scatter [tilespmem:s15], [sflag:$0x7], $0x80, $0x38;
	[tilespmem:$0x17300] =	vst v63  }
0x12d: {  	s14 =	sadd.s32 $0xB800, s4  }
0x12e: {  	[hbm4b:s13+s3] =	stream.linear.scatter [tilespmem:s14], [sflag:$0x7], $0x80, $0x38;
	[tilespmem:$0x17300] =	vst v63  }
0x12f: {  	s16 =	sadd.s32 $0xB888, s4;
	s21 =	sadd.s32 $0x10, s13  }
0x130: {  	[hbm4b:s21+s3] =	stream.linear.scatter [tilespmem:s16], [sflag:$0x7], $0x80, $0x38;
	[tilespmem:$0x17300] =	vst v63  }
0x131: {  	s16 =	sadd.s32 $0xB910, s4;
	s21 =	sadd.s32 $0x20, s13  }
0x132: {  	[hbm4b:s21+s3] =	stream.linear.scatter [tilespmem:s16], [sflag:$0x7], $0x80, $0x38;
	[tilespmem:$0x17300] =	vst v63  }
0x133: {  	s16 =	sadd.s32 $0xB998, s4;
	s21 =	sadd.s32 $0x30, s13  }
0x134: {  	[hbm4b:s21+s3] =	stream.linear.scatter [tilespmem:s16], [sflag:$0x7], $0x80, $0x38;
	[tilespmem:$0x17300] =	vst v63  }
0x135: {  	s16 =	sadd.s32 $0xBA20, s4;
	s21 =	sadd.s32 $0x40, s13  }
0x136: {  	[hbm4b:s21+s3] =	stream.linear.scatter [tilespmem:s16], [sflag:$0x7], $0x80, $0x38;
	[tilespmem:$0x17300] =	vst v63  }
0x137: {  	s16 =	sadd.s32 $0xBAA8, s4;
	s21 =	sadd.s32 $0x50, s13  }
0x138: {  	[hbm4b:s21+s3] =	stream.linear.scatter [tilespmem:s16], [sflag:$0x7], $0x80, $0x38;
	[tilespmem:$0x17300] =	vst v63  }
0x139: {  	s16 =	sadd.s32 $0xBB30, s4;
	s21 =	sadd.s32 $0x60, s13  }
0x13a: {  	[hbm4b:s21+s3] =	stream.linear.scatter [tilespmem:s16], [sflag:$0x7], $0x80, $0x38;
	[tilespmem:$0x17300] =	vst v63  }
0x13b: {  	s15 =	sadd.s32 $0x70, s13;
	s14 =	sadd.s32 $0xBBB8, s4  }
0x13c: {  	[hbm4b:s15+s3] =	stream.linear.scatter [tilespmem:s14], [sflag:$0x7], $0x80, $0x38;
	[tilespmem:$0x17300] =	vst v63  }
0x13d: {  	_ =	swait.ge [sflag:s24], $0x80  }
0x13e: {  	[sflag:s24] =	ssyncset.done $0x0  }
0x13f: {  	[sflag:s24] =	ssyncadd.s32 $0xFFFFFF80  }
0x140: {  	_ =	swait.ge [sflag:s24], $0x80  }
0x141: {  	[sflag:s24] =	ssyncset.done $0x0  }
0x142: {  	[sflag:s24] =	ssyncadd.s32 $0xFFFFFF80  }
0x143: {  	_ =	swait.ge [sflag:s24], $0x80  }
0x144: {  	[sflag:s24] =	ssyncset.done $0x0  }
0x145: {  	[sflag:s24] =	ssyncadd.s32 $0xFFFFFF80  }
0x146: {  	_ =	swait.ge [sflag:s24], $0x80  }
0x147: {  	[sflag:s24] =	ssyncset.done $0x0  }
0x148: {  	s16 =	simm.s32 $0x400;
	s21 =	simm.s32 $0x800;
	[sflag:s24] =	ssyncadd.s32 $0xFFFFFF80  }
0x149: {  	[tilespmem:s21], [sflag:$0x5] =	stream.indirect.gather [hbm4b:s1+s0], $0x80, s16, s0, $0xb8;
	[tilespmem:$0x17300] =	vst v63  }
0x14a: {  	s14 =	simm.s32 $0x480;
	s15 =	simm.s32 $0x4800  }
0x14b: {  	[tilespmem:s15], [sflag:$0x5] =	stream.indirect.gather [hbm4b:s9+s0], $0x10, s14, s0, $0xb8;
	[tilespmem:$0x17300] =	vst v63  }
0x14c: {  	s16 =	simm.s32 $0x500;
	s21 =	simm.s32 $0x5000  }
0x14d: {  	[tilespmem:s21], [sflag:$0x5] =	stream.indirect.gather [hbm4b:s10+s0], $0x10, s16, s0, $0xb8;
	[tilespmem:$0x17300] =	vst v63  }
0x14e: {  	s14 =	simm.s32 $0x580;
	s15 =	simm.s32 $0x5800  }
0x14f: {  	[tilespmem:s15], [sflag:$0x5] =	stream.indirect.gather [hbm4b:s11+s0], $0x10, s14, s0, $0xb8;
	[tilespmem:$0x17300] =	vst v63  }
0x150: {  	_ =	swait.ge [sflag:s25], $0x4000  }
0x151: {  	[sflag:s25] =	ssyncset.done $0x0  }
0x152: {  	[sflag:s25] =	ssyncadd.s32 $0xFFFFC000  }
0x153: {  	_ =	swait.ge [sflag:s25], $0x800  }
0x154: {  	[sflag:s25] =	ssyncset.done $0x0  }
0x155: {  	[sflag:s25] =	ssyncadd.s32 $0xFFFFF800  }
0x156: {  	_ =	swait.ge [sflag:s25], $0x800  }
0x157: {  	[sflag:s25] =	ssyncset.done $0x0  }
0x158: {  	[sflag:s25] =	ssyncadd.s32 $0xFFFFF800  }
0x159: {  	_ =	swait.ge [sflag:s25], $0x800  }
0x15a: {  	[sflag:s25] =	ssyncset.done $0x0  }
0x15b: {  	s4 =	simm.s32 @!p0 $0x8;
	s16 =	sadd.s32 $0x5, s19;
	[sflag:s25] =	ssyncadd.s32 $0xFFFFF800  }
0x15c: {  	s13 =	smin.u32 s16, s31;
	_ =	swait.ge @!p0 [sflag:s4], $0x5800  }
0x15d: {  	s13 =	sshll.u32 s13, $0x4;
	[sflag:s4] =	ssyncset.done @!p0 $0x0  }
0x15e: {  	s14 =	simm.s32 $0x0;
	s21 =	sadd.s32 s5, s13;
	[sflag:s4] =	ssyncadd.s32 @!p0 $0xFFFFA800  }
0x15f: {  	[tilespmem:s17], [sflag:$0x2] =	stream.linear.gather [hbm4b:s21+s14], $0x80, $0x38;
	[tilespmem:$0x17300] =	vst v63  }
0x160: {  	s16 =	simm.s32 $0x280;
	s15 =	sadd.s32 s6, s13  }
0x161: {  	[tilespmem:s16], [sflag:$0x2] =	stream.linear.gather [hbm4b:s15+s14], $0x80, $0x38;
	[tilespmem:$0x17300] =	vst v63  }
0x162: {  	s17 =	sadd.s32 s7, s13;
	s21 =	simm.s32 $0x300  }
0x163: {  	[tilespmem:s21], [sflag:$0x2] =	stream.linear.gather [hbm4b:s17+s14], $0x80, $0x38;
	[tilespmem:$0x17300] =	vst v63  }
0x164: {  	v11 =	vmov s14;
	s4 =	simm.s32 $0x6080;
	s15 =	sadd.s32 s8, s13;
	s16 =	simm.s32 $0x380  }
0x165: {  	v11 =	vand.u32 $0x7E, v11;
	[tilespmem:s16], [sflag:$0x2] =	stream.linear.gather [hbm4b:s15+s14], $0x80, $0x38;
	[tilespmem:$0x17300] =	vst v63  }
0x166: {  	v13 =	vadd.s32 v0, v11;
	v12 =	vld [tilespmem:s4+$0xFFFFFF80];
	_ =	sdelay $0x4  }
0x167: {  	[tilespmem:v13+s28+$0x0] =	vst.idx.msk $0xffff, v12  }
0x168: {  	v13 =	vadd.s32 v1, v11;
	v12 =	vld [tilespmem:s4+$0xFFFFFF90];
	_ =	sdelay $0x4  }
0x169: {  	[tilespmem:v13+s28+$0x0] =	vst.idx.msk $0xffff, v12  }
0x16a: {  	v13 =	vadd.s32 v2, v11;
	v12 =	vld [tilespmem:s4+$0xFFFFFFA0];
	_ =	sdelay $0x4  }
0x16b: {  	[tilespmem:v13+s28+$0x0] =	vst.idx.msk $0xffff, v12  }
0x16c: {  	v13 =	vadd.s32 v3, v11;
	v12 =	vld [tilespmem:s4+$0xFFFFFFB0];
	_ =	sdelay $0x4  }
0x16d: {  	[tilespmem:v13+s28+$0x0] =	vst.idx.msk $0xffff, v12  }
0x16e: {  	v13 =	vadd.s32 v4, v11;
	v12 =	vld [tilespmem:s4+$0xFFFFFFC0];
	_ =	sdelay $0x4  }
0x16f: {  	[tilespmem:v13+s28+$0x0] =	vst.idx.msk $0xffff, v12  }
0x170: {  	v13 =	vadd.s32 v5, v11;
	v12 =	vld [tilespmem:s4+$0xFFFFFFD0];
	_ =	sdelay $0x4  }
0x171: {  	[tilespmem:v13+s28+$0x0] =	vst.idx.msk $0xffff, v12  }
0x172: {  	v13 =	vadd.s32 v6, v11;
	v12 =	vld [tilespmem:s4+$0xFFFFFFE0];
	_ =	sdelay $0x4  }
0x173: {  	[tilespmem:v13+s28+$0x0] =	vst.idx.msk $0xffff, v12  }
0x174: {  	v13 =	vadd.s32 v7, v11;
	v12 =	vld [tilespmem:s4+$0xFFFFFFF0];
	_ =	sdelay $0x4  }
0x175: {  	s13 =	simm.s32 $0xA010;
	[tilespmem:v13+s28+$0x0] =	vst.idx.msk $0xffff, v12  }
0x176: {  	v13 =	vadd.s32 v8, v11;
	v12 =	vld [tilespmem:s13+$0xFFFFFFF0];
	_ =	sdelay $0x4  }
0x177: {  	s21 =	simm.s32 $0xA810;
	[tilespmem:v13+s28+$0x0] =	vst.idx.msk $0xffff, v12  }
0x178: {  	v13 =	vadd.s32 v9, v11;
	v12 =	vld [tilespmem:s21+$0xFFFFFFF0];
	_ =	sdelay $0x4  }
0x179: {  	s14 =	simm.s32 $0xB010;
	[tilespmem:v13+s28+$0x0] =	vst.idx.msk $0xffff, v12  }
0x17a: {  	v11 =	vadd.s32 v10, v11;
	v12 =	vld [tilespmem:s14+$0xFFFFFFF0];
	_ =	sdelay $0x2  }
0x17b: {  	s17 =	simm.s32 $0x1  }
0x17c: {  	v13 =	vmov s17  }
0x17d: {  	[tilespmem:v11+s28+$0x0] =	vst.idx.msk $0xffff, v12;
	v12 =	vand.u32 $0x7F, v13  }
0x17e: {  	v11 =	vld [tilespmem:s4+$0x0];
	v13 =	vadd.s32 v0, v12;
	_ =	sdelay $0x4  }
0x17f: {  	[tilespmem:v13+s28+$0x0] =	vst.idx.msk $0xffff, v11  }
0x180: {  	v13 =	vadd.s32 v1, v12;
	v11 =	vld [tilespmem:s4+$0x10];
	_ =	sdelay $0x4  }
0x181: {  	[tilespmem:v13+s28+$0x0] =	vst.idx.msk $0xffff, v11  }
0x182: {  	v13 =	vadd.s32 v2, v12;
	v11 =	vld [tilespmem:s4+$0x20];
	_ =	sdelay $0x4  }
0x183: {  	[tilespmem:v13+s28+$0x0] =	vst.idx.msk $0xffff, v11  }
0x184: {  	v13 =	vadd.s32 v3, v12;
	v11 =	vld [tilespmem:s4+$0x30];
	_ =	sdelay $0x4  }
0x185: {  	[tilespmem:v13+s28+$0x0] =	vst.idx.msk $0xffff, v11  }
0x186: {  	v13 =	vadd.s32 v4, v12;
	v11 =	vld [tilespmem:s4+$0x40];
	_ =	sdelay $0x4  }
0x187: {  	[tilespmem:v13+s28+$0x0] =	vst.idx.msk $0xffff, v11  }
0x188: {  	v13 =	vadd.s32 v5, v12;
	v11 =	vld [tilespmem:s4+$0x50];
	_ =	sdelay $0x4  }
0x189: {  	[tilespmem:v13+s28+$0x0] =	vst.idx.msk $0xffff, v11  }
0x18a: {  	v13 =	vadd.s32 v6, v12;
	v11 =	vld [tilespmem:s4+$0x60];
	_ =	sdelay $0x4  }
0x18b: {  	[tilespmem:v13+s28+$0x0] =	vst.idx.msk $0xffff, v11  }
0x18c: {  	v13 =	vadd.s32 v7, v12;
	v11 =	vld [tilespmem:s4+$0x70];
	_ =	sdelay $0x4  }
0x18d: {  	[tilespmem:v13+s28+$0x0] =	vst.idx.msk $0xffff, v11  }
0x18e: {  	v13 =	vadd.s32 v8, v12;
	v11 =	vld [tilespmem:s13+$0x0];
	_ =	sdelay $0x4  }
0x18f: {  	[tilespmem:v13+s28+$0x0] =	vst.idx.msk $0xffff, v11  }
0x190: {  	v13 =	vadd.s32 v9, v12;
	v11 =	vld [tilespmem:s21+$0x0];
	_ =	sdelay $0x4  }
0x191: {  	[tilespmem:v13+s28+$0x0] =	vst.idx.msk $0xffff, v11  }
0x192: {  	v12 =	vadd.s32 v10, v12;
	v11 =	vld [tilespmem:s14+$0x0];
	_ =	sdelay $0x2  }
0x193: {  	s15 =	simm.s32 $0x2  }
0x194: {  	s16 =	simm.s32 $0x4;
	v13 =	vmov s15  }
.LBB2_7:
0x195: {  	p0 =	sne.s32 s16, $0x7E;
	v13 =	vand.u32 $0x7E, v13;
	[tilespmem:v12+s28+$0x0] =	vst.idx.msk $0xffff, v11;
	s4 =	sadd.s32 $0x100, s4  }
0x196: {  	v11 =	vld [tilespmem:s4+$0xFFFFFF80];
	v12 =	vadd.s32 v0, v13;
	_ =	sdelay $0x4  }
0x197: {  	[tilespmem:v12+s28+$0x0] =	vst.idx.msk $0xffff, v11  }
0x198: {  	v12 =	vadd.s32 v1, v13;
	v11 =	vld [tilespmem:s4+$0xFFFFFF90];
	_ =	sdelay $0x4  }
0x199: {  	[tilespmem:v12+s28+$0x0] =	vst.idx.msk $0xffff, v11  }
0x19a: {  	v12 =	vadd.s32 v2, v13;
	v11 =	vld [tilespmem:s4+$0xFFFFFFA0];
	_ =	sdelay $0x4  }
0x19b: {  	[tilespmem:v12+s28+$0x0] =	vst.idx.msk $0xffff, v11  }
0x19c: {  	v12 =	vadd.s32 v3, v13;
	v11 =	vld [tilespmem:s4+$0xFFFFFFB0];
	_ =	sdelay $0x4  }
0x19d: {  	[tilespmem:v12+s28+$0x0] =	vst.idx.msk $0xffff, v11  }
0x19e: {  	v12 =	vadd.s32 v4, v13;
	v11 =	vld [tilespmem:s4+$0xFFFFFFC0];
	_ =	sdelay $0x4  }
0x19f: {  	[tilespmem:v12+s28+$0x0] =	vst.idx.msk $0xffff, v11  }
0x1a0: {  	v12 =	vadd.s32 v5, v13;
	v11 =	vld [tilespmem:s4+$0xFFFFFFD0];
	_ =	sdelay $0x4  }
0x1a1: {  	[tilespmem:v12+s28+$0x0] =	vst.idx.msk $0xffff, v11  }
0x1a2: {  	v12 =	vadd.s32 v6, v13;
	v11 =	vld [tilespmem:s4+$0xFFFFFFE0];
	_ =	sdelay $0x4  }
0x1a3: {  	[tilespmem:v12+s28+$0x0] =	vst.idx.msk $0xffff, v11  }
0x1a4: {  	v12 =	vadd.s32 v7, v13;
	v11 =	vld [tilespmem:s4+$0xFFFFFFF0];
	_ =	sdelay $0x4  }
0x1a5: {  	s13 =	sadd.s32 $0x20, s13;
	[tilespmem:v12+s28+$0x0] =	vst.idx.msk $0xffff, v11  }
0x1a6: {  	v12 =	vadd.s32 v8, v13;
	v11 =	vld [tilespmem:s13+$0xFFFFFFF0];
	_ =	sdelay $0x4  }
0x1a7: {  	s21 =	sadd.s32 $0x20, s21;
	[tilespmem:v12+s28+$0x0] =	vst.idx.msk $0xffff, v11  }
0x1a8: {  	v12 =	vadd.s32 v9, v13;
	v11 =	vld [tilespmem:s21+$0xFFFFFFF0];
	_ =	sdelay $0x4  }
0x1a9: {  	s14 =	sadd.s32 $0x20, s14;
	[tilespmem:v12+s28+$0x0] =	vst.idx.msk $0xffff, v11  }
0x1aa: {  	v12 =	vadd.s32 v10, v13;
	v11 =	vld [tilespmem:s14+$0xFFFFFFF0];
	_ =	sdelay $0x2  }
0x1ab: {  	s17 =	sadd.s32 $0x1, s15;
	s15 =	smov.u32 s16  }
0x1ac: {  	v13 =	vmov s17  }
0x1ad: {  	[tilespmem:v12+s28+$0x0] =	vst.idx.msk $0xffff, v11;
	v12 =	vand.u32 $0x7F, v13  }
0x1ae: {  	v11 =	vld [tilespmem:s4+$0x0];
	v13 =	vadd.s32 v0, v12;
	_ =	sdelay $0x4  }
0x1af: {  	[tilespmem:v13+s28+$0x0] =	vst.idx.msk $0xffff, v11  }
0x1b0: {  	v13 =	vadd.s32 v1, v12;
	v11 =	vld [tilespmem:s4+$0x10];
	_ =	sdelay $0x4  }
0x1b1: {  	[tilespmem:v13+s28+$0x0] =	vst.idx.msk $0xffff, v11  }
0x1b2: {  	v13 =	vadd.s32 v2, v12;
	v11 =	vld [tilespmem:s4+$0x20];
	_ =	sdelay $0x4  }
0x1b3: {  	[tilespmem:v13+s28+$0x0] =	vst.idx.msk $0xffff, v11  }
0x1b4: {  	v13 =	vadd.s32 v3, v12;
	v11 =	vld [tilespmem:s4+$0x30];
	_ =	sdelay $0x4  }
0x1b5: {  	[tilespmem:v13+s28+$0x0] =	vst.idx.msk $0xffff, v11  }
0x1b6: {  	v13 =	vadd.s32 v4, v12;
	v11 =	vld [tilespmem:s4+$0x40];
	_ =	sdelay $0x4  }
0x1b7: {  	[tilespmem:v13+s28+$0x0] =	vst.idx.msk $0xffff, v11  }
0x1b8: {  	v13 =	vadd.s32 v5, v12;
	v11 =	vld [tilespmem:s4+$0x50];
	_ =	sdelay $0x4  }
0x1b9: {  	[tilespmem:v13+s28+$0x0] =	vst.idx.msk $0xffff, v11  }
0x1ba: {  	v13 =	vadd.s32 v6, v12;
	v11 =	vld [tilespmem:s4+$0x60];
	_ =	sdelay $0x4  }
0x1bb: {  	[tilespmem:v13+s28+$0x0] =	vst.idx.msk $0xffff, v11  }
0x1bc: {  	v13 =	vadd.s32 v7, v12;
	v11 =	vld [tilespmem:s4+$0x70];
	_ =	sdelay $0x4  }
0x1bd: {  	[tilespmem:v13+s28+$0x0] =	vst.idx.msk $0xffff, v11  }
0x1be: {  	v13 =	vadd.s32 v8, v12;
	v11 =	vld [tilespmem:s13+$0x0];
	_ =	sdelay $0x4  }
0x1bf: {  	[tilespmem:v13+s28+$0x0] =	vst.idx.msk $0xffff, v11  }
0x1c0: {  	v13 =	vadd.s32 v9, v12;
	v11 =	vld [tilespmem:s21+$0x0];
	_ =	sdelay $0x4  }
0x1c1: {  	[tilespmem:v13+s28+$0x0] =	vst.idx.msk $0xffff, v11  }
.Ltmp2:
0x1c2: {  	v12 =	vadd.s32 v10, v12;
	v11 =	vld [tilespmem:s14+$0x0];
	(pc) =	sbr.rel @p0 .LBB2_7-.Ltmp2, $2  }
0x1c3: {  	_ =	sdelay $0x2  }
0x1c4: {  	s16 =	sadd.s32 $0x2, s16;
	v13 =	vmov s15  }
0x1c5: {  	_ =	sdelay $0x3  }
0x1c6: {  	v13 =	vand.u32 $0x7E, v13;
	[tilespmem:v12+s28+$0x0] =	vst.idx.msk $0xffff, v11;
	s4 =	sadd.s32 $0x100, s4  }
0x1c7: {  	v11 =	vld [tilespmem:s4+$0xFFFFFF80];
	v43 =	vadd.s32 v0, v13;
	_ =	sdelay $0x4  }
0x1c8: {  	[tilespmem:v43+s28+$0x0] =	vst.idx.msk $0xffff, v11  }
0x1c9: {  	v44 =	vadd.s32 v1, v13;
	v11 =	vld [tilespmem:s4+$0xFFFFFF90];
	_ =	sdelay $0x4  }
0x1ca: {  	[tilespmem:v44+s28+$0x0] =	vst.idx.msk $0xffff, v11  }
0x1cb: {  	v45 =	vadd.s32 v2, v13;
	v11 =	vld [tilespmem:s4+$0xFFFFFFA0];
	_ =	sdelay $0x4  }
0x1cc: {  	[tilespmem:v45+s28+$0x0] =	vst.idx.msk $0xffff, v11  }
0x1cd: {  	v46 =	vadd.s32 v3, v13;
	v11 =	vld [tilespmem:s4+$0xFFFFFFB0];
	_ =	sdelay $0x4  }
0x1ce: {  	[tilespmem:v46+s28+$0x0] =	vst.idx.msk $0xffff, v11  }
0x1cf: {  	v47 =	vadd.s32 v4, v13;
	v11 =	vld [tilespmem:s4+$0xFFFFFFC0];
	_ =	sdelay $0x4  }
0x1d0: {  	[tilespmem:v47+s28+$0x0] =	vst.idx.msk $0xffff, v11  }
0x1d1: {  	v48 =	vadd.s32 v5, v13;
	v11 =	vld [tilespmem:s4+$0xFFFFFFD0];
	_ =	sdelay $0x4  }
0x1d2: {  	[tilespmem:v48+s28+$0x0] =	vst.idx.msk $0xffff, v11  }
0x1d3: {  	v49 =	vadd.s32 v6, v13;
	v11 =	vld [tilespmem:s4+$0xFFFFFFE0];
	_ =	sdelay $0x4  }
0x1d4: {  	[tilespmem:v49+s28+$0x0] =	vst.idx.msk $0xffff, v11  }
0x1d5: {  	v50 =	vadd.s32 v7, v13;
	v11 =	vld [tilespmem:s4+$0xFFFFFFF0];
	_ =	sdelay $0x4  }
0x1d6: {  	s13 =	sadd.s32 $0x20, s13;
	[tilespmem:v50+s28+$0x0] =	vst.idx.msk $0xffff, v11  }
0x1d7: {  	v51 =	vadd.s32 v8, v13;
	v11 =	vld [tilespmem:s13+$0xFFFFFFF0];
	_ =	sdelay $0x4  }
0x1d8: {  	s16 =	sadd.s32 $0x20, s21;
	[tilespmem:v51+s28+$0x0] =	vst.idx.msk $0xffff, v11  }
0x1d9: {  	v52 =	vadd.s32 v9, v13;
	v11 =	vld [tilespmem:s16+$0xFFFFFFF0];
	_ =	sdelay $0x4  }
0x1da: {  	s14 =	sadd.s32 $0x20, s14;
	[tilespmem:v52+s28+$0x0] =	vst.idx.msk $0xffff, v11  }
0x1db: {  	v53 =	vadd.s32 v10, v13;
	v11 =	vld [tilespmem:s14+$0xFFFFFFF0];
	_ =	sdelay $0x2  }
0x1dc: {  	s15 =	sadd.s32 $0x1, s15  }
0x1dd: {  	v54 =	vmov s15  }
0x1de: {  	[tilespmem:v53+s28+$0x0] =	vst.idx.msk $0xffff, v11;
	v11 =	vand.u32 $0x7F, v54  }
0x1df: {  	v12 =	vld [tilespmem:s4+$0x0];
	v13 =	vadd.s32 v0, v11;
	_ =	sdelay $0x4  }
0x1e0: {  	[tilespmem:v13+s28+$0x0] =	vst.idx.msk $0xffff, v12  }
0x1e1: {  	v55 =	vadd.s32 v1, v11;
	v12 =	vld [tilespmem:s4+$0x10];
	_ =	sdelay $0x4  }
0x1e2: {  	[tilespmem:v55+s28+$0x0] =	vst.idx.msk $0xffff, v12  }
0x1e3: {  	v56 =	vadd.s32 v2, v11;
	v12 =	vld [tilespmem:s4+$0x20];
	_ =	sdelay $0x4  }
0x1e4: {  	[tilespmem:v56+s28+$0x0] =	vst.idx.msk $0xffff, v12  }
0x1e5: {  	v57 =	vadd.s32 v3, v11;
	v12 =	vld [tilespmem:s4+$0x30];
	_ =	sdelay $0x4  }
0x1e6: {  	[tilespmem:v57+s28+$0x0] =	vst.idx.msk $0xffff, v12  }
0x1e7: {  	v58 =	vadd.s32 v4, v11;
	v12 =	vld [tilespmem:s4+$0x40];
	_ =	sdelay $0x4  }
0x1e8: {  	[tilespmem:v58+s28+$0x0] =	vst.idx.msk $0xffff, v12  }
0x1e9: {  	v59 =	vadd.s32 v5, v11;
	v12 =	vld [tilespmem:s4+$0x50];
	_ =	sdelay $0x4  }
0x1ea: {  	[tilespmem:v59+s28+$0x0] =	vst.idx.msk $0xffff, v12  }
0x1eb: {  	v60 =	vadd.s32 v6, v11;
	v12 =	vld [tilespmem:s4+$0x60];
	_ =	sdelay $0x4  }
0x1ec: {  	[tilespmem:v60+s28+$0x0] =	vst.idx.msk $0xffff, v12  }
0x1ed: {  	v61 =	vadd.s32 v7, v11;
	v12 =	vld [tilespmem:s4+$0x70];
	_ =	sdelay $0x4  }
0x1ee: {  	[tilespmem:v61+s28+$0x0] =	vst.idx.msk $0xffff, v12  }
0x1ef: {  	v62 =	vadd.s32 v8, v11;
	v12 =	vld [tilespmem:s13+$0x0];
	_ =	sdelay $0x4  }
0x1f0: {  	[tilespmem:v62+s28+$0x0] =	vst.idx.msk $0xffff, v12  }
0x1f1: {  	v63 =	vadd.s32 v9, v11;
	v12 =	vld [tilespmem:s16+$0x0];
	_ =	sdelay $0x4  }
0x1f2: {  	[tilespmem:v63+s28+$0x0] =	vst.idx.msk $0xffff, v12  }
0x1f3: {  	v11 =	vadd.s32 v10, v11;
	v12 =	vld [tilespmem:s14+$0x0];
	_ =	sdelay $0x2  }
0x1f4: {  	s13 =	rddreg [dreg:$0x2]  }
0x1f5: {  	s20 =	sadd.s32 s20, s13  }
0x1f6: {  	s13 =	sadd.s32 $0x80, s20;
	s14 =	simm.s32 $0x11580;
	[tilespmem:v11+s28+$0x0] =	vst.idx.msk $0xffff, v12  }
0x1f7: {  	[hbm4b:s13+s3] =	stream.linear.scatter [tilespmem:s14], [sflag:$0x8], $0x80, $0x38;
	[tilespmem:$0x17300] =	vst v63  }
0x1f8: {  	s15 =	simm.s32 $0x11608;
	s16 =	sadd.s32 $0x10, s13  }
0x1f9: {  	[hbm4b:s16+s3] =	stream.linear.scatter [tilespmem:s15], [sflag:$0x8], $0x80, $0x38;
	[tilespmem:$0x17300] =	vst v63  }
0x1fa: {  	s17 =	simm.s32 $0x11690;
	s4 =	simm.s32 $0x440;
	s21 =	sadd.s32 $0x20, s13  }
0x1fb: {  	[hbm4b:s21+s3] =	stream.linear.scatter [tilespmem:s17], [sflag:$0x8], $0x80, $0x38;
	[tilespmem:$0x17300] =	vst v63  }
0x1fc: {  	s14 =	simm.s32 $0x2200;
	s15 =	simm.s32 $0x11718;
	s16 =	sadd.s32 $0x30, s13  }
0x1fd: {  	[hbm4b:s16+s3] =	stream.linear.scatter [tilespmem:s15], [sflag:$0x8], $0x80, $0x38;
	[tilespmem:$0x17300] =	vst v63  }
0x1fe: {  	s17 =	simm.s32 $0x117A0;
	s21 =	sadd.s32 $0x40, s13;
	s15 =	simm.s32 $0x11828  }
0x1ff: {  	[hbm4b:s21+s3] =	stream.linear.scatter [tilespmem:s17], [sflag:$0x8], $0x80, $0x38;
	[tilespmem:$0x17300] =	vst v63  }
0x200: {  	s16 =	sadd.s32 $0x50, s13;
	s17 =	simm.s32 $0x118B0;
	s21 =	sadd.s32 $0x60, s13  }
0x201: {  	[hbm4b:s16+s3] =	stream.linear.scatter [tilespmem:s15], [sflag:$0x8], $0x80, $0x38;
	[tilespmem:$0x17300] =	vst v63  }
0x202: {  	s15 =	simm.s32 $0x11938;
	s16 =	sadd.s32 $0x70, s13;
	s13 =	sadd.s32 $0x1000, s13  }
0x203: {  	[hbm4b:s21+s3] =	stream.linear.scatter [tilespmem:s17], [sflag:$0x8], $0x80, $0x38;
	[tilespmem:$0x17300] =	vst v63  }
.LBB2_9:
0x204: {  	[hbm4b:s16+s3] =	stream.linear.scatter [tilespmem:s15], [sflag:$0x8], $0x80, $0x38;
	[tilespmem:$0x17300] =	vst v63  }
0x205: {  	s15 =	smov.u32 s4;
	s4 =	smov.u32 s14  }
0x206: {  	s17 =	sadd.s32 $0x1100, s14;
	s4 =	sshra.s32 s4, $0x2;
	s16 =	sadd.s32 $0x11580, s15  }
0x207: {  	[hbm4b:s13+s3] =	stream.linear.scatter [tilespmem:s16], [sflag:$0x8], $0x80, $0x38;
	[tilespmem:$0x17300] =	vst v63  }
0x208: {  	p0 =	sne.s32 s14, $0x16500;
	s14 =	sadd.s32 $0x11608, s15;
	s16 =	sadd.s32 $0x10, s13  }
0x209: {  	[hbm4b:s16+s3] =	stream.linear.scatter [tilespmem:s14], [sflag:$0x8], $0x80, $0x38;
	[tilespmem:$0x17300] =	vst v63  }
0x20a: {  	s14 =	sadd.s32 $0x11690, s15;
	s16 =	sadd.s32 $0x20, s13  }
0x20b: {  	[hbm4b:s16+s3] =	stream.linear.scatter [tilespmem:s14], [sflag:$0x8], $0x80, $0x38;
	[tilespmem:$0x17300] =	vst v63  }
0x20c: {  	s14 =	sadd.s32 $0x11718, s15;
	s16 =	sadd.s32 $0x30, s13  }
0x20d: {  	[hbm4b:s16+s3] =	stream.linear.scatter [tilespmem:s14], [sflag:$0x8], $0x80, $0x38;
	[tilespmem:$0x17300] =	vst v63  }
0x20e: {  	s14 =	sadd.s32 $0x117A0, s15;
	s16 =	sadd.s32 $0x40, s13  }
0x20f: {  	[hbm4b:s16+s3] =	stream.linear.scatter [tilespmem:s14], [sflag:$0x8], $0x80, $0x38;
	[tilespmem:$0x17300] =	vst v63  }
.Ltmp3:
0x210: {  	s14 =	sadd.s32 $0x11828, s15;
	s16 =	sadd.s32 $0x50, s13;
	(pc) =	sbr.rel @p0 .LBB2_9-.Ltmp3, $4  }
0x211: {  	[hbm4b:s16+s3] =	stream.linear.scatter [tilespmem:s14], [sflag:$0x8], $0x80, $0x38;
	[tilespmem:$0x17300] =	vst v63  }
0x212: {  	s14 =	sadd.s32 $0x118B0, s15;
	s16 =	sadd.s32 $0x60, s13;
	s15 =	sadd.s32 $0x11938, s15  }
0x213: {  	[hbm4b:s16+s3] =	stream.linear.scatter [tilespmem:s14], [sflag:$0x8], $0x80, $0x38;
	[tilespmem:$0x17300] =	vst v63  }
0x214: {  	s16 =	sadd.s32 $0x70, s13;
	s13 =	sadd.s32 $0x1000, s13;
	s14 =	smov.u32 s17  }
0x215: {  	[hbm4b:s16+s3] =	stream.linear.scatter [tilespmem:s15], [sflag:$0x8], $0x80, $0x38;
	[tilespmem:$0x17300] =	vst v63  }
0x216: {  	s14 =	sadd.s32 $0x11580, s4  }
0x217: {  	[hbm4b:s13+s3] =	stream.linear.scatter [tilespmem:s14], [sflag:$0x8], $0x80, $0x38;
	[tilespmem:$0x17300] =	vst v63  }
0x218: {  	s17 =	sadd.s32 $0x11608, s4;
	s21 =	sadd.s32 $0x10, s13  }
0x219: {  	[hbm4b:s21+s3] =	stream.linear.scatter [tilespmem:s17], [sflag:$0x8], $0x80, $0x38;
	[tilespmem:$0x17300] =	vst v63  }
0x21a: {  	s15 =	sadd.s32 $0x11690, s4;
	s16 =	sadd.s32 $0x20, s13  }
0x21b: {  	[hbm4b:s16+s3] =	stream.linear.scatter [tilespmem:s15], [sflag:$0x8], $0x80, $0x38;
	[tilespmem:$0x17300] =	vst v63  }
0x21c: {  	s17 =	sadd.s32 $0x11718, s4;
	s21 =	sadd.s32 $0x30, s13  }
0x21d: {  	[hbm4b:s21+s3] =	stream.linear.scatter [tilespmem:s17], [sflag:$0x8], $0x80, $0x38;
	[tilespmem:$0x17300] =	vst v63  }
0x21e: {  	s15 =	sadd.s32 $0x117A0, s4;
	s16 =	sadd.s32 $0x40, s13  }
0x21f: {  	[hbm4b:s16+s3] =	stream.linear.scatter [tilespmem:s15], [sflag:$0x8], $0x80, $0x38;
	[tilespmem:$0x17300] =	vst v63  }
0x220: {  	s17 =	sadd.s32 $0x11828, s4;
	s21 =	sadd.s32 $0x50, s13  }
0x221: {  	[hbm4b:s21+s3] =	stream.linear.scatter [tilespmem:s17], [sflag:$0x8], $0x80, $0x38;
	[tilespmem:$0x17300] =	vst v63  }
0x222: {  	s15 =	sadd.s32 $0x118B0, s4;
	s16 =	sadd.s32 $0x60, s13  }
0x223: {  	[hbm4b:s16+s3] =	stream.linear.scatter [tilespmem:s15], [sflag:$0x8], $0x80, $0x38;
	[tilespmem:$0x17300] =	vst v63  }
0x224: {  	s17 =	sadd.s32 $0x11938, s4;
	s21 =	sadd.s32 $0x70, s13  }
0x225: {  	[hbm4b:s21+s3] =	stream.linear.scatter [tilespmem:s17], [sflag:$0x8], $0x80, $0x38;
	[tilespmem:$0x17300] =	vst v63  }
0x226: {  	_ =	swait.ge [sflag:s29], $0x80  }
0x227: {  	[sflag:s29] =	ssyncset.done $0x0  }
0x228: {  	[sflag:s29] =	ssyncadd.s32 $0xFFFFFF80  }
0x229: {  	_ =	swait.ge [sflag:s29], $0x80  }
0x22a: {  	[sflag:s29] =	ssyncset.done $0x0  }
0x22b: {  	[sflag:s29] =	ssyncadd.s32 $0xFFFFFF80  }
0x22c: {  	_ =	swait.ge [sflag:s29], $0x80  }
0x22d: {  	[sflag:s29] =	ssyncset.done $0x0  }
0x22e: {  	[sflag:s29] =	ssyncadd.s32 $0xFFFFFF80  }
0x22f: {  	_ =	swait.ge [sflag:s29], $0x80  }
0x230: {  	[sflag:s29] =	ssyncset.done $0x0  }
0x231: {  	s14 =	simm.s32 $0x6000;
	s13 =	simm.s32 $0x600;
	[sflag:s29] =	ssyncadd.s32 $0xFFFFFF80  }
0x232: {  	[tilespmem:s14], [sflag:$0x6] =	stream.indirect.gather [hbm4b:s1+s0], $0x80, s13, s0, $0xb8;
	[tilespmem:$0x17300] =	vst v63  }
0x233: {  	s15 =	simm.s32 $0x680;
	s16 =	simm.s32 $0xA000  }
0x234: {  	[tilespmem:s16], [sflag:$0x6] =	stream.indirect.gather [hbm4b:s9+s0], $0x10, s15, s0, $0xb8;
	[tilespmem:$0x17300] =	vst v63  }
0x235: {  	s17 =	simm.s32 $0x700;
	s21 =	simm.s32 $0xA800  }
0x236: {  	[tilespmem:s21], [sflag:$0x6] =	stream.indirect.gather [hbm4b:s10+s0], $0x10, s17, s0, $0xb8;
	[tilespmem:$0x17300] =	vst v63  }
0x237: {  	s14 =	simm.s32 $0x780;
	s15 =	simm.s32 $0xB000  }
0x238: {  	[tilespmem:s15], [sflag:$0x6] =	stream.indirect.gather [hbm4b:s11+s0], $0x10, s14, s0, $0xb8;
	[tilespmem:$0x17300] =	vst v63  }
0x239: {  	_ =	swait.ge [sflag:s22], $0x4000  }
0x23a: {  	[sflag:s22] =	ssyncset.done $0x0  }
0x23b: {  	[sflag:s22] =	ssyncadd.s32 $0xFFFFC000  }
0x23c: {  	_ =	swait.ge [sflag:s22], $0x800  }
0x23d: {  	[sflag:s22] =	ssyncset.done $0x0  }
0x23e: {  	[sflag:s22] =	ssyncadd.s32 $0xFFFFF800  }
0x23f: {  	_ =	swait.ge [sflag:s22], $0x800  }
0x240: {  	[sflag:s22] =	ssyncset.done $0x0  }
0x241: {  	[sflag:s22] =	ssyncadd.s32 $0xFFFFF800  }
0x242: {  	_ =	swait.ge [sflag:s22], $0x800  }
0x243: {  	[sflag:s22] =	ssyncset.done $0x0  }
0x244: {  	s16 =	sadd.s32 $0x6, s19;
	[sflag:s22] =	ssyncadd.s32 $0xFFFFF800  }
0x245: {  	s4 =	smin.u32 s16, s31;
	_ =	swait.ge [sflag:s30], $0x5800  }
0x246: {  	s4 =	sshll.u32 s4, $0x4;
	s21 =	simm.s32 $0x400;
	[sflag:s30] =	ssyncset.done $0x0  }
0x247: {  	s17 =	sadd.s32 s5, s4;
	s14 =	simm.s32 $0x0;
	[sflag:s30] =	ssyncadd.s32 $0xFFFFA800  }
0x248: {  	[tilespmem:s21], [sflag:$0x3] =	stream.linear.gather [hbm4b:s17+s14], $0x80, $0x38;
	[tilespmem:$0x17300] =	vst v63  }
0x249: {  	s16 =	simm.s32 $0x480;
	s15 =	sadd.s32 s6, s4  }
0x24a: {  	[tilespmem:s16], [sflag:$0x3] =	stream.linear.gather [hbm4b:s15+s14], $0x80, $0x38;
	[tilespmem:$0x17300] =	vst v63  }
0x24b: {  	s17 =	sadd.s32 s7, s4;
	s21 =	simm.s32 $0x500  }
0x24c: {  	[tilespmem:s21], [sflag:$0x3] =	stream.linear.gather [hbm4b:s17+s14], $0x80, $0x38;
	[tilespmem:$0x17300] =	vst v63  }
0x24d: {  	s4 =	sadd.s32 s8, s4;
	s16 =	simm.s32 $0x580  }
0x24e: {  	v11 =	vmov s14;
	[tilespmem:s16], [sflag:$0x3] =	stream.linear.gather [hbm4b:s4+s14], $0x80, $0x38;
	[tilespmem:$0x17300] =	vst v63  }
0x24f: {  	v11 =	vand.u32 $0x7E, v11;
	s4 =	simm.s32 $0x880  }
0x250: {  	v13 =	vadd.s32 v0, v11;
	v12 =	vld [tilespmem:s4+$0xFFFFFF80];
	_ =	sdelay $0x4  }
0x251: {  	[tilespmem:v13+s23+$0x0] =	vst.idx.msk $0xffff, v12  }
0x252: {  	v13 =	vadd.s32 v1, v11;
	v12 =	vld [tilespmem:s4+$0xFFFFFF90];
	_ =	sdelay $0x4  }
0x253: {  	[tilespmem:v13+s23+$0x0] =	vst.idx.msk $0xffff, v12  }
0x254: {  	v13 =	vadd.s32 v2, v11;
	v12 =	vld [tilespmem:s4+$0xFFFFFFA0];
	_ =	sdelay $0x4  }
0x255: {  	[tilespmem:v13+s23+$0x0] =	vst.idx.msk $0xffff, v12  }
0x256: {  	v13 =	vadd.s32 v3, v11;
	v12 =	vld [tilespmem:s4+$0xFFFFFFB0];
	_ =	sdelay $0x4  }
0x257: {  	[tilespmem:v13+s23+$0x0] =	vst.idx.msk $0xffff, v12  }
0x258: {  	v13 =	vadd.s32 v4, v11;
	v12 =	vld [tilespmem:s4+$0xFFFFFFC0];
	_ =	sdelay $0x4  }
0x259: {  	[tilespmem:v13+s23+$0x0] =	vst.idx.msk $0xffff, v12  }
0x25a: {  	v13 =	vadd.s32 v5, v11;
	v12 =	vld [tilespmem:s4+$0xFFFFFFD0];
	_ =	sdelay $0x4  }
0x25b: {  	[tilespmem:v13+s23+$0x0] =	vst.idx.msk $0xffff, v12  }
0x25c: {  	v13 =	vadd.s32 v6, v11;
	v12 =	vld [tilespmem:s4+$0xFFFFFFE0];
	_ =	sdelay $0x4  }
0x25d: {  	[tilespmem:v13+s23+$0x0] =	vst.idx.msk $0xffff, v12  }
0x25e: {  	v13 =	vadd.s32 v7, v11;
	v12 =	vld [tilespmem:s4+$0xFFFFFFF0];
	_ =	sdelay $0x4  }
0x25f: {  	s13 =	simm.s32 $0x4810;
	[tilespmem:v13+s23+$0x0] =	vst.idx.msk $0xffff, v12  }
0x260: {  	v13 =	vadd.s32 v8, v11;
	v12 =	vld [tilespmem:s13+$0xFFFFFFF0];
	_ =	sdelay $0x4  }
0x261: {  	s14 =	simm.s32 $0x5010;
	[tilespmem:v13+s23+$0x0] =	vst.idx.msk $0xffff, v12  }
0x262: {  	v13 =	vadd.s32 v9, v11;
	v12 =	vld [tilespmem:s14+$0xFFFFFFF0];
	_ =	sdelay $0x4  }
0x263: {  	s21 =	simm.s32 $0x5810;
	[tilespmem:v13+s23+$0x0] =	vst.idx.msk $0xffff, v12  }
0x264: {  	v11 =	vadd.s32 v10, v11;
	v12 =	vld [tilespmem:s21+$0xFFFFFFF0];
	_ =	sdelay $0x2  }
0x265: {  	s17 =	simm.s32 $0x1  }
0x266: {  	v13 =	vmov s17  }
0x267: {  	[tilespmem:v11+s23+$0x0] =	vst.idx.msk $0xffff, v12;
	v12 =	vand.u32 $0x7F, v13  }
0x268: {  	v11 =	vld [tilespmem:s4+$0x0];
	v13 =	vadd.s32 v0, v12;
	_ =	sdelay $0x4  }
0x269: {  	[tilespmem:v13+s23+$0x0] =	vst.idx.msk $0xffff, v11  }
0x26a: {  	v13 =	vadd.s32 v1, v12;
	v11 =	vld [tilespmem:s4+$0x10];
	_ =	sdelay $0x4  }
0x26b: {  	[tilespmem:v13+s23+$0x0] =	vst.idx.msk $0xffff, v11  }
0x26c: {  	v13 =	vadd.s32 v2, v12;
	v11 =	vld [tilespmem:s4+$0x20];
	_ =	sdelay $0x4  }
0x26d: {  	[tilespmem:v13+s23+$0x0] =	vst.idx.msk $0xffff, v11  }
0x26e: {  	v13 =	vadd.s32 v3, v12;
	v11 =	vld [tilespmem:s4+$0x30];
	_ =	sdelay $0x4  }
0x26f: {  	[tilespmem:v13+s23+$0x0] =	vst.idx.msk $0xffff, v11  }
0x270: {  	v13 =	vadd.s32 v4, v12;
	v11 =	vld [tilespmem:s4+$0x40];
	_ =	sdelay $0x4  }
0x271: {  	[tilespmem:v13+s23+$0x0] =	vst.idx.msk $0xffff, v11  }
0x272: {  	v13 =	vadd.s32 v5, v12;
	v11 =	vld [tilespmem:s4+$0x50];
	_ =	sdelay $0x4  }
0x273: {  	[tilespmem:v13+s23+$0x0] =	vst.idx.msk $0xffff, v11  }
0x274: {  	v13 =	vadd.s32 v6, v12;
	v11 =	vld [tilespmem:s4+$0x60];
	_ =	sdelay $0x4  }
0x275: {  	[tilespmem:v13+s23+$0x0] =	vst.idx.msk $0xffff, v11  }
0x276: {  	v13 =	vadd.s32 v7, v12;
	v11 =	vld [tilespmem:s4+$0x70];
	_ =	sdelay $0x4  }
0x277: {  	[tilespmem:v13+s23+$0x0] =	vst.idx.msk $0xffff, v11  }
0x278: {  	v13 =	vadd.s32 v8, v12;
	v11 =	vld [tilespmem:s13+$0x0];
	_ =	sdelay $0x4  }
0x279: {  	[tilespmem:v13+s23+$0x0] =	vst.idx.msk $0xffff, v11  }
0x27a: {  	v13 =	vadd.s32 v9, v12;
	v11 =	vld [tilespmem:s14+$0x0];
	_ =	sdelay $0x4  }
0x27b: {  	[tilespmem:v13+s23+$0x0] =	vst.idx.msk $0xffff, v11  }
0x27c: {  	v12 =	vadd.s32 v10, v12;
	v11 =	vld [tilespmem:s21+$0x0];
	_ =	sdelay $0x2  }
0x27d: {  	s15 =	simm.s32 $0x2  }
0x27e: {  	s16 =	simm.s32 $0x4;
	v13 =	vmov s15  }
.LBB2_11:
0x27f: {  	p0 =	sne.s32 s16, $0x7E;
	v13 =	vand.u32 $0x7E, v13;
	[tilespmem:v12+s23+$0x0] =	vst.idx.msk $0xffff, v11;
	s4 =	sadd.s32 $0x100, s4  }
0x280: {  	v11 =	vld [tilespmem:s4+$0xFFFFFF80];
	v12 =	vadd.s32 v0, v13;
	_ =	sdelay $0x4  }
0x281: {  	[tilespmem:v12+s23+$0x0] =	vst.idx.msk $0xffff, v11  }
0x282: {  	v12 =	vadd.s32 v1, v13;
	v11 =	vld [tilespmem:s4+$0xFFFFFF90];
	_ =	sdelay $0x4  }
0x283: {  	[tilespmem:v12+s23+$0x0] =	vst.idx.msk $0xffff, v11  }
0x284: {  	v12 =	vadd.s32 v2, v13;
	v11 =	vld [tilespmem:s4+$0xFFFFFFA0];
	_ =	sdelay $0x4  }
0x285: {  	[tilespmem:v12+s23+$0x0] =	vst.idx.msk $0xffff, v11  }
0x286: {  	v12 =	vadd.s32 v3, v13;
	v11 =	vld [tilespmem:s4+$0xFFFFFFB0];
	_ =	sdelay $0x4  }
0x287: {  	[tilespmem:v12+s23+$0x0] =	vst.idx.msk $0xffff, v11  }
0x288: {  	v12 =	vadd.s32 v4, v13;
	v11 =	vld [tilespmem:s4+$0xFFFFFFC0];
	_ =	sdelay $0x4  }
0x289: {  	[tilespmem:v12+s23+$0x0] =	vst.idx.msk $0xffff, v11  }
0x28a: {  	v12 =	vadd.s32 v5, v13;
	v11 =	vld [tilespmem:s4+$0xFFFFFFD0];
	_ =	sdelay $0x4  }
0x28b: {  	[tilespmem:v12+s23+$0x0] =	vst.idx.msk $0xffff, v11  }
0x28c: {  	v12 =	vadd.s32 v6, v13;
	v11 =	vld [tilespmem:s4+$0xFFFFFFE0];
	_ =	sdelay $0x4  }
0x28d: {  	[tilespmem:v12+s23+$0x0] =	vst.idx.msk $0xffff, v11  }
0x28e: {  	v12 =	vadd.s32 v7, v13;
	v11 =	vld [tilespmem:s4+$0xFFFFFFF0];
	_ =	sdelay $0x4  }
0x28f: {  	s13 =	sadd.s32 $0x20, s13;
	[tilespmem:v12+s23+$0x0] =	vst.idx.msk $0xffff, v11  }
0x290: {  	v12 =	vadd.s32 v8, v13;
	v11 =	vld [tilespmem:s13+$0xFFFFFFF0];
	_ =	sdelay $0x4  }
0x291: {  	s14 =	sadd.s32 $0x20, s14;
	[tilespmem:v12+s23+$0x0] =	vst.idx.msk $0xffff, v11  }
0x292: {  	v12 =	vadd.s32 v9, v13;
	v11 =	vld [tilespmem:s14+$0xFFFFFFF0];
	_ =	sdelay $0x4  }
0x293: {  	s21 =	sadd.s32 $0x20, s21;
	[tilespmem:v12+s23+$0x0] =	vst.idx.msk $0xffff, v11  }
0x294: {  	v12 =	vadd.s32 v10, v13;
	v11 =	vld [tilespmem:s21+$0xFFFFFFF0];
	_ =	sdelay $0x2  }
0x295: {  	s17 =	sadd.s32 $0x1, s15;
	s15 =	smov.u32 s16  }
0x296: {  	v13 =	vmov s17  }
0x297: {  	[tilespmem:v12+s23+$0x0] =	vst.idx.msk $0xffff, v11;
	v12 =	vand.u32 $0x7F, v13  }
0x298: {  	v11 =	vld [tilespmem:s4+$0x0];
	v13 =	vadd.s32 v0, v12;
	_ =	sdelay $0x4  }
0x299: {  	[tilespmem:v13+s23+$0x0] =	vst.idx.msk $0xffff, v11  }
0x29a: {  	v13 =	vadd.s32 v1, v12;
	v11 =	vld [tilespmem:s4+$0x10];
	_ =	sdelay $0x4  }
0x29b: {  	[tilespmem:v13+s23+$0x0] =	vst.idx.msk $0xffff, v11  }
0x29c: {  	v13 =	vadd.s32 v2, v12;
	v11 =	vld [tilespmem:s4+$0x20];
	_ =	sdelay $0x4  }
0x29d: {  	[tilespmem:v13+s23+$0x0] =	vst.idx.msk $0xffff, v11  }
0x29e: {  	v13 =	vadd.s32 v3, v12;
	v11 =	vld [tilespmem:s4+$0x30];
	_ =	sdelay $0x4  }
0x29f: {  	[tilespmem:v13+s23+$0x0] =	vst.idx.msk $0xffff, v11  }
0x2a0: {  	v13 =	vadd.s32 v4, v12;
	v11 =	vld [tilespmem:s4+$0x40];
	_ =	sdelay $0x4  }
0x2a1: {  	[tilespmem:v13+s23+$0x0] =	vst.idx.msk $0xffff, v11  }
0x2a2: {  	v13 =	vadd.s32 v5, v12;
	v11 =	vld [tilespmem:s4+$0x50];
	_ =	sdelay $0x4  }
0x2a3: {  	[tilespmem:v13+s23+$0x0] =	vst.idx.msk $0xffff, v11  }
0x2a4: {  	v13 =	vadd.s32 v6, v12;
	v11 =	vld [tilespmem:s4+$0x60];
	_ =	sdelay $0x4  }
0x2a5: {  	[tilespmem:v13+s23+$0x0] =	vst.idx.msk $0xffff, v11  }
0x2a6: {  	v13 =	vadd.s32 v7, v12;
	v11 =	vld [tilespmem:s4+$0x70];
	_ =	sdelay $0x4  }
0x2a7: {  	[tilespmem:v13+s23+$0x0] =	vst.idx.msk $0xffff, v11  }
0x2a8: {  	v13 =	vadd.s32 v8, v12;
	v11 =	vld [tilespmem:s13+$0x0];
	_ =	sdelay $0x4  }
0x2a9: {  	[tilespmem:v13+s23+$0x0] =	vst.idx.msk $0xffff, v11  }
0x2aa: {  	v13 =	vadd.s32 v9, v12;
	v11 =	vld [tilespmem:s14+$0x0];
	_ =	sdelay $0x4  }
0x2ab: {  	[tilespmem:v13+s23+$0x0] =	vst.idx.msk $0xffff, v11  }
.Ltmp4:
0x2ac: {  	v12 =	vadd.s32 v10, v12;
	v11 =	vld [tilespmem:s21+$0x0];
	(pc) =	sbr.rel @p0 .LBB2_11-.Ltmp4, $2  }
0x2ad: {  	_ =	sdelay $0x2  }
0x2ae: {  	s16 =	sadd.s32 $0x2, s16;
	v13 =	vmov s15  }
0x2af: {  	_ =	sdelay $0x3  }
0x2b0: {  	v13 =	vand.u32 $0x7E, v13;
	[tilespmem:v12+s23+$0x0] =	vst.idx.msk $0xffff, v11;
	s4 =	sadd.s32 $0x100, s4  }
0x2b1: {  	v11 =	vld [tilespmem:s4+$0xFFFFFF80];
	v43 =	vadd.s32 v0, v13;
	_ =	sdelay $0x4  }
0x2b2: {  	[tilespmem:v43+s23+$0x0] =	vst.idx.msk $0xffff, v11  }
0x2b3: {  	v44 =	vadd.s32 v1, v13;
	v11 =	vld [tilespmem:s4+$0xFFFFFF90];
	_ =	sdelay $0x4  }
0x2b4: {  	[tilespmem:v44+s23+$0x0] =	vst.idx.msk $0xffff, v11  }
0x2b5: {  	v45 =	vadd.s32 v2, v13;
	v11 =	vld [tilespmem:s4+$0xFFFFFFA0];
	_ =	sdelay $0x4  }
0x2b6: {  	[tilespmem:v45+s23+$0x0] =	vst.idx.msk $0xffff, v11  }
0x2b7: {  	v46 =	vadd.s32 v3, v13;
	v11 =	vld [tilespmem:s4+$0xFFFFFFB0];
	_ =	sdelay $0x4  }
0x2b8: {  	[tilespmem:v46+s23+$0x0] =	vst.idx.msk $0xffff, v11  }
0x2b9: {  	v47 =	vadd.s32 v4, v13;
	v11 =	vld [tilespmem:s4+$0xFFFFFFC0];
	_ =	sdelay $0x4  }
0x2ba: {  	[tilespmem:v47+s23+$0x0] =	vst.idx.msk $0xffff, v11  }
0x2bb: {  	v48 =	vadd.s32 v5, v13;
	v11 =	vld [tilespmem:s4+$0xFFFFFFD0];
	_ =	sdelay $0x4  }
0x2bc: {  	[tilespmem:v48+s23+$0x0] =	vst.idx.msk $0xffff, v11  }
0x2bd: {  	v49 =	vadd.s32 v6, v13;
	v11 =	vld [tilespmem:s4+$0xFFFFFFE0];
	_ =	sdelay $0x4  }
0x2be: {  	[tilespmem:v49+s23+$0x0] =	vst.idx.msk $0xffff, v11  }
0x2bf: {  	v50 =	vadd.s32 v7, v13;
	v11 =	vld [tilespmem:s4+$0xFFFFFFF0];
	_ =	sdelay $0x4  }
0x2c0: {  	s13 =	sadd.s32 $0x20, s13;
	[tilespmem:v50+s23+$0x0] =	vst.idx.msk $0xffff, v11  }
0x2c1: {  	v51 =	vadd.s32 v8, v13;
	v11 =	vld [tilespmem:s13+$0xFFFFFFF0];
	_ =	sdelay $0x4  }
0x2c2: {  	s14 =	sadd.s32 $0x20, s14;
	[tilespmem:v51+s23+$0x0] =	vst.idx.msk $0xffff, v11  }
0x2c3: {  	v52 =	vadd.s32 v9, v13;
	v11 =	vld [tilespmem:s14+$0xFFFFFFF0];
	_ =	sdelay $0x4  }
0x2c4: {  	s16 =	sadd.s32 $0x20, s21;
	[tilespmem:v52+s23+$0x0] =	vst.idx.msk $0xffff, v11  }
0x2c5: {  	v53 =	vadd.s32 v10, v13;
	v11 =	vld [tilespmem:s16+$0xFFFFFFF0];
	_ =	sdelay $0x2  }
0x2c6: {  	s15 =	sadd.s32 $0x1, s15  }
0x2c7: {  	v54 =	vmov s15  }
0x2c8: {  	[tilespmem:v53+s23+$0x0] =	vst.idx.msk $0xffff, v11;
	v11 =	vand.u32 $0x7F, v54  }
0x2c9: {  	v12 =	vld [tilespmem:s4+$0x0];
	v13 =	vadd.s32 v0, v11;
	_ =	sdelay $0x4  }
0x2ca: {  	[tilespmem:v13+s23+$0x0] =	vst.idx.msk $0xffff, v12  }
0x2cb: {  	v55 =	vadd.s32 v1, v11;
	v12 =	vld [tilespmem:s4+$0x10];
	_ =	sdelay $0x4  }
0x2cc: {  	[tilespmem:v55+s23+$0x0] =	vst.idx.msk $0xffff, v12  }
0x2cd: {  	v56 =	vadd.s32 v2, v11;
	v12 =	vld [tilespmem:s4+$0x20];
	_ =	sdelay $0x4  }
0x2ce: {  	[tilespmem:v56+s23+$0x0] =	vst.idx.msk $0xffff, v12  }
0x2cf: {  	v57 =	vadd.s32 v3, v11;
	v12 =	vld [tilespmem:s4+$0x30];
	_ =	sdelay $0x4  }
0x2d0: {  	[tilespmem:v57+s23+$0x0] =	vst.idx.msk $0xffff, v12  }
0x2d1: {  	v58 =	vadd.s32 v4, v11;
	v12 =	vld [tilespmem:s4+$0x40];
	_ =	sdelay $0x4  }
0x2d2: {  	[tilespmem:v58+s23+$0x0] =	vst.idx.msk $0xffff, v12  }
0x2d3: {  	v59 =	vadd.s32 v5, v11;
	v12 =	vld [tilespmem:s4+$0x50];
	_ =	sdelay $0x4  }
0x2d4: {  	[tilespmem:v59+s23+$0x0] =	vst.idx.msk $0xffff, v12  }
0x2d5: {  	v60 =	vadd.s32 v6, v11;
	v12 =	vld [tilespmem:s4+$0x60];
	_ =	sdelay $0x4  }
0x2d6: {  	[tilespmem:v60+s23+$0x0] =	vst.idx.msk $0xffff, v12  }
0x2d7: {  	v61 =	vadd.s32 v7, v11;
	v12 =	vld [tilespmem:s4+$0x70];
	_ =	sdelay $0x4  }
0x2d8: {  	[tilespmem:v61+s23+$0x0] =	vst.idx.msk $0xffff, v12  }
0x2d9: {  	v62 =	vadd.s32 v8, v11;
	v12 =	vld [tilespmem:s13+$0x0];
	_ =	sdelay $0x4  }
0x2da: {  	[tilespmem:v62+s23+$0x0] =	vst.idx.msk $0xffff, v12  }
0x2db: {  	v63 =	vadd.s32 v9, v11;
	v12 =	vld [tilespmem:s14+$0x0];
	_ =	sdelay $0x4  }
0x2dc: {  	[tilespmem:v63+s23+$0x0] =	vst.idx.msk $0xffff, v12  }
0x2dd: {  	v11 =	vadd.s32 v10, v11;
	v12 =	vld [tilespmem:s16+$0x0];
	_ =	sdelay $0x4  }
0x2de: {  	s13 =	sadd.s32 $0x100, s20;
	s14 =	simm.s32 $0xB800;
	[tilespmem:v11+s23+$0x0] =	vst.idx.msk $0xffff, v12  }
0x2df: {  	[hbm4b:s13+s3] =	stream.linear.scatter [tilespmem:s14], [sflag:$0x7], $0x80, $0x38;
	[tilespmem:$0x17300] =	vst v63  }
0x2e0: {  	s15 =	simm.s32 $0xB888;
	s16 =	sadd.s32 $0x10, s13  }
0x2e1: {  	[hbm4b:s16+s3] =	stream.linear.scatter [tilespmem:s15], [sflag:$0x7], $0x80, $0x38;
	[tilespmem:$0x17300] =	vst v63  }
0x2e2: {  	s17 =	simm.s32 $0xB910;
	s4 =	simm.s32 $0x440;
	s21 =	sadd.s32 $0x20, s13  }
0x2e3: {  	[hbm4b:s21+s3] =	stream.linear.scatter [tilespmem:s17], [sflag:$0x7], $0x80, $0x38;
	[tilespmem:$0x17300] =	vst v63  }
0x2e4: {  	s14 =	simm.s32 $0x2200;
	s15 =	simm.s32 $0xB998;
	s16 =	sadd.s32 $0x30, s13  }
0x2e5: {  	[hbm4b:s16+s3] =	stream.linear.scatter [tilespmem:s15], [sflag:$0x7], $0x80, $0x38;
	[tilespmem:$0x17300] =	vst v63  }
0x2e6: {  	s17 =	simm.s32 $0xBA20;
	s21 =	sadd.s32 $0x40, s13;
	s15 =	simm.s32 $0xBAA8  }
0x2e7: {  	[hbm4b:s21+s3] =	stream.linear.scatter [tilespmem:s17], [sflag:$0x7], $0x80, $0x38;
	[tilespmem:$0x17300] =	vst v63  }
0x2e8: {  	s16 =	sadd.s32 $0x50, s13;
	s17 =	simm.s32 $0xBB30;
	s21 =	sadd.s32 $0x60, s13  }
0x2e9: {  	[hbm4b:s16+s3] =	stream.linear.scatter [tilespmem:s15], [sflag:$0x7], $0x80, $0x38;
	[tilespmem:$0x17300] =	vst v63  }
0x2ea: {  	s15 =	simm.s32 $0xBBB8;
	s16 =	sadd.s32 $0x70, s13;
	s13 =	sadd.s32 $0x1000, s13  }
0x2eb: {  	[hbm4b:s21+s3] =	stream.linear.scatter [tilespmem:s17], [sflag:$0x7], $0x80, $0x38;
	[tilespmem:$0x17300] =	vst v63  }
.LBB2_13:
0x2ec: {  	[hbm4b:s16+s3] =	stream.linear.scatter [tilespmem:s15], [sflag:$0x7], $0x80, $0x38;
	[tilespmem:$0x17300] =	vst v63  }
0x2ed: {  	s15 =	smov.u32 s4;
	s4 =	smov.u32 s14  }
0x2ee: {  	s17 =	sadd.s32 $0x1100, s14;
	s4 =	sshra.s32 s4, $0x2;
	s16 =	sadd.s32 $0xB800, s15  }
0x2ef: {  	[hbm4b:s13+s3] =	stream.linear.scatter [tilespmem:s16], [sflag:$0x7], $0x80, $0x38;
	[tilespmem:$0x17300] =	vst v63  }
0x2f0: {  	p0 =	sne.s32 s14, $0x16500;
	s14 =	sadd.s32 $0xB888, s15;
	s16 =	sadd.s32 $0x10, s13  }
0x2f1: {  	[hbm4b:s16+s3] =	stream.linear.scatter [tilespmem:s14], [sflag:$0x7], $0x80, $0x38;
	[tilespmem:$0x17300] =	vst v63  }
0x2f2: {  	s14 =	sadd.s32 $0xB910, s15;
	s16 =	sadd.s32 $0x20, s13  }
0x2f3: {  	[hbm4b:s16+s3] =	stream.linear.scatter [tilespmem:s14], [sflag:$0x7], $0x80, $0x38;
	[tilespmem:$0x17300] =	vst v63  }
0x2f4: {  	s14 =	sadd.s32 $0xB998, s15;
	s16 =	sadd.s32 $0x30, s13  }
0x2f5: {  	[hbm4b:s16+s3] =	stream.linear.scatter [tilespmem:s14], [sflag:$0x7], $0x80, $0x38;
	[tilespmem:$0x17300] =	vst v63  }
0x2f6: {  	s14 =	sadd.s32 $0xBA20, s15;
	s16 =	sadd.s32 $0x40, s13  }
0x2f7: {  	[hbm4b:s16+s3] =	stream.linear.scatter [tilespmem:s14], [sflag:$0x7], $0x80, $0x38;
	[tilespmem:$0x17300] =	vst v63  }
.Ltmp5:
0x2f8: {  	s14 =	sadd.s32 $0xBAA8, s15;
	s16 =	sadd.s32 $0x50, s13;
	(pc) =	sbr.rel @p0 .LBB2_13-.Ltmp5, $4  }
0x2f9: {  	[hbm4b:s16+s3] =	stream.linear.scatter [tilespmem:s14], [sflag:$0x7], $0x80, $0x38;
	[tilespmem:$0x17300] =	vst v63  }
0x2fa: {  	s14 =	sadd.s32 $0xBB30, s15;
	s16 =	sadd.s32 $0x60, s13;
	s15 =	sadd.s32 $0xBBB8, s15  }
0x2fb: {  	[hbm4b:s16+s3] =	stream.linear.scatter [tilespmem:s14], [sflag:$0x7], $0x80, $0x38;
	[tilespmem:$0x17300] =	vst v63  }
0x2fc: {  	s16 =	sadd.s32 $0x70, s13;
	s13 =	sadd.s32 $0x1000, s13;
	s14 =	smov.u32 s17  }
0x2fd: {  	[hbm4b:s16+s3] =	stream.linear.scatter [tilespmem:s15], [sflag:$0x7], $0x80, $0x38;
	[tilespmem:$0x17300] =	vst v63  }
0x2fe: {  	s14 =	sadd.s32 $0xB800, s4  }
0x2ff: {  	[hbm4b:s13+s3] =	stream.linear.scatter [tilespmem:s14], [sflag:$0x7], $0x80, $0x38;
	[tilespmem:$0x17300] =	vst v63  }
0x300: {  	s17 =	sadd.s32 $0xB888, s4;
	s21 =	sadd.s32 $0x10, s13  }
0x301: {  	[hbm4b:s21+s3] =	stream.linear.scatter [tilespmem:s17], [sflag:$0x7], $0x80, $0x38;
	[tilespmem:$0x17300] =	vst v63  }
0x302: {  	s15 =	sadd.s32 $0xB910, s4;
	s16 =	sadd.s32 $0x20, s13  }
0x303: {  	[hbm4b:s16+s3] =	stream.linear.scatter [tilespmem:s15], [sflag:$0x7], $0x80, $0x38;
	[tilespmem:$0x17300] =	vst v63  }
0x304: {  	s17 =	sadd.s32 $0xB998, s4;
	s21 =	sadd.s32 $0x30, s13  }
0x305: {  	[hbm4b:s21+s3] =	stream.linear.scatter [tilespmem:s17], [sflag:$0x7], $0x80, $0x38;
	[tilespmem:$0x17300] =	vst v63  }
0x306: {  	s15 =	sadd.s32 $0xBA20, s4;
	s16 =	sadd.s32 $0x40, s13  }
0x307: {  	[hbm4b:s16+s3] =	stream.linear.scatter [tilespmem:s15], [sflag:$0x7], $0x80, $0x38;
	[tilespmem:$0x17300] =	vst v63  }
0x308: {  	s17 =	sadd.s32 $0xBAA8, s4;
	s21 =	sadd.s32 $0x50, s13  }
0x309: {  	[hbm4b:s21+s3] =	stream.linear.scatter [tilespmem:s17], [sflag:$0x7], $0x80, $0x38;
	[tilespmem:$0x17300] =	vst v63  }
0x30a: {  	s16 =	sadd.s32 $0xBB30, s4;
	s17 =	sadd.s32 $0x60, s13  }
0x30b: {  	[hbm4b:s17+s3] =	stream.linear.scatter [tilespmem:s16], [sflag:$0x7], $0x80, $0x38;
	[tilespmem:$0x17300] =	vst v63  }
0x30c: {  	s14 =	sadd.s32 $0x70, s13;
	s21 =	sadd.s32 $0xBBB8, s4  }
0x30d: {  	[hbm4b:s14+s3] =	stream.linear.scatter [tilespmem:s21], [sflag:$0x7], $0x80, $0x38;
	[tilespmem:$0x17300] =	vst v63  }
0x30e: {  	_ =	swait.ge [sflag:s26], $0x80  }
0x30f: {  	[sflag:s26] =	ssyncset.done $0x0  }
0x310: {  	[sflag:s26] =	ssyncadd.s32 $0xFFFFFF80  }
0x311: {  	_ =	swait.ge [sflag:s26], $0x80  }
0x312: {  	[sflag:s26] =	ssyncset.done $0x0  }
0x313: {  	[sflag:s26] =	ssyncadd.s32 $0xFFFFFF80  }
0x314: {  	_ =	swait.ge [sflag:s26], $0x80  }
0x315: {  	[sflag:s26] =	ssyncset.done $0x0  }
0x316: {  	[sflag:s26] =	ssyncadd.s32 $0xFFFFFF80  }
0x317: {  	_ =	swait.ge [sflag:s26], $0x80  }
0x318: {  	[sflag:s26] =	ssyncset.done $0x0  }
0x319: {  	s15 =	simm.s32 $0x800;
	s4 =	simm.s32 $0x0;
	[sflag:s26] =	ssyncadd.s32 $0xFFFFFF80  }
0x31a: {  	[tilespmem:s15], [sflag:$0x5] =	stream.indirect.gather [hbm4b:s1+s0], $0x80, s4, s0, $0xb8;
	[tilespmem:$0x17300] =	vst v63  }
0x31b: {  	s16 =	simm.s32 $0x4800  }
0x31c: {  	[tilespmem:s16], [sflag:$0x5] =	stream.indirect.gather [hbm4b:s9+s0], $0x10, s0, s0, $0xb8;
	[tilespmem:$0x17300] =	vst v63  }
0x31d: {  	s17 =	simm.s32 $0x5000;
	s21 =	simm.s32 $0x100  }
0x31e: {  	[tilespmem:s17], [sflag:$0x5] =	stream.indirect.gather [hbm4b:s10+s0], $0x10, s21, s0, $0xb8;
	[tilespmem:$0x17300] =	vst v63  }
0x31f: {  	s14 =	simm.s32 $0x180;
	s15 =	simm.s32 $0x5800  }
0x320: {  	[tilespmem:s15], [sflag:$0x5] =	stream.indirect.gather [hbm4b:s11+s0], $0x10, s14, s0, $0xb8;
	[tilespmem:$0x17300] =	vst v63  }
0x321: {  	_ =	swait.ge [sflag:s25], $0x4000  }
0x322: {  	[sflag:s25] =	ssyncset.done $0x0  }
0x323: {  	[sflag:s25] =	ssyncadd.s32 $0xFFFFC000  }
0x324: {  	_ =	swait.ge [sflag:s25], $0x800  }
0x325: {  	[sflag:s25] =	ssyncset.done $0x0  }
0x326: {  	[sflag:s25] =	ssyncadd.s32 $0xFFFFF800  }
0x327: {  	_ =	swait.ge [sflag:s25], $0x800  }
0x328: {  	[sflag:s25] =	ssyncset.done $0x0  }
0x329: {  	[sflag:s25] =	ssyncadd.s32 $0xFFFFF800  }
0x32a: {  	_ =	swait.ge [sflag:s25], $0x800  }
0x32b: {  	[sflag:s25] =	ssyncset.done $0x0  }
0x32c: {  	s16 =	sadd.s32 $0x7, s19;
	[sflag:s25] =	ssyncadd.s32 $0xFFFFF800  }
0x32d: {  	s13 =	smin.u32 s16, s31;
	_ =	swait.ge [sflag:s2], $0x5800  }
0x32e: {  	s13 =	sshll.u32 s13, $0x4;
	[sflag:s2] =	ssyncset.done $0x0  }
0x32f: {  	s19 =	simm.s32 $0x600;
	s17 =	sadd.s32 s5, s13;
	[sflag:s2] =	ssyncadd.s32 $0xFFFFA800  }
0x330: {  	[tilespmem:s19], [sflag:$0x4] =	stream.linear.gather [hbm4b:s17+s4], $0x80, $0x38;
	[tilespmem:$0x17300] =	vst v63  }
0x331: {  	s16 =	simm.s32 $0x680;
	s15 =	sadd.s32 s6, s13  }
0x332: {  	[tilespmem:s16], [sflag:$0x4] =	stream.linear.gather [hbm4b:s15+s4], $0x80, $0x38;
	[tilespmem:$0x17300] =	vst v63  }
0x333: {  	s17 =	sadd.s32 s7, s13;
	s19 =	simm.s32 $0x700  }
0x334: {  	[tilespmem:s19], [sflag:$0x4] =	stream.linear.gather [hbm4b:s17+s4], $0x80, $0x38;
	[tilespmem:$0x17300] =	vst v63  }
0x335: {  	s13 =	sadd.s32 s8, s13;
	s16 =	simm.s32 $0x780  }
0x336: {  	v11 =	vmov s4;
	[tilespmem:s16], [sflag:$0x4] =	stream.linear.gather [hbm4b:s13+s4], $0x80, $0x38;
	[tilespmem:$0x17300] =	vst v63  }
0x337: {  	v11 =	vand.u32 $0x7E, v11;
	s4 =	simm.s32 $0x6080  }
0x338: {  	v13 =	vadd.s32 v0, v11;
	v12 =	vld [tilespmem:s4+$0xFFFFFF80];
	_ =	sdelay $0x4  }
0x339: {  	[tilespmem:v13+s28+$0x0] =	vst.idx.msk $0xffff, v12  }
0x33a: {  	v13 =	vadd.s32 v1, v11;
	v12 =	vld [tilespmem:s4+$0xFFFFFF90];
	_ =	sdelay $0x4  }
0x33b: {  	[tilespmem:v13+s28+$0x0] =	vst.idx.msk $0xffff, v12  }
0x33c: {  	v13 =	vadd.s32 v2, v11;
	v12 =	vld [tilespmem:s4+$0xFFFFFFA0];
	_ =	sdelay $0x4  }
0x33d: {  	[tilespmem:v13+s28+$0x0] =	vst.idx.msk $0xffff, v12  }
0x33e: {  	v13 =	vadd.s32 v3, v11;
	v12 =	vld [tilespmem:s4+$0xFFFFFFB0];
	_ =	sdelay $0x4  }
0x33f: {  	[tilespmem:v13+s28+$0x0] =	vst.idx.msk $0xffff, v12  }
0x340: {  	v13 =	vadd.s32 v4, v11;
	v12 =	vld [tilespmem:s4+$0xFFFFFFC0];
	_ =	sdelay $0x4  }
0x341: {  	[tilespmem:v13+s28+$0x0] =	vst.idx.msk $0xffff, v12  }
0x342: {  	v13 =	vadd.s32 v5, v11;
	v12 =	vld [tilespmem:s4+$0xFFFFFFD0];
	_ =	sdelay $0x4  }
0x343: {  	[tilespmem:v13+s28+$0x0] =	vst.idx.msk $0xffff, v12  }
0x344: {  	v13 =	vadd.s32 v6, v11;
	v12 =	vld [tilespmem:s4+$0xFFFFFFE0];
	_ =	sdelay $0x4  }
0x345: {  	[tilespmem:v13+s28+$0x0] =	vst.idx.msk $0xffff, v12  }
0x346: {  	v13 =	vadd.s32 v7, v11;
	v12 =	vld [tilespmem:s4+$0xFFFFFFF0];
	_ =	sdelay $0x4  }
0x347: {  	s13 =	simm.s32 $0xA010;
	[tilespmem:v13+s28+$0x0] =	vst.idx.msk $0xffff, v12  }
0x348: {  	v13 =	vadd.s32 v8, v11;
	v12 =	vld [tilespmem:s13+$0xFFFFFFF0];
	_ =	sdelay $0x4  }
0x349: {  	s14 =	simm.s32 $0xA810;
	[tilespmem:v13+s28+$0x0] =	vst.idx.msk $0xffff, v12  }
0x34a: {  	v13 =	vadd.s32 v9, v11;
	v12 =	vld [tilespmem:s14+$0xFFFFFFF0];
	_ =	sdelay $0x4  }
0x34b: {  	s19 =	simm.s32 $0xB010;
	[tilespmem:v13+s28+$0x0] =	vst.idx.msk $0xffff, v12  }
0x34c: {  	v11 =	vadd.s32 v10, v11;
	v12 =	vld [tilespmem:s19+$0xFFFFFFF0];
	_ =	sdelay $0x2  }
0x34d: {  	s17 =	simm.s32 $0x1  }
0x34e: {  	v13 =	vmov s17  }
0x34f: {  	[tilespmem:v11+s28+$0x0] =	vst.idx.msk $0xffff, v12;
	v12 =	vand.u32 $0x7F, v13  }
0x350: {  	v11 =	vld [tilespmem:s4+$0x0];
	v13 =	vadd.s32 v0, v12;
	_ =	sdelay $0x4  }
0x351: {  	[tilespmem:v13+s28+$0x0] =	vst.idx.msk $0xffff, v11  }
0x352: {  	v13 =	vadd.s32 v1, v12;
	v11 =	vld [tilespmem:s4+$0x10];
	_ =	sdelay $0x4  }
0x353: {  	[tilespmem:v13+s28+$0x0] =	vst.idx.msk $0xffff, v11  }
0x354: {  	v13 =	vadd.s32 v2, v12;
	v11 =	vld [tilespmem:s4+$0x20];
	_ =	sdelay $0x4  }
0x355: {  	[tilespmem:v13+s28+$0x0] =	vst.idx.msk $0xffff, v11  }
0x356: {  	v13 =	vadd.s32 v3, v12;
	v11 =	vld [tilespmem:s4+$0x30];
	_ =	sdelay $0x4  }
0x357: {  	[tilespmem:v13+s28+$0x0] =	vst.idx.msk $0xffff, v11  }
0x358: {  	v13 =	vadd.s32 v4, v12;
	v11 =	vld [tilespmem:s4+$0x40];
	_ =	sdelay $0x4  }
0x359: {  	[tilespmem:v13+s28+$0x0] =	vst.idx.msk $0xffff, v11  }
0x35a: {  	v13 =	vadd.s32 v5, v12;
	v11 =	vld [tilespmem:s4+$0x50];
	_ =	sdelay $0x4  }
0x35b: {  	[tilespmem:v13+s28+$0x0] =	vst.idx.msk $0xffff, v11  }
0x35c: {  	v13 =	vadd.s32 v6, v12;
	v11 =	vld [tilespmem:s4+$0x60];
	_ =	sdelay $0x4  }
0x35d: {  	[tilespmem:v13+s28+$0x0] =	vst.idx.msk $0xffff, v11  }
0x35e: {  	v13 =	vadd.s32 v7, v12;
	v11 =	vld [tilespmem:s4+$0x70];
	_ =	sdelay $0x4  }
0x35f: {  	[tilespmem:v13+s28+$0x0] =	vst.idx.msk $0xffff, v11  }
0x360: {  	v13 =	vadd.s32 v8, v12;
	v11 =	vld [tilespmem:s13+$0x0];
	_ =	sdelay $0x4  }
0x361: {  	[tilespmem:v13+s28+$0x0] =	vst.idx.msk $0xffff, v11  }
0x362: {  	v13 =	vadd.s32 v9, v12;
	v11 =	vld [tilespmem:s14+$0x0];
	_ =	sdelay $0x4  }
0x363: {  	[tilespmem:v13+s28+$0x0] =	vst.idx.msk $0xffff, v11  }
0x364: {  	v12 =	vadd.s32 v10, v12;
	v11 =	vld [tilespmem:s19+$0x0];
	_ =	sdelay $0x2  }
0x365: {  	s15 =	simm.s32 $0x2  }
0x366: {  	s16 =	simm.s32 $0x4;
	v13 =	vmov s15  }
.LBB2_15:
0x367: {  	p0 =	sne.s32 s16, $0x7E;
	v13 =	vand.u32 $0x7E, v13;
	[tilespmem:v12+s28+$0x0] =	vst.idx.msk $0xffff, v11;
	s4 =	sadd.s32 $0x100, s4  }
0x368: {  	v11 =	vld [tilespmem:s4+$0xFFFFFF80];
	v12 =	vadd.s32 v0, v13;
	_ =	sdelay $0x4  }
0x369: {  	[tilespmem:v12+s28+$0x0] =	vst.idx.msk $0xffff, v11  }
0x36a: {  	v12 =	vadd.s32 v1, v13;
	v11 =	vld [tilespmem:s4+$0xFFFFFF90];
	_ =	sdelay $0x4  }
0x36b: {  	[tilespmem:v12+s28+$0x0] =	vst.idx.msk $0xffff, v11  }
0x36c: {  	v12 =	vadd.s32 v2, v13;
	v11 =	vld [tilespmem:s4+$0xFFFFFFA0];
	_ =	sdelay $0x4  }
0x36d: {  	[tilespmem:v12+s28+$0x0] =	vst.idx.msk $0xffff, v11  }
0x36e: {  	v12 =	vadd.s32 v3, v13;
	v11 =	vld [tilespmem:s4+$0xFFFFFFB0];
	_ =	sdelay $0x4  }
0x36f: {  	[tilespmem:v12+s28+$0x0] =	vst.idx.msk $0xffff, v11  }
0x370: {  	v12 =	vadd.s32 v4, v13;
	v11 =	vld [tilespmem:s4+$0xFFFFFFC0];
	_ =	sdelay $0x4  }
0x371: {  	[tilespmem:v12+s28+$0x0] =	vst.idx.msk $0xffff, v11  }
0x372: {  	v12 =	vadd.s32 v5, v13;
	v11 =	vld [tilespmem:s4+$0xFFFFFFD0];
	_ =	sdelay $0x4  }
0x373: {  	[tilespmem:v12+s28+$0x0] =	vst.idx.msk $0xffff, v11  }
0x374: {  	v12 =	vadd.s32 v6, v13;
	v11 =	vld [tilespmem:s4+$0xFFFFFFE0];
	_ =	sdelay $0x4  }
0x375: {  	[tilespmem:v12+s28+$0x0] =	vst.idx.msk $0xffff, v11  }
0x376: {  	v12 =	vadd.s32 v7, v13;
	v11 =	vld [tilespmem:s4+$0xFFFFFFF0];
	_ =	sdelay $0x4  }
0x377: {  	s13 =	sadd.s32 $0x20, s13;
	[tilespmem:v12+s28+$0x0] =	vst.idx.msk $0xffff, v11  }
0x378: {  	v12 =	vadd.s32 v8, v13;
	v11 =	vld [tilespmem:s13+$0xFFFFFFF0];
	_ =	sdelay $0x4  }
0x379: {  	s14 =	sadd.s32 $0x20, s14;
	[tilespmem:v12+s28+$0x0] =	vst.idx.msk $0xffff, v11  }
0x37a: {  	v12 =	vadd.s32 v9, v13;
	v11 =	vld [tilespmem:s14+$0xFFFFFFF0];
	_ =	sdelay $0x4  }
0x37b: {  	s19 =	sadd.s32 $0x20, s19;
	[tilespmem:v12+s28+$0x0] =	vst.idx.msk $0xffff, v11  }
0x37c: {  	v12 =	vadd.s32 v10, v13;
	v11 =	vld [tilespmem:s19+$0xFFFFFFF0];
	_ =	sdelay $0x2  }
0x37d: {  	s17 =	sadd.s32 $0x1, s15;
	s15 =	smov.u32 s16  }
0x37e: {  	v13 =	vmov s17  }
0x37f: {  	[tilespmem:v12+s28+$0x0] =	vst.idx.msk $0xffff, v11;
	v12 =	vand.u32 $0x7F, v13  }
0x380: {  	v11 =	vld [tilespmem:s4+$0x0];
	v13 =	vadd.s32 v0, v12;
	_ =	sdelay $0x4  }
0x381: {  	[tilespmem:v13+s28+$0x0] =	vst.idx.msk $0xffff, v11  }
0x382: {  	v13 =	vadd.s32 v1, v12;
	v11 =	vld [tilespmem:s4+$0x10];
	_ =	sdelay $0x4  }
0x383: {  	[tilespmem:v13+s28+$0x0] =	vst.idx.msk $0xffff, v11  }
0x384: {  	v13 =	vadd.s32 v2, v12;
	v11 =	vld [tilespmem:s4+$0x20];
	_ =	sdelay $0x4  }
0x385: {  	[tilespmem:v13+s28+$0x0] =	vst.idx.msk $0xffff, v11  }
0x386: {  	v13 =	vadd.s32 v3, v12;
	v11 =	vld [tilespmem:s4+$0x30];
	_ =	sdelay $0x4  }
0x387: {  	[tilespmem:v13+s28+$0x0] =	vst.idx.msk $0xffff, v11  }
0x388: {  	v13 =	vadd.s32 v4, v12;
	v11 =	vld [tilespmem:s4+$0x40];
	_ =	sdelay $0x4  }
0x389: {  	[tilespmem:v13+s28+$0x0] =	vst.idx.msk $0xffff, v11  }
0x38a: {  	v13 =	vadd.s32 v5, v12;
	v11 =	vld [tilespmem:s4+$0x50];
	_ =	sdelay $0x4  }
0x38b: {  	[tilespmem:v13+s28+$0x0] =	vst.idx.msk $0xffff, v11  }
0x38c: {  	v13 =	vadd.s32 v6, v12;
	v11 =	vld [tilespmem:s4+$0x60];
	_ =	sdelay $0x4  }
0x38d: {  	[tilespmem:v13+s28+$0x0] =	vst.idx.msk $0xffff, v11  }
0x38e: {  	v13 =	vadd.s32 v7, v12;
	v11 =	vld [tilespmem:s4+$0x70];
	_ =	sdelay $0x4  }
0x38f: {  	[tilespmem:v13+s28+$0x0] =	vst.idx.msk $0xffff, v11  }
0x390: {  	v13 =	vadd.s32 v8, v12;
	v11 =	vld [tilespmem:s13+$0x0];
	_ =	sdelay $0x4  }
0x391: {  	[tilespmem:v13+s28+$0x0] =	vst.idx.msk $0xffff, v11  }
0x392: {  	v13 =	vadd.s32 v9, v12;
	v11 =	vld [tilespmem:s14+$0x0];
	_ =	sdelay $0x4  }
0x393: {  	[tilespmem:v13+s28+$0x0] =	vst.idx.msk $0xffff, v11  }
.Ltmp6:
0x394: {  	v12 =	vadd.s32 v10, v12;
	v11 =	vld [tilespmem:s19+$0x0];
	(pc) =	sbr.rel @p0 .LBB2_15-.Ltmp6, $2  }
0x395: {  	_ =	sdelay $0x2  }
0x396: {  	s16 =	sadd.s32 $0x2, s16;
	v13 =	vmov s15  }
0x397: {  	_ =	sdelay $0x3  }
0x398: {  	v13 =	vand.u32 $0x7E, v13;
	[tilespmem:v12+s28+$0x0] =	vst.idx.msk $0xffff, v11;
	s4 =	sadd.s32 $0x100, s4  }
0x399: {  	v11 =	vld [tilespmem:s4+$0xFFFFFF80];
	v43 =	vadd.s32 v0, v13;
	_ =	sdelay $0x4  }
0x39a: {  	[tilespmem:v43+s28+$0x0] =	vst.idx.msk $0xffff, v11  }
0x39b: {  	v44 =	vadd.s32 v1, v13;
	v11 =	vld [tilespmem:s4+$0xFFFFFF90];
	_ =	sdelay $0x4  }
0x39c: {  	[tilespmem:v44+s28+$0x0] =	vst.idx.msk $0xffff, v11  }
0x39d: {  	v45 =	vadd.s32 v2, v13;
	v11 =	vld [tilespmem:s4+$0xFFFFFFA0];
	_ =	sdelay $0x4  }
0x39e: {  	[tilespmem:v45+s28+$0x0] =	vst.idx.msk $0xffff, v11  }
0x39f: {  	v46 =	vadd.s32 v3, v13;
	v11 =	vld [tilespmem:s4+$0xFFFFFFB0];
	_ =	sdelay $0x4  }
0x3a0: {  	[tilespmem:v46+s28+$0x0] =	vst.idx.msk $0xffff, v11  }
0x3a1: {  	v47 =	vadd.s32 v4, v13;
	v11 =	vld [tilespmem:s4+$0xFFFFFFC0];
	_ =	sdelay $0x4  }
0x3a2: {  	[tilespmem:v47+s28+$0x0] =	vst.idx.msk $0xffff, v11  }
0x3a3: {  	v48 =	vadd.s32 v5, v13;
	v11 =	vld [tilespmem:s4+$0xFFFFFFD0];
	_ =	sdelay $0x4  }
0x3a4: {  	[tilespmem:v48+s28+$0x0] =	vst.idx.msk $0xffff, v11  }
0x3a5: {  	v49 =	vadd.s32 v6, v13;
	v11 =	vld [tilespmem:s4+$0xFFFFFFE0];
	_ =	sdelay $0x4  }
0x3a6: {  	[tilespmem:v49+s28+$0x0] =	vst.idx.msk $0xffff, v11  }
0x3a7: {  	v50 =	vadd.s32 v7, v13;
	v11 =	vld [tilespmem:s4+$0xFFFFFFF0];
	_ =	sdelay $0x4  }
0x3a8: {  	s13 =	sadd.s32 $0x20, s13;
	[tilespmem:v50+s28+$0x0] =	vst.idx.msk $0xffff, v11  }
0x3a9: {  	v51 =	vadd.s32 v8, v13;
	v11 =	vld [tilespmem:s13+$0xFFFFFFF0];
	_ =	sdelay $0x4  }
0x3aa: {  	s14 =	sadd.s32 $0x20, s14;
	[tilespmem:v51+s28+$0x0] =	vst.idx.msk $0xffff, v11  }
0x3ab: {  	v52 =	vadd.s32 v9, v13;
	v11 =	vld [tilespmem:s14+$0xFFFFFFF0];
	_ =	sdelay $0x4  }
0x3ac: {  	s16 =	sadd.s32 $0x20, s19;
	[tilespmem:v52+s28+$0x0] =	vst.idx.msk $0xffff, v11  }
0x3ad: {  	v53 =	vadd.s32 v10, v13;
	v11 =	vld [tilespmem:s16+$0xFFFFFFF0];
	_ =	sdelay $0x2  }
0x3ae: {  	s15 =	sadd.s32 $0x1, s15  }
0x3af: {  	v54 =	vmov s15  }
0x3b0: {  	[tilespmem:v53+s28+$0x0] =	vst.idx.msk $0xffff, v11;
	v11 =	vand.u32 $0x7F, v54  }
0x3b1: {  	v12 =	vld [tilespmem:s4+$0x0];
	v13 =	vadd.s32 v0, v11;
	_ =	sdelay $0x4  }
0x3b2: {  	[tilespmem:v13+s28+$0x0] =	vst.idx.msk $0xffff, v12  }
0x3b3: {  	v55 =	vadd.s32 v1, v11;
	v12 =	vld [tilespmem:s4+$0x10];
	_ =	sdelay $0x4  }
0x3b4: {  	[tilespmem:v55+s28+$0x0] =	vst.idx.msk $0xffff, v12  }
0x3b5: {  	v56 =	vadd.s32 v2, v11;
	v12 =	vld [tilespmem:s4+$0x20];
	_ =	sdelay $0x4  }
0x3b6: {  	[tilespmem:v56+s28+$0x0] =	vst.idx.msk $0xffff, v12  }
0x3b7: {  	v57 =	vadd.s32 v3, v11;
	v12 =	vld [tilespmem:s4+$0x30];
	_ =	sdelay $0x4  }
0x3b8: {  	[tilespmem:v57+s28+$0x0] =	vst.idx.msk $0xffff, v12  }
0x3b9: {  	v58 =	vadd.s32 v4, v11;
	v12 =	vld [tilespmem:s4+$0x40];
	_ =	sdelay $0x4  }
0x3ba: {  	[tilespmem:v58+s28+$0x0] =	vst.idx.msk $0xffff, v12  }
0x3bb: {  	v59 =	vadd.s32 v5, v11;
	v12 =	vld [tilespmem:s4+$0x50];
	_ =	sdelay $0x4  }
0x3bc: {  	[tilespmem:v59+s28+$0x0] =	vst.idx.msk $0xffff, v12  }
0x3bd: {  	v60 =	vadd.s32 v6, v11;
	v12 =	vld [tilespmem:s4+$0x60];
	_ =	sdelay $0x4  }
0x3be: {  	[tilespmem:v60+s28+$0x0] =	vst.idx.msk $0xffff, v12  }
0x3bf: {  	v61 =	vadd.s32 v7, v11;
	v12 =	vld [tilespmem:s4+$0x70];
	_ =	sdelay $0x4  }
0x3c0: {  	[tilespmem:v61+s28+$0x0] =	vst.idx.msk $0xffff, v12  }
0x3c1: {  	v62 =	vadd.s32 v8, v11;
	v12 =	vld [tilespmem:s13+$0x0];
	_ =	sdelay $0x4  }
0x3c2: {  	[tilespmem:v62+s28+$0x0] =	vst.idx.msk $0xffff, v12  }
0x3c3: {  	v63 =	vadd.s32 v9, v11;
	v12 =	vld [tilespmem:s14+$0x0];
	_ =	sdelay $0x4  }
0x3c4: {  	[tilespmem:v63+s28+$0x0] =	vst.idx.msk $0xffff, v12  }
0x3c5: {  	v11 =	vadd.s32 v10, v11;
	v12 =	vld [tilespmem:s16+$0x0];
	_ =	sdelay $0x4  }
0x3c6: {  	s13 =	sadd.s32 $0x180, s20;
	s20 =	simm.s32 $0x11580;
	[tilespmem:v11+s28+$0x0] =	vst.idx.msk $0xffff, v12  }
0x3c7: {  	[hbm4b:s13+s3] =	stream.linear.scatter [tilespmem:s20], [sflag:$0x8], $0x80, $0x38;
	[tilespmem:$0x17300] =	vst v63  }
0x3c8: {  	s15 =	sadd.s32 $0x10, s13;
	s14 =	simm.s32 $0x11608  }
0x3c9: {  	[hbm4b:s15+s3] =	stream.linear.scatter [tilespmem:s14], [sflag:$0x8], $0x80, $0x38;
	[tilespmem:$0x17300] =	vst v63  }
0x3ca: {  	s19 =	simm.s32 $0x11718;
	s17 =	sadd.s32 $0x20, s13;
	s16 =	simm.s32 $0x11690  }
0x3cb: {  	[hbm4b:s17+s3] =	stream.linear.scatter [tilespmem:s16], [sflag:$0x8], $0x80, $0x38;
	[tilespmem:$0x17300] =	vst v63  }
0x3cc: {  	s4 =	simm.s32 $0x440;
	s20 =	sadd.s32 $0x30, s13;
	s14 =	simm.s32 $0x117A0  }
0x3cd: {  	[hbm4b:s20+s3] =	stream.linear.scatter [tilespmem:s19], [sflag:$0x8], $0x80, $0x38;
	[tilespmem:$0x17300] =	vst v63  }
0x3ce: {  	s15 =	sadd.s32 $0x40, s13;
	s16 =	simm.s32 $0x11828;
	s17 =	sadd.s32 $0x50, s13  }
0x3cf: {  	[hbm4b:s15+s3] =	stream.linear.scatter [tilespmem:s14], [sflag:$0x8], $0x80, $0x38;
	[tilespmem:$0x17300] =	vst v63  }
0x3d0: {  	s19 =	simm.s32 $0x118B0;
	s20 =	sadd.s32 $0x60, s13;
	s14 =	simm.s32 $0x2200  }
0x3d1: {  	[hbm4b:s17+s3] =	stream.linear.scatter [tilespmem:s16], [sflag:$0x8], $0x80, $0x38;
	[tilespmem:$0x17300] =	vst v63  }
0x3d2: {  	s15 =	simm.s32 $0x11938;
	s16 =	sadd.s32 $0x70, s13;
	s13 =	sadd.s32 $0x1000, s13  }
0x3d3: {  	[hbm4b:s20+s3] =	stream.linear.scatter [tilespmem:s19], [sflag:$0x8], $0x80, $0x38;
	[tilespmem:$0x17300] =	vst v63  }
.LBB2_17:
0x3d4: {  	[hbm4b:s16+s3] =	stream.linear.scatter [tilespmem:s15], [sflag:$0x8], $0x80, $0x38;
	[tilespmem:$0x17300] =	vst v63  }
0x3d5: {  	s15 =	smov.u32 s4;
	s4 =	smov.u32 s14  }
0x3d6: {  	s17 =	sadd.s32 $0x1100, s14;
	s4 =	sshra.s32 s4, $0x2;
	s16 =	sadd.s32 $0x11580, s15  }
0x3d7: {  	[hbm4b:s13+s3] =	stream.linear.scatter [tilespmem:s16], [sflag:$0x8], $0x80, $0x38;
	[tilespmem:$0x17300] =	vst v63  }
0x3d8: {  	p0 =	sne.s32 s14, $0x16500;
	s14 =	sadd.s32 $0x11608, s15;
	s16 =	sadd.s32 $0x10, s13  }
0x3d9: {  	[hbm4b:s16+s3] =	stream.linear.scatter [tilespmem:s14], [sflag:$0x8], $0x80, $0x38;
	[tilespmem:$0x17300] =	vst v63  }
0x3da: {  	s14 =	sadd.s32 $0x11690, s15;
	s16 =	sadd.s32 $0x20, s13  }
0x3db: {  	[hbm4b:s16+s3] =	stream.linear.scatter [tilespmem:s14], [sflag:$0x8], $0x80, $0x38;
	[tilespmem:$0x17300] =	vst v63  }
0x3dc: {  	s14 =	sadd.s32 $0x11718, s15;
	s16 =	sadd.s32 $0x30, s13  }
0x3dd: {  	[hbm4b:s16+s3] =	stream.linear.scatter [tilespmem:s14], [sflag:$0x8], $0x80, $0x38;
	[tilespmem:$0x17300] =	vst v63  }
0x3de: {  	s14 =	sadd.s32 $0x117A0, s15;
	s16 =	sadd.s32 $0x40, s13  }
0x3df: {  	[hbm4b:s16+s3] =	stream.linear.scatter [tilespmem:s14], [sflag:$0x8], $0x80, $0x38;
	[tilespmem:$0x17300] =	vst v63  }
.Ltmp7:
0x3e0: {  	s14 =	sadd.s32 $0x11828, s15;
	s16 =	sadd.s32 $0x50, s13;
	(pc) =	sbr.rel @p0 .LBB2_17-.Ltmp7, $4  }
0x3e1: {  	[hbm4b:s16+s3] =	stream.linear.scatter [tilespmem:s14], [sflag:$0x8], $0x80, $0x38;
	[tilespmem:$0x17300] =	vst v63  }
0x3e2: {  	s14 =	sadd.s32 $0x118B0, s15;
	s16 =	sadd.s32 $0x60, s13;
	s15 =	sadd.s32 $0x11938, s15  }
0x3e3: {  	[hbm4b:s16+s3] =	stream.linear.scatter [tilespmem:s14], [sflag:$0x8], $0x80, $0x38;
	[tilespmem:$0x17300] =	vst v63  }
0x3e4: {  	s16 =	sadd.s32 $0x70, s13;
	s13 =	sadd.s32 $0x1000, s13;
	s14 =	smov.u32 s17  }
0x3e5: {  	[hbm4b:s16+s3] =	stream.linear.scatter [tilespmem:s15], [sflag:$0x8], $0x80, $0x38;
	[tilespmem:$0x17300] =	vst v63  }
0x3e6: {  	s14 =	sadd.s32 $0x11580, s4  }
0x3e7: {  	[hbm4b:s13+s3] =	stream.linear.scatter [tilespmem:s14], [sflag:$0x8], $0x80, $0x38;
	[tilespmem:$0x17300] =	vst v63  }
0x3e8: {  	s19 =	sadd.s32 $0x11608, s4;
	s20 =	sadd.s32 $0x10, s13  }
0x3e9: {  	[hbm4b:s20+s3] =	stream.linear.scatter [tilespmem:s19], [sflag:$0x8], $0x80, $0x38;
	[tilespmem:$0x17300] =	vst v63  }
0x3ea: {  	s16 =	sadd.s32 $0x11690, s4;
	s17 =	sadd.s32 $0x20, s13  }
0x3eb: {  	[hbm4b:s17+s3] =	stream.linear.scatter [tilespmem:s16], [sflag:$0x8], $0x80, $0x38;
	[tilespmem:$0x17300] =	vst v63  }
0x3ec: {  	s19 =	sadd.s32 $0x11718, s4;
	s20 =	sadd.s32 $0x30, s13  }
0x3ed: {  	[hbm4b:s20+s3] =	stream.linear.scatter [tilespmem:s19], [sflag:$0x8], $0x80, $0x38;
	[tilespmem:$0x17300] =	vst v63  }
0x3ee: {  	s16 =	sadd.s32 $0x117A0, s4;
	s17 =	sadd.s32 $0x40, s13  }
0x3ef: {  	[hbm4b:s17+s3] =	stream.linear.scatter [tilespmem:s16], [sflag:$0x8], $0x80, $0x38;
	[tilespmem:$0x17300] =	vst v63  }
0x3f0: {  	s19 =	sadd.s32 $0x11828, s4;
	s20 =	sadd.s32 $0x50, s13  }
0x3f1: {  	[hbm4b:s20+s3] =	stream.linear.scatter [tilespmem:s19], [sflag:$0x8], $0x80, $0x38;
	[tilespmem:$0x17300] =	vst v63  }
0x3f2: {  	s15 =	sadd.s32 $0x118B0, s4;
	s16 =	sadd.s32 $0x60, s13  }
0x3f3: {  	[hbm4b:s16+s3] =	stream.linear.scatter [tilespmem:s15], [sflag:$0x8], $0x80, $0x38;
	[tilespmem:$0x17300] =	vst v63  }
0x3f4: {  	s17 =	sadd.s32 $0x11938, s4;
	s19 =	sadd.s32 $0x70, s13  }
0x3f5: {  	[hbm4b:s19+s3] =	stream.linear.scatter [tilespmem:s17], [sflag:$0x8], $0x80, $0x38;
	[tilespmem:$0x17300] =	vst v63  }
0x3f6: {  	_ =	swait.ge [sflag:s12], $0x80  }
0x3f7: {  	[sflag:s12] =	ssyncset.done $0x0  }
0x3f8: {  	[sflag:s12] =	ssyncadd.s32 $0xFFFFFF80  }
0x3f9: {  	_ =	swait.ge [sflag:s12], $0x80  }
0x3fa: {  	[sflag:s12] =	ssyncset.done $0x0  }
0x3fb: {  	[sflag:s12] =	ssyncadd.s32 $0xFFFFFF80  }
0x3fc: {  	_ =	swait.ge [sflag:s12], $0x80  }
0x3fd: {  	[sflag:s12] =	ssyncset.done $0x0  }
0x3fe: {  	[sflag:s12] =	ssyncadd.s32 $0xFFFFFF80  }
0x3ff: {  	_ =	swait.ge [sflag:s12], $0x80  }
0x400: {  	s18 =	sadd.s32 $0x1, s18;
	[sflag:s12] =	ssyncset.done $0x0  }
0x401: {  	s20 =	simm.s32 $0x6000;
	s17 =	simm.s32 $0x200;
	[sflag:s12] =	ssyncadd.s32 $0xFFFFFF80  }
0x402: {  	[tilespmem:s20], [sflag:$0x6] =	stream.indirect.gather [hbm4b:s1+s0], $0x80, s17, s0, $0xb8;
	[tilespmem:$0x17300] =	vst v63  }
0x403: {  	p0 =	sne.s32 s18, $0x32;
	s14 =	simm.s32 $0xA000;
	s13 =	simm.s32 $0x280  }
0x404: {  	[tilespmem:s14], [sflag:$0x6] =	stream.indirect.gather [hbm4b:s9+s0], $0x10, s13, s0, $0xb8;
	[tilespmem:$0x17300] =	vst v63  }
.Ltmp8:
0x405: {  	_ = 	snop;
	(pc) =	sbr.rel @p0 .LBB2_2-.Ltmp8, $4  }
0x406: {  	s15 =	simm.s32 $0x300;
	s16 =	simm.s32 $0xA800  }
0x407: {  	[tilespmem:s16], [sflag:$0x6] =	stream.indirect.gather [hbm4b:s10+s0], $0x10, s15, s0, $0xb8;
	[tilespmem:$0x17300] =	vst v63  }
0x408: {  	s19 =	simm.s32 $0x380;
	s20 =	simm.s32 $0xB000  }
0x409: {  	[tilespmem:s20], [sflag:$0x6] =	stream.indirect.gather [hbm4b:s11+s0], $0x10, s19, s0, $0xb8;
	[tilespmem:$0x17300] =	vst v63  }
0x40a: {  	_ =	swait.ge [sflag:s24], $0x80  }
0x40b: {  	[sflag:s24] =	ssyncset.done $0x0  }
0x40c: {  	[sflag:s24] =	ssyncadd.s32 $0xFFFFFF80  }
0x40d: {  	_ =	swait.ge [sflag:s24], $0x80  }
0x40e: {  	[sflag:s24] =	ssyncset.done $0x0  }
0x40f: {  	[sflag:s24] =	ssyncadd.s32 $0xFFFFFF80  }
0x410: {  	_ =	swait.ge [sflag:s24], $0x80  }
0x411: {  	[sflag:s24] =	ssyncset.done $0x0  }
0x412: {  	[sflag:s24] =	ssyncadd.s32 $0xFFFFFF80  }
0x413: {  	_ =	swait.ge [sflag:s24], $0x80  }
0x414: {  	[sflag:s24] =	ssyncset.done $0x0  }
0x415: {  	[sflag:s24] =	ssyncadd.s32 $0xFFFFFF80  }
0x416: {  	_ =	swait.ge [sflag:s22], $0x4000  }
0x417: {  	[sflag:s22] =	ssyncset.done $0x0  }
0x418: {  	[sflag:s22] =	ssyncadd.s32 $0xFFFFC000  }
0x419: {  	_ =	swait.ge [sflag:s22], $0x800  }
0x41a: {  	[sflag:s22] =	ssyncset.done $0x0  }
0x41b: {  	[sflag:s22] =	ssyncadd.s32 $0xFFFFF800  }
0x41c: {  	_ =	swait.ge [sflag:s22], $0x800  }
0x41d: {  	[sflag:s22] =	ssyncset.done $0x0  }
0x41e: {  	[sflag:s22] =	ssyncadd.s32 $0xFFFFF800  }
0x41f: {  	_ =	swait.ge [sflag:s22], $0x800  }
0x420: {  	[sflag:s22] =	ssyncset.done $0x0  }
0x421: {  	[sflag:s22] =	ssyncadd.s32 $0xFFFFF800  }
0x422: {  	_ =	swait.ge [sflag:s30], $0x5800  }
0x423: {  	[sflag:s30] =	ssyncset.done $0x0  }
0x424: {  	[sflag:s30] =	ssyncadd.s32 $0xFFFFA800  }
0x425: {  	_ =	swait.ge [sflag:s29], $0x80  }
0x426: {  	[sflag:s29] =	ssyncset.done $0x0  }
0x427: {  	[sflag:s29] =	ssyncadd.s32 $0xFFFFFF80  }
0x428: {  	_ =	swait.ge [sflag:s29], $0x80  }
0x429: {  	[sflag:s29] =	ssyncset.done $0x0  }
0x42a: {  	[sflag:s29] =	ssyncadd.s32 $0xFFFFFF80  }
0x42b: {  	_ =	swait.ge [sflag:s29], $0x80  }
0x42c: {  	[sflag:s29] =	ssyncset.done $0x0  }
0x42d: {  	[sflag:s29] =	ssyncadd.s32 $0xFFFFFF80  }
0x42e: {  	_ =	swait.ge [sflag:s29], $0x80  }
0x42f: {  	[sflag:s29] =	ssyncset.done $0x0  }
0x430: {  	[sflag:s29] =	ssyncadd.s32 $0xFFFFFF80  }
0x431: {  	_ =	swait.ge [sflag:s25], $0x4000  }
0x432: {  	[sflag:s25] =	ssyncset.done $0x0  }
0x433: {  	[sflag:s25] =	ssyncadd.s32 $0xFFFFC000  }
0x434: {  	_ =	swait.ge [sflag:s25], $0x800  }
0x435: {  	[sflag:s25] =	ssyncset.done $0x0  }
0x436: {  	[sflag:s25] =	ssyncadd.s32 $0xFFFFF800  }
0x437: {  	_ =	swait.ge [sflag:s25], $0x800  }
0x438: {  	[sflag:s25] =	ssyncset.done $0x0  }
0x439: {  	[sflag:s25] =	ssyncadd.s32 $0xFFFFF800  }
0x43a: {  	_ =	swait.ge [sflag:s25], $0x800  }
0x43b: {  	[sflag:s25] =	ssyncset.done $0x0  }
0x43c: {  	[sflag:s25] =	ssyncadd.s32 $0xFFFFF800  }
0x43d: {  	_ =	swait.ge [sflag:s2], $0x5800  }
0x43e: {  	s13 =	rddreg [dreg:$0x16]  }
0x43f: {  	s4 =	rddreg [dreg:$0x15];
	s13 =	sadd.s32 $0x1, s13  }
0x440: {  	p0 =	sne.s32 s13, s4  }
.Ltmp9:
0x441: {  	_ = 	snop;
	(pc) =	sbr.rel @p0 .LBB2_1-.Ltmp9, $3  }
0x442: {  	_ =	sdelay $0x1  }
0x443: {  	[sflag:s2] =	ssyncset.done $0x0  }
0x444: {  	[sflag:s2] =	ssyncadd.s32 $0xFFFFA800  }
0x445: {  	_ =	sfence.sel $0x180000  }
0x446: {  	[bflag:$0x0] =	sbarrier.arrive $0xFFFF  }
0x447: {  	_ =	strace $0x90000047  }
0x448: {  	s0 =	stileid.u32;
	[bflag:$0x2] =	sbarrier.arrive $0xFFFF  }
0x449: {  	p0 =	sne.s32 s0, $0x0;
	s0 =	rddreg [dreg:$0x3]  }
0x44a: {  	s0 =	sadd.s32 @!p0 $0x100000, s0  }
0x44b: {  	[sflag:s0] =	ssyncadd.tile.s32 @!p0 $0x1;
	_ =	shalt  }
.Lfunc_end2:
_tile_overlayer_lowered:
.L_overlay_start_2:
0x44c: {  	(tag) =	ssettag $0x2  }
0x44d: {  	s0 =	rddreg [dreg:$0x0];
	s2 =	stileid.u32  }
0x44e: {  	s1 =	rddreg [dreg:$0x1];
	p0 =	sne.s32 s2, $0x0  }
0x44f: {  	s3 =	rddreg [dreg:$0x2];
	[bflag:$0x3] =	sbarrier.arrive $0xFFFF;
	s2 =	simm.s32 @!p0 $0x1C09  }
0x450: {  	[timem:s3], [sflag:s2] =	dma.local @!p0 [hbm:s0], s1  }
0x451: {  	s0 =	simm.s32 @!p0 $0x9  }
0x452: {  	_ =	swait.ge @!p0 [sflag:s0], s1  }
0x453: {  	s1 =	ssub.s32 @!p0 $0x0, s1;
	[sflag:s0] =	ssyncset.done @!p0 $0x0  }
0x454: {  	[sflag:s0] =	ssyncadd.s32 @!p0 s1  }
0x455: {  	[bflag:$0x3] =	sbarrier.arrive $0xFFFF  }
0x456: {  	_ =	shalt  }

</sc_bundles>
